<compile_context>
chip_gen: v7x
topology: tpu7x:2x2x1
jax: 0.10.2.dev20260603
libtpu: 0.0.44.dev20260713+nightly
codegen_flags: <defaults>
</compile_context>

<pallas_src>
import functools

import jax
import jax.numpy as jnp
from jax import lax
from jax.experimental import pallas as pl
from jax.experimental.pallas import tpu as pltpu
from jax.experimental.pallas import tpu_sc as plsc

N = 10000
E = 320000
D_IN = 128
D_H = 16
D_OUT = 64

NC = 2
NS = 16
NW = NC * NS
EPT = E // NW
CB = 80
NCHUNK = EPT // CB
NBUF = 5
NGRP = NCHUNK // NBUF
ACC_N = 10240
RPS = ACC_N // NS
LASTR = N - (NS - 1) * RPS
ZR = 128

_MESH = plsc.VectorSubcoreMesh(
    core_axis_name="c", subcore_axis_name="s", num_cores=NC, num_subcores=NS)


def _make_deg():
  scratch = [
      pltpu.VMEM((NCHUNK, CB), jnp.int32),
      pltpu.VMEM((ZR, D_H), jnp.float32),
      pltpu.VMEM((CB, D_H), jnp.float32),
      pltpu.VMEM_SHARED((ACC_N, D_H), jnp.float32),
  ]

  @functools.partial(
      pl.kernel,
      out_type=jax.ShapeDtypeStruct((NC, N, D_H), jnp.float32),
      mesh=_MESH,
      scratch_types=scratch,
      compiler_params=pltpu.CompilerParams(use_tc_tiling_on_sc=False),
  )
  def deg_kernel(ei_hbm, out_hbm, dst_v, zbuf, obuf, acc):
    c = lax.axis_index("c")
    s = lax.axis_index("s")
    wid = c * NS + s
    pltpu.sync_copy(ei_hbm.at[1, wid], dst_v)

    def fill_z(r, _):
      zbuf[r, :] = jnp.zeros((D_H,), jnp.float32)
      return 0
    lax.fori_loop(0, ZR, fill_z, 0)

    def fill_o(r, _):
      obuf[r, :] = jnp.ones((D_H,), jnp.float32)
      return 0
    lax.fori_loop(0, CB, fill_o, 0)

    for k in range(RPS // ZR):
      pltpu.sync_copy(zbuf, acc.at[pl.ds(s * RPS + k * ZR, ZR)])
    plsc.subcore_barrier()

    def chunk(i, _):
      pltpu.sync_copy(obuf, acc.at[dst_v.at[i]], add=True)
      return 0
    lax.fori_loop(0, NCHUNK, chunk, 0)

    plsc.subcore_barrier()
    _drain(acc, out_hbm, c, s)

  return deg_kernel


def _drain(acc, out_hbm, c, s):
  @pl.when(s < NS - 1)
  def _():
    pltpu.sync_copy(acc.at[pl.ds(s * RPS, RPS)],
                    out_hbm.at[c, pl.ds(s * RPS, RPS)])

  @pl.when(s == NS - 1)
  def _():
    pltpu.sync_copy(acc.at[pl.ds((NS - 1) * RPS, LASTR)],
                    out_hbm.at[c, pl.ds((NS - 1) * RPS, LASTR)])


def _make_agg(d, stage_y):
  scratch = [
      pltpu.VMEM((NCHUNK, CB), jnp.int32),
      pltpu.VMEM((NCHUNK, CB), jnp.int32),
      [pltpu.VMEM((CB, d), jnp.float32) for _ in range(NBUF)],
      pltpu.VMEM((ZR, d), jnp.float32),
      pltpu.VMEM_SHARED((ACC_N, d), jnp.float32),
      pltpu.VMEM_SHARED((N if stage_y else 8, d), jnp.float32),
      [pltpu.SemaphoreType.DMA for _ in range(NBUF)],
  ]

  @functools.partial(
      pl.kernel,
      out_type=jax.ShapeDtypeStruct((NC, N, d), jnp.float32),
      mesh=_MESH,
      scratch_types=scratch,
      compiler_params=pltpu.CompilerParams(use_tc_tiling_on_sc=False),
  )
  def agg_kernel(y_hbm, ei_hbm, out_hbm, src_v, dst_v, bufs, zbuf, acc,
                 y_sh, gsems):
    c = lax.axis_index("c")
    s = lax.axis_index("s")
    wid = c * NS + s
    pltpu.sync_copy(ei_hbm.at[0, wid], src_v)
    pltpu.sync_copy(ei_hbm.at[1, wid], dst_v)

    if stage_y:
      @pl.when(s < NS - 1)
      def _():
        pltpu.sync_copy(y_hbm.at[pl.ds(s * RPS, RPS)],
                        y_sh.at[pl.ds(s * RPS, RPS)])

      @pl.when(s == NS - 1)
      def _():
        pltpu.sync_copy(y_hbm.at[pl.ds((NS - 1) * RPS, LASTR)],
                        y_sh.at[pl.ds((NS - 1) * RPS, LASTR)])

    def fill_z(r, _):
      for j in range(d // 16):
        zbuf[r, pl.ds(j * 16, 16)] = jnp.zeros((16,), jnp.float32)
      return 0
    lax.fori_loop(0, ZR, fill_z, 0)

    for k in range(RPS // ZR):
      pltpu.sync_copy(zbuf, acc.at[pl.ds(s * RPS + k * ZR, ZR)])
    plsc.subcore_barrier()

    y_src = y_sh if stage_y else y_hbm

    def gather(i, b, gs):
      pltpu.async_copy(y_src.at[src_v.at[i]], b, gs)

    def wait_gather(i, b, gs):
      pltpu.make_async_copy(y_src.at[src_v.at[i]], b, gs).wait()

    def sync_scatter(i, b):
      pltpu.sync_copy(b, acc.at[dst_v.at[i]], add=True)

    for b in range(NBUF):
      gather(b, bufs[b], gsems[b])

    def group(j, _):
      g = j * NBUF
      for b in range(NBUF):
        wait_gather(g + b, bufs[b], gsems[b])
        sync_scatter(g + b, bufs[b])
        gather(g + NBUF + b, bufs[b], gsems[b])
      return 0
    lax.fori_loop(0, NGRP - 1, group, 0)

    last = (NGRP - 1) * NBUF
    for b in range(NBUF):
      wait_gather(last + b, bufs[b], gsems[b])
      sync_scatter(last + b, bufs[b])

    plsc.subcore_barrier()
    _drain(acc, out_hbm, c, s)

  return agg_kernel


_deg_call = _make_deg()
_agg16_call = _make_agg(D_H, stage_y=True)
_agg64_call = _make_agg(D_OUT, stage_y=False)


BN = 2000
BP16 = BN * D_H // 128




def _layer1_body(x_ref, w1b_ref, dg_ref, y1_ref, dinv_ref):
  deg = dg_ref[0, 0] + dg_ref[1, 0] + 1.0
  dinv = lax.rsqrt(deg)
  xw = jnp.dot(x_ref[0], w1b_ref[...], preferred_element_type=jnp.float32)
  y1_ref[0] = xw * dinv
  dinv_ref[0] = dinv


def _layer1_call(x_r8, w1b, degp_p):
  return pl.pallas_call(
      _layer1_body,
      grid=(N // BN,),
      in_specs=[
          pl.BlockSpec((1, BP16, 8 * D_IN), lambda i: (i, 0, 0)),
          pl.BlockSpec((8 * D_IN, 128), lambda i: (0, 0)),
          pl.BlockSpec((NC, 1, BP16, 128), lambda i: (0, i, 0, 0)),
      ],
      out_specs=[
          pl.BlockSpec((1, BP16, 128), lambda i: (i, 0, 0)),
          pl.BlockSpec((1, BP16, 128), lambda i: (i, 0, 0)),
      ],
      out_shape=[
          jax.ShapeDtypeStruct((N // BN, BP16, 128), jnp.float32),
          jax.ShapeDtypeStruct((N // BN, BP16, 128), jnp.float32),
      ],
  )(x_r8, w1b, degp_p)


def _layer2_body(ag_ref, y1_ref, dinv_ref, b1_ref, w2b_ref, es_ref, y2_ref):
  t = ag_ref[0, 0] + ag_ref[1, 0] + y1_ref[0]
  h = jnp.maximum(dinv_ref[0] * t + b1_ref[...], 0.0)
  hw = jnp.dot(h, w2b_ref[...], preferred_element_type=jnp.float32)
  dinv64 = jnp.dot(dinv_ref[0], es_ref[...],
                   preferred_element_type=jnp.float32)
  y2_ref[0] = hw * dinv64


def _layer2_call(agg1_p, y1p, dinvp, b1t, w2b, es):
  return pl.pallas_call(
      _layer2_body,
      grid=(N // BN,),
      in_specs=[
          pl.BlockSpec((NC, 1, BP16, 128), lambda i: (0, i, 0, 0)),
          pl.BlockSpec((1, BP16, 128), lambda i: (i, 0, 0)),
          pl.BlockSpec((1, BP16, 128), lambda i: (i, 0, 0)),
          pl.BlockSpec((1, 128), lambda i: (0, 0)),
          pl.BlockSpec((128, 8 * D_OUT), lambda i: (0, 0)),
          pl.BlockSpec((128, 8 * D_OUT), lambda i: (0, 0)),
      ],
      out_specs=pl.BlockSpec((1, BP16, 8 * D_OUT), lambda i: (i, 0, 0)),
      out_shape=jax.ShapeDtypeStruct((N // BN, BP16, 8 * D_OUT), jnp.float32),
  )(agg1_p, y1p, dinvp, b1t, w2b, es)


def _out_body(ag_ref, y2_ref, dinv_ref, es_ref, b2_ref, ms_ref, o_ref):
  dinv64 = jnp.dot(dinv_ref[0], es_ref[...],
                   preferred_element_type=jnp.float32)
  o = dinv64 * (ag_ref[0, 0] + ag_ref[1, 0] + y2_ref[0]) + b2_ref[...]
  m = jnp.max(o, axis=1, keepdims=True)
  s = jnp.dot(jnp.exp(o - m), ms_ref[...], preferred_element_type=jnp.float32)
  o_ref[0] = o - (jnp.log(s) + m)


def _out_call(agg2_v, y2p, dinvp, es, b2t, ms):
  return pl.pallas_call(
      _out_body,
      grid=(N // BN,),
      in_specs=[
          pl.BlockSpec((NC, 1, BP16, 8 * D_OUT), lambda i: (0, i, 0, 0)),
          pl.BlockSpec((1, BP16, 8 * D_OUT), lambda i: (i, 0, 0)),
          pl.BlockSpec((1, BP16, 128), lambda i: (i, 0, 0)),
          pl.BlockSpec((128, 8 * D_OUT), lambda i: (0, 0)),
          pl.BlockSpec((1, 8 * D_OUT), lambda i: (0, 0)),
          pl.BlockSpec((8 * D_OUT, 8 * D_OUT), lambda i: (0, 0)),
      ],
      out_specs=pl.BlockSpec((1, BP16, 8 * D_OUT), lambda i: (i, 0, 0)),
      out_shape=jax.ShapeDtypeStruct((N // BN, BP16, 8 * D_OUT), jnp.float32),
  )(agg2_v, y2p, dinvp, es, b2t, ms)


def kernel(x, edge_index, W1, b1, W2, b2):
  f32 = jnp.float32
  eye8 = jnp.eye(8, dtype=f32)
  ei = edge_index.astype(jnp.int32).reshape(2, NW, NCHUNK, CB)

  nb = N // BN
  degp = _deg_call(ei)
  degp_p = degp.reshape(NC, nb, BP16, 128)

  x_r8 = x.reshape(nb, BP16, 8 * D_IN)
  w1b = jnp.kron(eye8, W1)
  y1p, dinvp = _layer1_call(x_r8, w1b, degp_p)

  sel = (jnp.arange(D_H) == 0).astype(f32)[:, None] * jnp.ones((1, D_OUT), f32)
  es = jnp.kron(eye8, sel)

  agg1 = _agg16_call(y1p.reshape(N, D_H), ei)
  w2b = jnp.kron(eye8, W2)
  b1t = jnp.tile(b1, 8).reshape(1, 128)
  y2p = _layer2_call(agg1.reshape(NC, nb, BP16, 128), y1p, dinvp, b1t, w2b,
                     es)

  agg2 = _agg64_call(y2p.reshape(N, D_OUT), ei)
  ms = jnp.kron(eye8, jnp.ones((D_OUT, D_OUT), f32))
  b2t = jnp.tile(b2, 8).reshape(1, 8 * D_OUT)
  outp = _out_call(agg2.reshape(NC, nb, BP16, 8 * D_OUT), y2p, dinvp, es,
                   b2t, ms)
  return outp.reshape(N, D_OUT)

# --- scband reference (transcript-rebuilt; emitter-appended) ---
"""Pipeline reference for scband-gnnmodel-68779606278426 (READ-ONLY COPY).

The authoritative reference and input builder live on the scoring server;
editing this copy changes nothing except your own understanding.
"""

import jax, jax.numpy as jnp
import numpy as np

N = 10000
E = 320000
D_IN = 128
D_H = 16
D_OUT = 64

def setup_inputs(seed: int = 0) -> dict:
    key = jax.random.key(seed)
    k1, k2, k3, k4 = jax.random.split(key, 4)
    x = jax.random.normal(k1, (N, D_IN), dtype=jnp.float32)
    edge_index = jax.random.randint(k2, (2, E), 0, N)
    W1 = jax.random.normal(k3, (D_IN, D_H), dtype=jnp.float32) * (1.0 / np.sqrt(D_IN))
    b1 = jnp.zeros((D_H,), dtype=jnp.float32)
    W2 = jax.random.normal(k4, (D_H, D_OUT), dtype=jnp.float32) * (1.0 / np.sqrt(D_H))
    b2 = jnp.zeros((D_OUT,), dtype=jnp.float32)
    return {"x": x, "edge_index": edge_index, "W1": W1, "b1": b1, "W2": W2, "b2": b2}

def _gcn_conv(x, src, dst, W, b):
    # GCNConv: D^{-1/2} (A + I) D^{-1/2} X W + b
    xw = x @ W
    loop = jnp.arange(N)
    s = jnp.concatenate([src, loop])
    d = jnp.concatenate([dst, loop])
    deg = jnp.zeros((N,), dtype=x.dtype).at[d].add(1.0)
    dinv = deg ** -0.5
    norm = dinv[s] * dinv[d]
    msg = xw[s] * norm[:, None]
    out = jax.ops.segment_sum(msg, d, num_segments=N)
    return out + b

def reference(x, edge_index, W1, b1, W2, b2):
    src = edge_index[0]
    dst = edge_index[1]
    h = _gcn_conv(x, src, dst, W1, b1)
    h = jax.nn.relu(h)
    # dropout omitted (eval mode / deterministic reference)
    o = _gcn_conv(h, src, dst, W2, b2)
    return jax.nn.log_softmax(o, axis=1)

if __name__ == "__main__":
    import jax
    _d = setup_inputs()
    print(jax.jit(kernel)(*tuple(_d.values())))

</pallas_src>

<mosaic_0001>
#map = affine_map<(d0, d1) -> (0, 0, 0, 0)>
#map1 = affine_map<(d0, d1) -> (0, 0, 0)>
module attributes {stable_mosaic.version = 14 : i64} {
  func.func @deg_kernel(%arg0: i32, %arg1: i32, %arg2: memref<2x32x125x80xi32, #tpu.memory_space<hbm>>, %arg3: memref<2x10000x16xf32, #tpu.memory_space<hbm>>, %arg4: memref<125x80xi32, #tpu.memory_space<vmem>>, %arg5: memref<128x16xf32, #tpu.memory_space<vmem>>, %arg6: memref<80x16xf32, #tpu.memory_space<vmem>>, %arg7: memref<10240x16xf32, #tpu.memory_space<vmem_shared>>) attributes {dimension_semantics = [#tpu.dimension_semantics<core_parallel>, #tpu.dimension_semantics<subcore_parallel>], iteration_bounds = array<i64: 2, 16>, scalar_prefetch = 0 : i64, scratch_operands = 4 : i64, tpu.core_type = #tpu.core_type<sc_vector_subcore>, window_params = [{transform_indices = #map}, {transform_indices = #map1}]} {
    %mul3A = arith.constant 16 : i32
    %mul3A_0 = arith.muli %arg0, %mul3A : i32
    %add3A = arith.addi %mul3A_0, %arg1 : i32
    %run_scoped3A = arith.constant 1 : i32
    "tpu.region"() ({
      %run_scoped3A_48 = tpu.sem_alloc : memref<!tpu.dma_semaphore, #tpu.memory_space<semaphore_mem>>
      %dma_start3A = arith.constant 0 : i32
      %dma_start3A_49 = arith.constant 0 : i32
      %dma_start3A_50 = tpu.memref_slice %arg2[%run_scoped3A, %add3A, %dma_start3A, %dma_start3A_49] : memref<2x32x125x80xi32, #tpu.memory_space<hbm>> -> memref<1x1x125x80xi32, #tpu.memory_space<hbm>>
      %dma_start3A_51 = tpu.memref_squeeze %dma_start3A_50 : memref<1x1x125x80xi32, #tpu.memory_space<hbm>> -> memref<125x80xi32, #tpu.memory_space<hbm>>
      %dma_start3A_52 = arith.constant 0 : i32
      %dma_start3A_53 = arith.constant 0 : i32
      %dma_start3A_54 = tpu.memref_slice %arg2[%run_scoped3A, %add3A, %dma_start3A_52, %dma_start3A_53] : memref<2x32x125x80xi32, #tpu.memory_space<hbm>> -> memref<1x1x125x80xi32, #tpu.memory_space<hbm>>
      %dma_start3A_55 = tpu.memref_squeeze %dma_start3A_54 : memref<1x1x125x80xi32, #tpu.memory_space<hbm>> -> memref<125x80xi32, #tpu.memory_space<hbm>>
      tpu.enqueue_dma source(%dma_start3A_55 : memref<125x80xi32, #tpu.memory_space<hbm>>) target(%arg4 : memref<125x80xi32, #tpu.memory_space<vmem>>) target_semaphore(%run_scoped3A_48 : memref<!tpu.dma_semaphore, #tpu.memory_space<semaphore_mem>>)
      %dma_wait3A = arith.constant 0 : i32
      %dma_wait3A_56 = arith.constant 0 : i32
      %dma_wait3A_57 = tpu.memref_slice %arg2[%run_scoped3A, %add3A, %dma_wait3A, %dma_wait3A_56] : memref<2x32x125x80xi32, #tpu.memory_space<hbm>> -> memref<1x1x125x80xi32, #tpu.memory_space<hbm>>
      %dma_wait3A_58 = tpu.memref_squeeze %dma_wait3A_57 : memref<1x1x125x80xi32, #tpu.memory_space<hbm>> -> memref<125x80xi32, #tpu.memory_space<hbm>>
      %dma_wait3A_59 = arith.constant 0 : i32
      %dma_wait3A_60 = arith.constant 0 : i32
      %dma_wait3A_61 = tpu.memref_slice %arg2[%run_scoped3A, %add3A, %dma_wait3A_59, %dma_wait3A_60] : memref<2x32x125x80xi32, #tpu.memory_space<hbm>> -> memref<1x1x125x80xi32, #tpu.memory_space<hbm>>
      %dma_wait3A_62 = tpu.memref_squeeze %dma_wait3A_61 : memref<1x1x125x80xi32, #tpu.memory_space<hbm>> -> memref<125x80xi32, #tpu.memory_space<hbm>>
      tpu.wait_dma2 semaphore(%run_scoped3A_48 : memref<!tpu.dma_semaphore, #tpu.memory_space<semaphore_mem>>) src(%dma_wait3A_62 : memref<125x80xi32, #tpu.memory_space<hbm>>) dst(%arg4 : memref<125x80xi32, #tpu.memory_space<vmem>>)
      tpu.yield
    }) : () -> ()
    %scan3A = arith.constant 0 : i32
    %scan3A_1 = arith.constant 0 : i32
    %scan3A_2 = arith.constant 128 : i32
    %scan3A_3 = arith.addi %scan3A_1, %scan3A_2 : i32
    %scan3A_4 = arith.constant 1 : i32
    %scan3A_5 = scf.for %scan3A_48 = %scan3A_1 to %scan3A_3 step %scan3A_4 iter_args(%scan3A_49 = %scan3A) -> (i32)  : i32 {
      %broadcast_in_dim3A = arith.constant 0.000000e+00 : f32
      %broadcast_in_dim3A_50 = vector.broadcast %broadcast_in_dim3A : f32 to vector<16xf32>
      %swap3A = arith.index_cast %scan3A_48 : i32 to index
      %swap3A_51 = arith.constant 0 : index
      %swap3A_52 = tpu.vector_load %arg5[%swap3A, %swap3A_51] {strides = array<i32>} : memref<128x16xf32, #tpu.memory_space<vmem>>, vector<1x16xf32>,
      %swap3A_53 = vector.shape_cast %swap3A_52 : vector<1x16xf32> to vector<16xf32>
      %swap3A_54 = vector.shape_cast %broadcast_in_dim3A_50 : vector<16xf32> to vector<1x16xf32>
      tpu.vector_store %arg5[%swap3A, %swap3A_51], %swap3A_54 {strides = array<i32>} : memref<128x16xf32, #tpu.memory_space<vmem>>, vector<1x16xf32>,
      %scan3A_55 = arith.constant 0 : i32
      scf.yield %scan3A_55 : i32
    }
    %scan3A_6 = arith.constant 128 : i32
    %scan3A_7 = arith.constant 0 : i32
    %scan3A_8 = arith.constant 0 : i32
    %scan3A_9 = arith.constant 80 : i32
    %scan3A_10 = arith.addi %scan3A_8, %scan3A_9 : i32
    %scan3A_11 = arith.constant 1 : i32
    %scan3A_12 = scf.for %scan3A_48 = %scan3A_8 to %scan3A_10 step %scan3A_11 iter_args(%scan3A_49 = %scan3A_7) -> (i32)  : i32 {
      %broadcast_in_dim3A = arith.constant 1.000000e+00 : f32
      %broadcast_in_dim3A_50 = vector.broadcast %broadcast_in_dim3A : f32 to vector<16xf32>
      %swap3A = arith.index_cast %scan3A_48 : i32 to index
      %swap3A_51 = arith.constant 0 : index
      %swap3A_52 = tpu.vector_load %arg6[%swap3A, %swap3A_51] {strides = array<i32>} : memref<80x16xf32, #tpu.memory_space<vmem>>, vector<1x16xf32>,
      %swap3A_53 = vector.shape_cast %swap3A_52 : vector<1x16xf32> to vector<16xf32>
      %swap3A_54 = vector.shape_cast %broadcast_in_dim3A_50 : vector<16xf32> to vector<1x16xf32>
      tpu.vector_store %arg6[%swap3A, %swap3A_51], %swap3A_54 {strides = array<i32>} : memref<80x16xf32, #tpu.memory_space<vmem>>, vector<1x16xf32>,
      %scan3A_55 = arith.constant 0 : i32
      scf.yield %scan3A_55 : i32
    }
    %scan3A_13 = arith.constant 80 : i32
    %mul3A_14 = arith.constant 640 : i32
    %mul3A_15 = arith.muli %arg1, %mul3A_14 : i32
    %add3A_16 = arith.constant 0 : i32
    %add3A_17 = arith.addi %mul3A_15, %add3A_16 : i32
    "tpu.region"() ({
      %run_scoped3A_48 = tpu.sem_alloc : memref<!tpu.dma_semaphore, #tpu.memory_space<semaphore_mem>>
      %dma_start3A = arith.constant 0 : i32
      %dma_start3A_49 = tpu.memref_slice %arg7[%add3A_17, %dma_start3A] : memref<10240x16xf32, #tpu.memory_space<vmem_shared>> -> memref<128x16xf32, #tpu.memory_space<vmem_shared>>
      %dma_start3A_50 = arith.constant 0 : i32
      %dma_start3A_51 = tpu.memref_slice %arg7[%add3A_17, %dma_start3A_50] : memref<10240x16xf32, #tpu.memory_space<vmem_shared>> -> memref<128x16xf32, #tpu.memory_space<vmem_shared>>
      tpu.enqueue_dma source(%arg5 : memref<128x16xf32, #tpu.memory_space<vmem>>) target(%dma_start3A_51 : memref<128x16xf32, #tpu.memory_space<vmem_shared>>) target_semaphore(%run_scoped3A_48 : memref<!tpu.dma_semaphore, #tpu.memory_space<semaphore_mem>>)
      %dma_wait3A = arith.constant 0 : i32
      %dma_wait3A_52 = tpu.memref_slice %arg7[%add3A_17, %dma_wait3A] : memref<10240x16xf32, #tpu.memory_space<vmem_shared>> -> memref<128x16xf32, #tpu.memory_space<vmem_shared>>
      %dma_wait3A_53 = arith.constant 0 : i32
      %dma_wait3A_54 = tpu.memref_slice %arg7[%add3A_17, %dma_wait3A_53] : memref<10240x16xf32, #tpu.memory_space<vmem_shared>> -> memref<128x16xf32, #tpu.memory_space<vmem_shared>>
      tpu.wait_dma2 semaphore(%run_scoped3A_48 : memref<!tpu.dma_semaphore, #tpu.memory_space<semaphore_mem>>) src(%arg5 : memref<128x16xf32, #tpu.memory_space<vmem>>) dst(%dma_wait3A_54 : memref<128x16xf32, #tpu.memory_space<vmem_shared>>)
      tpu.yield
    }) : () -> ()
    %mul3A_18 = arith.constant 640 : i32
    %mul3A_19 = arith.muli %arg1, %mul3A_18 : i32
    %add3A_20 = arith.constant 128 : i32
    %add3A_21 = arith.addi %mul3A_19, %add3A_20 : i32
    "tpu.region"() ({
      %run_scoped3A_48 = tpu.sem_alloc : memref<!tpu.dma_semaphore, #tpu.memory_space<semaphore_mem>>
      %dma_start3A = arith.constant 0 : i32
      %dma_start3A_49 = tpu.memref_slice %arg7[%add3A_21, %dma_start3A] : memref<10240x16xf32, #tpu.memory_space<vmem_shared>> -> memref<128x16xf32, #tpu.memory_space<vmem_shared>>
      %dma_start3A_50 = arith.constant 0 : i32
      %dma_start3A_51 = tpu.memref_slice %arg7[%add3A_21, %dma_start3A_50] : memref<10240x16xf32, #tpu.memory_space<vmem_shared>> -> memref<128x16xf32, #tpu.memory_space<vmem_shared>>
      tpu.enqueue_dma source(%arg5 : memref<128x16xf32, #tpu.memory_space<vmem>>) target(%dma_start3A_51 : memref<128x16xf32, #tpu.memory_space<vmem_shared>>) target_semaphore(%run_scoped3A_48 : memref<!tpu.dma_semaphore, #tpu.memory_space<semaphore_mem>>)
      %dma_wait3A = arith.constant 0 : i32
      %dma_wait3A_52 = tpu.memref_slice %arg7[%add3A_21, %dma_wait3A] : memref<10240x16xf32, #tpu.memory_space<vmem_shared>> -> memref<128x16xf32, #tpu.memory_space<vmem_shared>>
      %dma_wait3A_53 = arith.constant 0 : i32
      %dma_wait3A_54 = tpu.memref_slice %arg7[%add3A_21, %dma_wait3A_53] : memref<10240x16xf32, #tpu.memory_space<vmem_shared>> -> memref<128x16xf32, #tpu.memory_space<vmem_shared>>
      tpu.wait_dma2 semaphore(%run_scoped3A_48 : memref<!tpu.dma_semaphore, #tpu.memory_space<semaphore_mem>>) src(%arg5 : memref<128x16xf32, #tpu.memory_space<vmem>>) dst(%dma_wait3A_54 : memref<128x16xf32, #tpu.memory_space<vmem_shared>>)
      tpu.yield
    }) : () -> ()
    %mul3A_22 = arith.constant 640 : i32
    %mul3A_23 = arith.muli %arg1, %mul3A_22 : i32
    %add3A_24 = arith.constant 256 : i32
    %add3A_25 = arith.addi %mul3A_23, %add3A_24 : i32
    "tpu.region"() ({
      %run_scoped3A_48 = tpu.sem_alloc : memref<!tpu.dma_semaphore, #tpu.memory_space<semaphore_mem>>
      %dma_start3A = arith.constant 0 : i32
      %dma_start3A_49 = tpu.memref_slice %arg7[%add3A_25, %dma_start3A] : memref<10240x16xf32, #tpu.memory_space<vmem_shared>> -> memref<128x16xf32, #tpu.memory_space<vmem_shared>>
      %dma_start3A_50 = arith.constant 0 : i32
      %dma_start3A_51 = tpu.memref_slice %arg7[%add3A_25, %dma_start3A_50] : memref<10240x16xf32, #tpu.memory_space<vmem_shared>> -> memref<128x16xf32, #tpu.memory_space<vmem_shared>>
      tpu.enqueue_dma source(%arg5 : memref<128x16xf32, #tpu.memory_space<vmem>>) target(%dma_start3A_51 : memref<128x16xf32, #tpu.memory_space<vmem_shared>>) target_semaphore(%run_scoped3A_48 : memref<!tpu.dma_semaphore, #tpu.memory_space<semaphore_mem>>)
      %dma_wait3A = arith.constant 0 : i32
      %dma_wait3A_52 = tpu.memref_slice %arg7[%add3A_25, %dma_wait3A] : memref<10240x16xf32, #tpu.memory_space<vmem_shared>> -> memref<128x16xf32, #tpu.memory_space<vmem_shared>>
      %dma_wait3A_53 = arith.constant 0 : i32
      %dma_wait3A_54 = tpu.memref_slice %arg7[%add3A_25, %dma_wait3A_53] : memref<10240x16xf32, #tpu.memory_space<vmem_shared>> -> memref<128x16xf32, #tpu.memory_space<vmem_shared>>
      tpu.wait_dma2 semaphore(%run_scoped3A_48 : memref<!tpu.dma_semaphore, #tpu.memory_space<semaphore_mem>>) src(%arg5 : memref<128x16xf32, #tpu.memory_space<vmem>>) dst(%dma_wait3A_54 : memref<128x16xf32, #tpu.memory_space<vmem_shared>>)
      tpu.yield
    }) : () -> ()
    %mul3A_26 = arith.constant 640 : i32
    %mul3A_27 = arith.muli %arg1, %mul3A_26 : i32
    %add3A_28 = arith.constant 384 : i32
    %add3A_29 = arith.addi %mul3A_27, %add3A_28 : i32
    "tpu.region"() ({
      %run_scoped3A_48 = tpu.sem_alloc : memref<!tpu.dma_semaphore, #tpu.memory_space<semaphore_mem>>
      %dma_start3A = arith.constant 0 : i32
      %dma_start3A_49 = tpu.memref_slice %arg7[%add3A_29, %dma_start3A] : memref<10240x16xf32, #tpu.memory_space<vmem_shared>> -> memref<128x16xf32, #tpu.memory_space<vmem_shared>>
      %dma_start3A_50 = arith.constant 0 : i32
      %dma_start3A_51 = tpu.memref_slice %arg7[%add3A_29, %dma_start3A_50] : memref<10240x16xf32, #tpu.memory_space<vmem_shared>> -> memref<128x16xf32, #tpu.memory_space<vmem_shared>>
      tpu.enqueue_dma source(%arg5 : memref<128x16xf32, #tpu.memory_space<vmem>>) target(%dma_start3A_51 : memref<128x16xf32, #tpu.memory_space<vmem_shared>>) target_semaphore(%run_scoped3A_48 : memref<!tpu.dma_semaphore, #tpu.memory_space<semaphore_mem>>)
      %dma_wait3A = arith.constant 0 : i32
      %dma_wait3A_52 = tpu.memref_slice %arg7[%add3A_29, %dma_wait3A] : memref<10240x16xf32, #tpu.memory_space<vmem_shared>> -> memref<128x16xf32, #tpu.memory_space<vmem_shared>>
      %dma_wait3A_53 = arith.constant 0 : i32
      %dma_wait3A_54 = tpu.memref_slice %arg7[%add3A_29, %dma_wait3A_53] : memref<10240x16xf32, #tpu.memory_space<vmem_shared>> -> memref<128x16xf32, #tpu.memory_space<vmem_shared>>
      tpu.wait_dma2 semaphore(%run_scoped3A_48 : memref<!tpu.dma_semaphore, #tpu.memory_space<semaphore_mem>>) src(%arg5 : memref<128x16xf32, #tpu.memory_space<vmem>>) dst(%dma_wait3A_54 : memref<128x16xf32, #tpu.memory_space<vmem_shared>>)
      tpu.yield
    }) : () -> ()
    %mul3A_30 = arith.constant 640 : i32
    %mul3A_31 = arith.muli %arg1, %mul3A_30 : i32
    %add3A_32 = arith.constant 512 : i32
    %add3A_33 = arith.addi %mul3A_31, %add3A_32 : i32
    "tpu.region"() ({
      %run_scoped3A_48 = tpu.sem_alloc : memref<!tpu.dma_semaphore, #tpu.memory_space<semaphore_mem>>
      %dma_start3A = arith.constant 0 : i32
      %dma_start3A_49 = tpu.memref_slice %arg7[%add3A_33, %dma_start3A] : memref<10240x16xf32, #tpu.memory_space<vmem_shared>> -> memref<128x16xf32, #tpu.memory_space<vmem_shared>>
      %dma_start3A_50 = arith.constant 0 : i32
      %dma_start3A_51 = tpu.memref_slice %arg7[%add3A_33, %dma_start3A_50] : memref<10240x16xf32, #tpu.memory_space<vmem_shared>> -> memref<128x16xf32, #tpu.memory_space<vmem_shared>>
      tpu.enqueue_dma source(%arg5 : memref<128x16xf32, #tpu.memory_space<vmem>>) target(%dma_start3A_51 : memref<128x16xf32, #tpu.memory_space<vmem_shared>>) target_semaphore(%run_scoped3A_48 : memref<!tpu.dma_semaphore, #tpu.memory_space<semaphore_mem>>)
      %dma_wait3A = arith.constant 0 : i32
      %dma_wait3A_52 = tpu.memref_slice %arg7[%add3A_33, %dma_wait3A] : memref<10240x16xf32, #tpu.memory_space<vmem_shared>> -> memref<128x16xf32, #tpu.memory_space<vmem_shared>>
      %dma_wait3A_53 = arith.constant 0 : i32
      %dma_wait3A_54 = tpu.memref_slice %arg7[%add3A_33, %dma_wait3A_53] : memref<10240x16xf32, #tpu.memory_space<vmem_shared>> -> memref<128x16xf32, #tpu.memory_space<vmem_shared>>
      tpu.wait_dma2 semaphore(%run_scoped3A_48 : memref<!tpu.dma_semaphore, #tpu.memory_space<semaphore_mem>>) src(%arg5 : memref<128x16xf32, #tpu.memory_space<vmem>>) dst(%dma_wait3A_54 : memref<128x16xf32, #tpu.memory_space<vmem_shared>>)
      tpu.yield
    }) : () -> ()
    %barrier3A = arith.constant 0 : index
    tpu.barrier barrier_id(%barrier3A)
    %scan3A_34 = arith.constant 0 : i32
    %scan3A_35 = arith.constant 0 : i32
    %scan3A_36 = arith.constant 125 : i32
    %scan3A_37 = arith.addi %scan3A_35, %scan3A_36 : i32
    %scan3A_38 = arith.constant 1 : i32
    %scan3A_39 = scf.for %scan3A_48 = %scan3A_35 to %scan3A_37 step %scan3A_38 iter_args(%scan3A_49 = %scan3A_34) -> (i32)  : i32 {
      "tpu.region"() ({
        %run_scoped3A_51 = tpu.sem_alloc : memref<!tpu.dma_semaphore, #tpu.memory_space<semaphore_mem>>
        %dma_start3A = arith.constant 0 : i32
        %dma_start3A_52 = tpu.memref_slice %arg4[%scan3A_48, %dma_start3A] : memref<125x80xi32, #tpu.memory_space<vmem>> -> memref<1x80xi32, #tpu.memory_space<vmem>>
        %dma_start3A_53 = tpu.memref_squeeze %dma_start3A_52 : memref<1x80xi32, #tpu.memory_space<vmem>> -> memref<80xi32, #tpu.memory_space<vmem>>
        %dma_start3A_54 = arith.constant 0 : i32
        %dma_start3A_55 = arith.constant 0 : i32
        %dma_start3A_56 = tpu.memref_slice %arg7[%dma_start3A_54, %dma_start3A_55] : memref<10240x16xf32, #tpu.memory_space<vmem_shared>> -> memref<10240x16xf32, #tpu.memory_space<vmem_shared>>
        tpu.enqueue_indirect_dma source(%arg6 : memref<80x16xf32, #tpu.memory_space<vmem>>) target(%dma_start3A_56 : memref<10240x16xf32, #tpu.memory_space<vmem_shared>>) offsets(%dma_start3A_53 : memref<80xi32, #tpu.memory_space<vmem>>) semaphore(%run_scoped3A_51 : memref<!tpu.dma_semaphore, #tpu.memory_space<semaphore_mem>>) {add = true}
        %dma_wait3A = arith.constant 0 : i32
        %dma_wait3A_57 = tpu.memref_slice %arg4[%scan3A_48, %dma_wait3A] : memref<125x80xi32, #tpu.memory_space<vmem>> -> memref<1x80xi32, #tpu.memory_space<vmem>>
        %dma_wait3A_58 = tpu.memref_squeeze %dma_wait3A_57 : memref<1x80xi32, #tpu.memory_space<vmem>> -> memref<80xi32, #tpu.memory_space<vmem>>
        %dma_wait3A_59 = arith.constant 0 : i32
        %dma_wait3A_60 = arith.constant 0 : i32
        %dma_wait3A_61 = tpu.memref_slice %arg7[%dma_wait3A_59, %dma_wait3A_60] : memref<10240x16xf32, #tpu.memory_space<vmem_shared>> -> memref<10240x16xf32, #tpu.memory_space<vmem_shared>>
        tpu.wait_indirect_dma semaphore(%run_scoped3A_51 : memref<!tpu.dma_semaphore, #tpu.memory_space<semaphore_mem>>) src(%arg6 : memref<80x16xf32, #tpu.memory_space<vmem>>) dst(%dma_wait3A_61 : memref<10240x16xf32, #tpu.memory_space<vmem_shared>>)
        tpu.yield
      }) : () -> ()
      %scan3A_50 = arith.constant 0 : i32
      scf.yield %scan3A_50 : i32
    }
    %scan3A_40 = arith.constant 125 : i32
    %barrier3A_41 = arith.constant 0 : index
    tpu.barrier barrier_id(%barrier3A_41)
    %lt3A = arith.constant 15 : i32
    %lt3A_42 = arith.cmpi slt, %arg1, %lt3A : i32
    %convert_element_type3A = arith.extui %lt3A_42 : i1 to i32
    %cond3A = arith.constant 0 : i32
    %cond3A_43 = arith.cmpi ne, %convert_element_type3A, %cond3A : i32
    scf.if %cond3A_43 {
      %mul3A_48 = arith.constant 640 : i32
      %mul3A_49 = arith.muli %arg1, %mul3A_48 : i32
      %mul3A_50 = arith.constant 640 : i32
      %mul3A_51 = arith.muli %arg1, %mul3A_50 : i32
      "tpu.region"() ({
        %run_scoped3A_52 = tpu.sem_alloc : memref<!tpu.dma_semaphore, #tpu.memory_space<semaphore_mem>>
        %dma_start3A = arith.constant 0 : i32
        %dma_start3A_53 = tpu.memref_slice %arg3[%arg0, %mul3A_51, %dma_start3A] : memref<2x10000x16xf32, #tpu.memory_space<hbm>> -> memref<1x640x16xf32, #tpu.memory_space<hbm>>
        %dma_start3A_54 = tpu.memref_squeeze %dma_start3A_53 : memref<1x640x16xf32, #tpu.memory_space<hbm>> -> memref<640x16xf32, #tpu.memory_space<hbm>>
        %dma_start3A_55 = arith.constant 0 : i32
        %dma_start3A_56 = tpu.memref_slice %arg7[%mul3A_49, %dma_start3A_55] : memref<10240x16xf32, #tpu.memory_space<vmem_shared>> -> memref<640x16xf32, #tpu.memory_space<vmem_shared>>
        tpu.enqueue_dma source(%dma_start3A_56 : memref<640x16xf32, #tpu.memory_space<vmem_shared>>) target(%dma_start3A_54 : memref<640x16xf32, #tpu.memory_space<hbm>>) target_semaphore(%run_scoped3A_52 : memref<!tpu.dma_semaphore, #tpu.memory_space<semaphore_mem>>)
        %dma_wait3A = arith.constant 0 : i32
        %dma_wait3A_57 = tpu.memref_slice %arg3[%arg0, %mul3A_51, %dma_wait3A] : memref<2x10000x16xf32, #tpu.memory_space<hbm>> -> memref<1x640x16xf32, #tpu.memory_space<hbm>>
        %dma_wait3A_58 = tpu.memref_squeeze %dma_wait3A_57 : memref<1x640x16xf32, #tpu.memory_space<hbm>> -> memref<640x16xf32, #tpu.memory_space<hbm>>
        %dma_wait3A_59 = arith.constant 0 : i32
        %dma_wait3A_60 = tpu.memref_slice %arg7[%mul3A_49, %dma_wait3A_59] : memref<10240x16xf32, #tpu.memory_space<vmem_shared>> -> memref<640x16xf32, #tpu.memory_space<vmem_shared>>
        tpu.wait_dma2 semaphore(%run_scoped3A_52 : memref<!tpu.dma_semaphore, #tpu.memory_space<semaphore_mem>>) src(%dma_wait3A_60 : memref<640x16xf32, #tpu.memory_space<vmem_shared>>) dst(%dma_wait3A_58 : memref<640x16xf32, #tpu.memory_space<hbm>>)
        tpu.yield
      }) : () -> ()
    } else {
    }
    %eq3A = arith.constant 15 : i32
    %eq3A_44 = arith.cmpi eq, %arg1, %eq3A : i32
    %convert_element_type3A_45 = arith.extui %eq3A_44 : i1 to i32
    %cond3A_46 = arith.constant 0 : i32
    %cond3A_47 = arith.cmpi ne, %convert_element_type3A_45, %cond3A_46 : i32
    scf.if %cond3A_47 {
      "tpu.region"() ({
        %run_scoped3A_48 = tpu.sem_alloc : memref<!tpu.dma_semaphore, #tpu.memory_space<semaphore_mem>>
        %dma_start3A = arith.constant 9600 : i32
        %dma_start3A_49 = arith.constant 0 : i32
        %dma_start3A_50 = tpu.memref_slice %arg3[%arg0, %dma_start3A, %dma_start3A_49] : memref<2x10000x16xf32, #tpu.memory_space<hbm>> -> memref<1x400x16xf32, #tpu.memory_space<hbm>>
        %dma_start3A_51 = tpu.memref_squeeze %dma_start3A_50 : memref<1x400x16xf32, #tpu.memory_space<hbm>> -> memref<400x16xf32, #tpu.memory_space<hbm>>
        %dma_start3A_52 = arith.constant 9600 : i32
        %dma_start3A_53 = arith.constant 0 : i32
        %dma_start3A_54 = tpu.memref_slice %arg7[%dma_start3A_52, %dma_start3A_53] : memref<10240x16xf32, #tpu.memory_space<vmem_shared>> -> memref<400x16xf32, #tpu.memory_space<vmem_shared>>
        tpu.enqueue_dma source(%dma_start3A_54 : memref<400x16xf32, #tpu.memory_space<vmem_shared>>) target(%dma_start3A_51 : memref<400x16xf32, #tpu.memory_space<hbm>>) target_semaphore(%run_scoped3A_48 : memref<!tpu.dma_semaphore, #tpu.memory_space<semaphore_mem>>)
        %dma_wait3A = arith.constant 9600 : i32
        %dma_wait3A_55 = arith.constant 0 : i32
        %dma_wait3A_56 = tpu.memref_slice %arg3[%arg0, %dma_wait3A, %dma_wait3A_55] : memref<2x10000x16xf32, #tpu.memory_space<hbm>> -> memref<1x400x16xf32, #tpu.memory_space<hbm>>
        %dma_wait3A_57 = tpu.memref_squeeze %dma_wait3A_56 : memref<1x400x16xf32, #tpu.memory_space<hbm>> -> memref<400x16xf32, #tpu.memory_space<hbm>>
        %dma_wait3A_58 = arith.constant 9600 : i32
        %dma_wait3A_59 = arith.constant 0 : i32
        %dma_wait3A_60 = tpu.memref_slice %arg7[%dma_wait3A_58, %dma_wait3A_59] : memref<10240x16xf32, #tpu.memory_space<vmem_shared>> -> memref<400x16xf32, #tpu.memory_space<vmem_shared>>
        tpu.wait_dma2 semaphore(%run_scoped3A_48 : memref<!tpu.dma_semaphore, #tpu.memory_space<semaphore_mem>>) src(%dma_wait3A_60 : memref<400x16xf32, #tpu.memory_space<vmem_shared>>) dst(%dma_wait3A_57 : memref<400x16xf32, #tpu.memory_space<hbm>>)
        tpu.yield
      }) : () -> ()
    } else {
    }
    return
  }
}

#map = affine_map<(d0, d1) -> (0, 0)>
#map1 = affine_map<(d0, d1) -> (0, 0, 0, 0)>
#map2 = affine_map<(d0, d1) -> (0, 0, 0)>
module attributes {stable_mosaic.version = 14 : i64} {
  func.func @agg_kernel(%arg0: i32, %arg1: i32, %arg2: memref<10000x64xf32, #tpu.memory_space<hbm>>, %arg3: memref<2x32x125x80xi32, #tpu.memory_space<hbm>>, %arg4: memref<2x10000x64xf32, #tpu.memory_space<hbm>>, %arg5: memref<125x80xi32, #tpu.memory_space<vmem>>, %arg6: memref<125x80xi32, #tpu.memory_space<vmem>>, %arg7: memref<80x64xf32, #tpu.memory_space<vmem>>, %arg8: memref<80x64xf32, #tpu.memory_space<vmem>>, %arg9: memref<80x64xf32, #tpu.memory_space<vmem>>, %arg10: memref<80x64xf32, #tpu.memory_space<vmem>>, %arg11: memref<80x64xf32, #tpu.memory_space<vmem>>, %arg12: memref<128x64xf32, #tpu.memory_space<vmem>>, %arg13: memref<10240x64xf32, #tpu.memory_space<vmem_shared>>, %arg14: memref<8x64xf32, #tpu.memory_space<vmem_shared>>, %arg15: memref<!tpu.dma_semaphore, #tpu.memory_space<semaphore_mem>>, %arg16: memref<!tpu.dma_semaphore, #tpu.memory_space<semaphore_mem>>, %arg17: memref<!tpu.dma_semaphore, #tpu.memory_space<semaphore_mem>>, %arg18: memref<!tpu.dma_semaphore, #tpu.memory_space<semaphore_mem>>, %arg19: memref<!tpu.dma_semaphore, #tpu.memory_space<semaphore_mem>>) attributes {dimension_semantics = [#tpu.dimension_semantics<core_parallel>, #tpu.dimension_semantics<subcore_parallel>], iteration_bounds = array<i64: 2, 16>, scalar_prefetch = 0 : i64, scratch_operands = 15 : i64, tpu.core_type = #tpu.core_type<sc_vector_subcore>, window_params = [{transform_indices = #map}, {transform_indices = #map1}, {transform_indices = #map2}]} {
    %mul3A = arith.constant 16 : i32
    %mul3A_0 = arith.muli %arg0, %mul3A : i32
    %add3A = arith.addi %mul3A_0, %arg1 : i32
    %run_scoped3A = arith.constant 0 : i32
    "tpu.region"() ({
      %run_scoped3A_115 = tpu.sem_alloc : memref<!tpu.dma_semaphore, #tpu.memory_space<semaphore_mem>>
      %dma_start3A_116 = arith.constant 0 : i32
      %dma_start3A_117 = arith.constant 0 : i32
      %dma_start3A_118 = tpu.memref_slice %arg3[%run_scoped3A, %add3A, %dma_start3A_116, %dma_start3A_117] : memref<2x32x125x80xi32, #tpu.memory_space<hbm>> -> memref<1x1x125x80xi32, #tpu.memory_space<hbm>>
      %dma_start3A_119 = tpu.memref_squeeze %dma_start3A_118 : memref<1x1x125x80xi32, #tpu.memory_space<hbm>> -> memref<125x80xi32, #tpu.memory_space<hbm>>
      %dma_start3A_120 = arith.constant 0 : i32
      %dma_start3A_121 = arith.constant 0 : i32
      %dma_start3A_122 = tpu.memref_slice %arg3[%run_scoped3A, %add3A, %dma_start3A_120, %dma_start3A_121] : memref<2x32x125x80xi32, #tpu.memory_space<hbm>> -> memref<1x1x125x80xi32, #tpu.memory_space<hbm>>
      %dma_start3A_123 = tpu.memref_squeeze %dma_start3A_122 : memref<1x1x125x80xi32, #tpu.memory_space<hbm>> -> memref<125x80xi32, #tpu.memory_space<hbm>>
      tpu.enqueue_dma source(%dma_start3A_123 : memref<125x80xi32, #tpu.memory_space<hbm>>) target(%arg5 : memref<125x80xi32, #tpu.memory_space<vmem>>) target_semaphore(%run_scoped3A_115 : memref<!tpu.dma_semaphore, #tpu.memory_space<semaphore_mem>>)
      %dma_wait3A_124 = arith.constant 0 : i32
      %dma_wait3A_125 = arith.constant 0 : i32
      %dma_wait3A_126 = tpu.memref_slice %arg3[%run_scoped3A, %add3A, %dma_wait3A_124, %dma_wait3A_125] : memref<2x32x125x80xi32, #tpu.memory_space<hbm>> -> memref<1x1x125x80xi32, #tpu.memory_space<hbm>>
      %dma_wait3A_127 = tpu.memref_squeeze %dma_wait3A_126 : memref<1x1x125x80xi32, #tpu.memory_space<hbm>> -> memref<125x80xi32, #tpu.memory_space<hbm>>
      %dma_wait3A_128 = arith.constant 0 : i32
      %dma_wait3A_129 = arith.constant 0 : i32
      %dma_wait3A_130 = tpu.memref_slice %arg3[%run_scoped3A, %add3A, %dma_wait3A_128, %dma_wait3A_129] : memref<2x32x125x80xi32, #tpu.memory_space<hbm>> -> memref<1x1x125x80xi32, #tpu.memory_space<hbm>>
      %dma_wait3A_131 = tpu.memref_squeeze %dma_wait3A_130 : memref<1x1x125x80xi32, #tpu.memory_space<hbm>> -> memref<125x80xi32, #tpu.memory_space<hbm>>
      tpu.wait_dma2 semaphore(%run_scoped3A_115 : memref<!tpu.dma_semaphore, #tpu.memory_space<semaphore_mem>>) src(%dma_wait3A_131 : memref<125x80xi32, #tpu.memory_space<hbm>>) dst(%arg5 : memref<125x80xi32, #tpu.memory_space<vmem>>)
      tpu.yield
    }) : () -> ()
    %run_scoped3A_1 = arith.constant 1 : i32
    "tpu.region"() ({
      %run_scoped3A_115 = tpu.sem_alloc : memref<!tpu.dma_semaphore, #tpu.memory_space<semaphore_mem>>
      %dma_start3A_116 = arith.constant 0 : i32
      %dma_start3A_117 = arith.constant 0 : i32
      %dma_start3A_118 = tpu.memref_slice %arg3[%run_scoped3A_1, %add3A, %dma_start3A_116, %dma_start3A_117] : memref<2x32x125x80xi32, #tpu.memory_space<hbm>> -> memref<1x1x125x80xi32, #tpu.memory_space<hbm>>
      %dma_start3A_119 = tpu.memref_squeeze %dma_start3A_118 : memref<1x1x125x80xi32, #tpu.memory_space<hbm>> -> memref<125x80xi32, #tpu.memory_space<hbm>>
      %dma_start3A_120 = arith.constant 0 : i32
      %dma_start3A_121 = arith.constant 0 : i32
      %dma_start3A_122 = tpu.memref_slice %arg3[%run_scoped3A_1, %add3A, %dma_start3A_120, %dma_start3A_121] : memref<2x32x125x80xi32, #tpu.memory_space<hbm>> -> memref<1x1x125x80xi32, #tpu.memory_space<hbm>>
      %dma_start3A_123 = tpu.memref_squeeze %dma_start3A_122 : memref<1x1x125x80xi32, #tpu.memory_space<hbm>> -> memref<125x80xi32, #tpu.memory_space<hbm>>
      tpu.enqueue_dma source(%dma_start3A_123 : memref<125x80xi32, #tpu.memory_space<hbm>>) target(%arg6 : memref<125x80xi32, #tpu.memory_space<vmem>>) target_semaphore(%run_scoped3A_115 : memref<!tpu.dma_semaphore, #tpu.memory_space<semaphore_mem>>)
      %dma_wait3A_124 = arith.constant 0 : i32
      %dma_wait3A_125 = arith.constant 0 : i32
      %dma_wait3A_126 = tpu.memref_slice %arg3[%run_scoped3A_1, %add3A, %dma_wait3A_124, %dma_wait3A_125] : memref<2x32x125x80xi32, #tpu.memory_space<hbm>> -> memref<1x1x125x80xi32, #tpu.memory_space<hbm>>
      %dma_wait3A_127 = tpu.memref_squeeze %dma_wait3A_126 : memref<1x1x125x80xi32, #tpu.memory_space<hbm>> -> memref<125x80xi32, #tpu.memory_space<hbm>>
      %dma_wait3A_128 = arith.constant 0 : i32
      %dma_wait3A_129 = arith.constant 0 : i32
      %dma_wait3A_130 = tpu.memref_slice %arg3[%run_scoped3A_1, %add3A, %dma_wait3A_128, %dma_wait3A_129] : memref<2x32x125x80xi32, #tpu.memory_space<hbm>> -> memref<1x1x125x80xi32, #tpu.memory_space<hbm>>
      %dma_wait3A_131 = tpu.memref_squeeze %dma_wait3A_130 : memref<1x1x125x80xi32, #tpu.memory_space<hbm>> -> memref<125x80xi32, #tpu.memory_space<hbm>>
      tpu.wait_dma2 semaphore(%run_scoped3A_115 : memref<!tpu.dma_semaphore, #tpu.memory_space<semaphore_mem>>) src(%dma_wait3A_131 : memref<125x80xi32, #tpu.memory_space<hbm>>) dst(%arg6 : memref<125x80xi32, #tpu.memory_space<vmem>>)
      tpu.yield
    }) : () -> ()
    %scan3A = arith.constant 0 : i32
    %scan3A_2 = arith.constant 0 : i32
    %scan3A_3 = arith.constant 128 : i32
    %scan3A_4 = arith.addi %scan3A_2, %scan3A_3 : i32
    %scan3A_5 = arith.constant 1 : i32
    %scan3A_6 = scf.for %scan3A_115 = %scan3A_2 to %scan3A_4 step %scan3A_5 iter_args(%scan3A_116 = %scan3A) -> (i32)  : i32 {
      %broadcast_in_dim3A = arith.constant 0.000000e+00 : f32
      %broadcast_in_dim3A_117 = vector.broadcast %broadcast_in_dim3A : f32 to vector<16xf32>
      %swap3A = arith.index_cast %scan3A_115 : i32 to index
      %swap3A_118 = arith.constant 0 : index
      %swap3A_119 = tpu.vector_load %arg12[%swap3A, %swap3A_118] {strides = array<i32>} : memref<128x64xf32, #tpu.memory_space<vmem>>, vector<1x16xf32>,
      %swap3A_120 = vector.shape_cast %swap3A_119 : vector<1x16xf32> to vector<16xf32>
      %swap3A_121 = vector.shape_cast %broadcast_in_dim3A_117 : vector<16xf32> to vector<1x16xf32>
      tpu.vector_store %arg12[%swap3A, %swap3A_118], %swap3A_121 {strides = array<i32>} : memref<128x64xf32, #tpu.memory_space<vmem>>, vector<1x16xf32>,
      %broadcast_in_dim3A_122 = arith.constant 0.000000e+00 : f32
      %broadcast_in_dim3A_123 = vector.broadcast %broadcast_in_dim3A_122 : f32 to vector<16xf32>
      %swap3A_124 = arith.index_cast %scan3A_115 : i32 to index
      %swap3A_125 = arith.constant 16 : index
      %swap3A_126 = tpu.vector_load %arg12[%swap3A_124, %swap3A_125] {strides = array<i32>} : memref<128x64xf32, #tpu.memory_space<vmem>>, vector<1x16xf32>,
      %swap3A_127 = vector.shape_cast %swap3A_126 : vector<1x16xf32> to vector<16xf32>
      %swap3A_128 = vector.shape_cast %broadcast_in_dim3A_123 : vector<16xf32> to vector<1x16xf32>
      tpu.vector_store %arg12[%swap3A_124, %swap3A_125], %swap3A_128 {strides = array<i32>} : memref<128x64xf32, #tpu.memory_space<vmem>>, vector<1x16xf32>,
      %broadcast_in_dim3A_129 = arith.constant 0.000000e+00 : f32
      %broadcast_in_dim3A_130 = vector.broadcast %broadcast_in_dim3A_129 : f32 to vector<16xf32>
      %swap3A_131 = arith.index_cast %scan3A_115 : i32 to index
      %swap3A_132 = arith.constant 32 : index
      %swap3A_133 = tpu.vector_load %arg12[%swap3A_131, %swap3A_132] {strides = array<i32>} : memref<128x64xf32, #tpu.memory_space<vmem>>, vector<1x16xf32>,
      %swap3A_134 = vector.shape_cast %swap3A_133 : vector<1x16xf32> to vector<16xf32>
      %swap3A_135 = vector.shape_cast %broadcast_in_dim3A_130 : vector<16xf32> to vector<1x16xf32>
      tpu.vector_store %arg12[%swap3A_131, %swap3A_132], %swap3A_135 {strides = array<i32>} : memref<128x64xf32, #tpu.memory_space<vmem>>, vector<1x16xf32>,
      %broadcast_in_dim3A_136 = arith.constant 0.000000e+00 : f32
      %broadcast_in_dim3A_137 = vector.broadcast %broadcast_in_dim3A_136 : f32 to vector<16xf32>
      %swap3A_138 = arith.index_cast %scan3A_115 : i32 to index
      %swap3A_139 = arith.constant 48 : index
      %swap3A_140 = tpu.vector_load %arg12[%swap3A_138, %swap3A_139] {strides = array<i32>} : memref<128x64xf32, #tpu.memory_space<vmem>>, vector<1x16xf32>,
      %swap3A_141 = vector.shape_cast %swap3A_140 : vector<1x16xf32> to vector<16xf32>
      %swap3A_142 = vector.shape_cast %broadcast_in_dim3A_137 : vector<16xf32> to vector<1x16xf32>
      tpu.vector_store %arg12[%swap3A_138, %swap3A_139], %swap3A_142 {strides = array<i32>} : memref<128x64xf32, #tpu.memory_space<vmem>>, vector<1x16xf32>,
      %scan3A_143 = arith.constant 0 : i32
      scf.yield %scan3A_143 : i32
    }
    %scan3A_7 = arith.constant 128 : i32
    %mul3A_8 = arith.constant 640 : i32
    %mul3A_9 = arith.muli %arg1, %mul3A_8 : i32
    %add3A_10 = arith.constant 0 : i32
    %add3A_11 = arith.addi %mul3A_9, %add3A_10 : i32
    "tpu.region"() ({
      %run_scoped3A_115 = tpu.sem_alloc : memref<!tpu.dma_semaphore, #tpu.memory_space<semaphore_mem>>
      %dma_start3A_116 = arith.constant 0 : i32
      %dma_start3A_117 = tpu.memref_slice %arg13[%add3A_11, %dma_start3A_116] : memref<10240x64xf32, #tpu.memory_space<vmem_shared>> -> memref<128x64xf32, #tpu.memory_space<vmem_shared>>
      %dma_start3A_118 = arith.constant 0 : i32
      %dma_start3A_119 = tpu.memref_slice %arg13[%add3A_11, %dma_start3A_118] : memref<10240x64xf32, #tpu.memory_space<vmem_shared>> -> memref<128x64xf32, #tpu.memory_space<vmem_shared>>
      tpu.enqueue_dma source(%arg12 : memref<128x64xf32, #tpu.memory_space<vmem>>) target(%dma_start3A_119 : memref<128x64xf32, #tpu.memory_space<vmem_shared>>) target_semaphore(%run_scoped3A_115 : memref<!tpu.dma_semaphore, #tpu.memory_space<semaphore_mem>>)
      %dma_wait3A_120 = arith.constant 0 : i32
      %dma_wait3A_121 = tpu.memref_slice %arg13[%add3A_11, %dma_wait3A_120] : memref<10240x64xf32, #tpu.memory_space<vmem_shared>> -> memref<128x64xf32, #tpu.memory_space<vmem_shared>>
      %dma_wait3A_122 = arith.constant 0 : i32
      %dma_wait3A_123 = tpu.memref_slice %arg13[%add3A_11, %dma_wait3A_122] : memref<10240x64xf32, #tpu.memory_space<vmem_shared>> -> memref<128x64xf32, #tpu.memory_space<vmem_shared>>
      tpu.wait_dma2 semaphore(%run_scoped3A_115 : memref<!tpu.dma_semaphore, #tpu.memory_space<semaphore_mem>>) src(%arg12 : memref<128x64xf32, #tpu.memory_space<vmem>>) dst(%dma_wait3A_123 : memref<128x64xf32, #tpu.memory_space<vmem_shared>>)
      tpu.yield
    }) : () -> ()
    %mul3A_12 = arith.constant 640 : i32
    %mul3A_13 = arith.muli %arg1, %mul3A_12 : i32
    %add3A_14 = arith.constant 128 : i32
    %add3A_15 = arith.addi %mul3A_13, %add3A_14 : i32
    "tpu.region"() ({
      %run_scoped3A_115 = tpu.sem_alloc : memref<!tpu.dma_semaphore, #tpu.memory_space<semaphore_mem>>
      %dma_start3A_116 = arith.constant 0 : i32
      %dma_start3A_117 = tpu.memref_slice %arg13[%add3A_15, %dma_start3A_116] : memref<10240x64xf32, #tpu.memory_space<vmem_shared>> -> memref<128x64xf32, #tpu.memory_space<vmem_shared>>
      %dma_start3A_118 = arith.constant 0 : i32
      %dma_start3A_119 = tpu.memref_slice %arg13[%add3A_15, %dma_start3A_118] : memref<10240x64xf32, #tpu.memory_space<vmem_shared>> -> memref<128x64xf32, #tpu.memory_space<vmem_shared>>
      tpu.enqueue_dma source(%arg12 : memref<128x64xf32, #tpu.memory_space<vmem>>) target(%dma_start3A_119 : memref<128x64xf32, #tpu.memory_space<vmem_shared>>) target_semaphore(%run_scoped3A_115 : memref<!tpu.dma_semaphore, #tpu.memory_space<semaphore_mem>>)
      %dma_wait3A_120 = arith.constant 0 : i32
      %dma_wait3A_121 = tpu.memref_slice %arg13[%add3A_15, %dma_wait3A_120] : memref<10240x64xf32, #tpu.memory_space<vmem_shared>> -> memref<128x64xf32, #tpu.memory_space<vmem_shared>>
      %dma_wait3A_122 = arith.constant 0 : i32
      %dma_wait3A_123 = tpu.memref_slice %arg13[%add3A_15, %dma_wait3A_122] : memref<10240x64xf32, #tpu.memory_space<vmem_shared>> -> memref<128x64xf32, #tpu.memory_space<vmem_shared>>
      tpu.wait_dma2 semaphore(%run_scoped3A_115 : memref<!tpu.dma_semaphore, #tpu.memory_space<semaphore_mem>>) src(%arg12 : memref<128x64xf32, #tpu.memory_space<vmem>>) dst(%dma_wait3A_123 : memref<128x64xf32, #tpu.memory_space<vmem_shared>>)
      tpu.yield
    }) : () -> ()
    %mul3A_16 = arith.constant 640 : i32
    %mul3A_17 = arith.muli %arg1, %mul3A_16 : i32
    %add3A_18 = arith.constant 256 : i32
    %add3A_19 = arith.addi %mul3A_17, %add3A_18 : i32
    "tpu.region"() ({
      %run_scoped3A_115 = tpu.sem_alloc : memref<!tpu.dma_semaphore, #tpu.memory_space<semaphore_mem>>
      %dma_start3A_116 = arith.constant 0 : i32
      %dma_start3A_117 = tpu.memref_slice %arg13[%add3A_19, %dma_start3A_116] : memref<10240x64xf32, #tpu.memory_space<vmem_shared>> -> memref<128x64xf32, #tpu.memory_space<vmem_shared>>
      %dma_start3A_118 = arith.constant 0 : i32
      %dma_start3A_119 = tpu.memref_slice %arg13[%add3A_19, %dma_start3A_118] : memref<10240x64xf32, #tpu.memory_space<vmem_shared>> -> memref<128x64xf32, #tpu.memory_space<vmem_shared>>
      tpu.enqueue_dma source(%arg12 : memref<128x64xf32, #tpu.memory_space<vmem>>) target(%dma_start3A_119 : memref<128x64xf32, #tpu.memory_space<vmem_shared>>) target_semaphore(%run_scoped3A_115 : memref<!tpu.dma_semaphore, #tpu.memory_space<semaphore_mem>>)
      %dma_wait3A_120 = arith.constant 0 : i32
      %dma_wait3A_121 = tpu.memref_slice %arg13[%add3A_19, %dma_wait3A_120] : memref<10240x64xf32, #tpu.memory_space<vmem_shared>> -> memref<128x64xf32, #tpu.memory_space<vmem_shared>>
      %dma_wait3A_122 = arith.constant 0 : i32
      %dma_wait3A_123 = tpu.memref_slice %arg13[%add3A_19, %dma_wait3A_122] : memref<10240x64xf32, #tpu.memory_space<vmem_shared>> -> memref<128x64xf32, #tpu.memory_space<vmem_shared>>
      tpu.wait_dma2 semaphore(%run_scoped3A_115 : memref<!tpu.dma_semaphore, #tpu.memory_space<semaphore_mem>>) src(%arg12 : memref<128x64xf32, #tpu.memory_space<vmem>>) dst(%dma_wait3A_123 : memref<128x64xf32, #tpu.memory_space<vmem_shared>>)
      tpu.yield
    }) : () -> ()
    %mul3A_20 = arith.constant 640 : i32
    %mul3A_21 = arith.muli %arg1, %mul3A_20 : i32
    %add3A_22 = arith.constant 384 : i32
    %add3A_23 = arith.addi %mul3A_21, %add3A_22 : i32
    "tpu.region"() ({
      %run_scoped3A_115 = tpu.sem_alloc : memref<!tpu.dma_semaphore, #tpu.memory_space<semaphore_mem>>
      %dma_start3A_116 = arith.constant 0 : i32
      %dma_start3A_117 = tpu.memref_slice %arg13[%add3A_23, %dma_start3A_116] : memref<10240x64xf32, #tpu.memory_space<vmem_shared>> -> memref<128x64xf32, #tpu.memory_space<vmem_shared>>
      %dma_start3A_118 = arith.constant 0 : i32
      %dma_start3A_119 = tpu.memref_slice %arg13[%add3A_23, %dma_start3A_118] : memref<10240x64xf32, #tpu.memory_space<vmem_shared>> -> memref<128x64xf32, #tpu.memory_space<vmem_shared>>
      tpu.enqueue_dma source(%arg12 : memref<128x64xf32, #tpu.memory_space<vmem>>) target(%dma_start3A_119 : memref<128x64xf32, #tpu.memory_space<vmem_shared>>) target_semaphore(%run_scoped3A_115 : memref<!tpu.dma_semaphore, #tpu.memory_space<semaphore_mem>>)
      %dma_wait3A_120 = arith.constant 0 : i32
      %dma_wait3A_121 = tpu.memref_slice %arg13[%add3A_23, %dma_wait3A_120] : memref<10240x64xf32, #tpu.memory_space<vmem_shared>> -> memref<128x64xf32, #tpu.memory_space<vmem_shared>>
      %dma_wait3A_122 = arith.constant 0 : i32
      %dma_wait3A_123 = tpu.memref_slice %arg13[%add3A_23, %dma_wait3A_122] : memref<10240x64xf32, #tpu.memory_space<vmem_shared>> -> memref<128x64xf32, #tpu.memory_space<vmem_shared>>
      tpu.wait_dma2 semaphore(%run_scoped3A_115 : memref<!tpu.dma_semaphore, #tpu.memory_space<semaphore_mem>>) src(%arg12 : memref<128x64xf32, #tpu.memory_space<vmem>>) dst(%dma_wait3A_123 : memref<128x64xf32, #tpu.memory_space<vmem_shared>>)
      tpu.yield
    }) : () -> ()
    %mul3A_24 = arith.constant 640 : i32
    %mul3A_25 = arith.muli %arg1, %mul3A_24 : i32
    %add3A_26 = arith.constant 512 : i32
    %add3A_27 = arith.addi %mul3A_25, %add3A_26 : i32
    "tpu.region"() ({
      %run_scoped3A_115 = tpu.sem_alloc : memref<!tpu.dma_semaphore, #tpu.memory_space<semaphore_mem>>
      %dma_start3A_116 = arith.constant 0 : i32
      %dma_start3A_117 = tpu.memref_slice %arg13[%add3A_27, %dma_start3A_116] : memref<10240x64xf32, #tpu.memory_space<vmem_shared>> -> memref<128x64xf32, #tpu.memory_space<vmem_shared>>
      %dma_start3A_118 = arith.constant 0 : i32
      %dma_start3A_119 = tpu.memref_slice %arg13[%add3A_27, %dma_start3A_118] : memref<10240x64xf32, #tpu.memory_space<vmem_shared>> -> memref<128x64xf32, #tpu.memory_space<vmem_shared>>
      tpu.enqueue_dma source(%arg12 : memref<128x64xf32, #tpu.memory_space<vmem>>) target(%dma_start3A_119 : memref<128x64xf32, #tpu.memory_space<vmem_shared>>) target_semaphore(%run_scoped3A_115 : memref<!tpu.dma_semaphore, #tpu.memory_space<semaphore_mem>>)
      %dma_wait3A_120 = arith.constant 0 : i32
      %dma_wait3A_121 = tpu.memref_slice %arg13[%add3A_27, %dma_wait3A_120] : memref<10240x64xf32, #tpu.memory_space<vmem_shared>> -> memref<128x64xf32, #tpu.memory_space<vmem_shared>>
      %dma_wait3A_122 = arith.constant 0 : i32
      %dma_wait3A_123 = tpu.memref_slice %arg13[%add3A_27, %dma_wait3A_122] : memref<10240x64xf32, #tpu.memory_space<vmem_shared>> -> memref<128x64xf32, #tpu.memory_space<vmem_shared>>
      tpu.wait_dma2 semaphore(%run_scoped3A_115 : memref<!tpu.dma_semaphore, #tpu.memory_space<semaphore_mem>>) src(%arg12 : memref<128x64xf32, #tpu.memory_space<vmem>>) dst(%dma_wait3A_123 : memref<128x64xf32, #tpu.memory_space<vmem_shared>>)
      tpu.yield
    }) : () -> ()
    %barrier3A = arith.constant 0 : index
    tpu.barrier barrier_id(%barrier3A)
    %dma_start3A = arith.constant 0 : i32
    %dma_start3A_28 = arith.constant 0 : i32
    %dma_start3A_29 = tpu.memref_slice %arg5[%dma_start3A, %dma_start3A_28] : memref<125x80xi32, #tpu.memory_space<vmem>> -> memref<1x80xi32, #tpu.memory_space<vmem>>
    %dma_start3A_30 = tpu.memref_squeeze %dma_start3A_29 : memref<1x80xi32, #tpu.memory_space<vmem>> -> memref<80xi32, #tpu.memory_space<vmem>>
    %dma_start3A_31 = arith.constant 0 : i32
    %dma_start3A_32 = arith.constant 0 : i32
    %dma_start3A_33 = tpu.memref_slice %arg2[%dma_start3A_31, %dma_start3A_32] : memref<10000x64xf32, #tpu.memory_space<hbm>> -> memref<10000x64xf32, #tpu.memory_space<hbm>>
    tpu.enqueue_indirect_dma source(%dma_start3A_33 : memref<10000x64xf32, #tpu.memory_space<hbm>>) target(%arg7 : memref<80x64xf32, #tpu.memory_space<vmem>>) offsets(%dma_start3A_30 : memref<80xi32, #tpu.memory_space<vmem>>) semaphore(%arg15 : memref<!tpu.dma_semaphore, #tpu.memory_space<semaphore_mem>>)
    %dma_start3A_34 = arith.constant 1 : i32
    %dma_start3A_35 = arith.constant 0 : i32
    %dma_start3A_36 = tpu.memref_slice %arg5[%dma_start3A_34, %dma_start3A_35] : memref<125x80xi32, #tpu.memory_space<vmem>> -> memref<1x80xi32, #tpu.memory_space<vmem>>
    %dma_start3A_37 = tpu.memref_squeeze %dma_start3A_36 : memref<1x80xi32, #tpu.memory_space<vmem>> -> memref<80xi32, #tpu.memory_space<vmem>>
    %dma_start3A_38 = arith.constant 0 : i32
    %dma_start3A_39 = arith.constant 0 : i32
    %dma_start3A_40 = tpu.memref_slice %arg2[%dma_start3A_38, %dma_start3A_39] : memref<10000x64xf32, #tpu.memory_space<hbm>> -> memref<10000x64xf32, #tpu.memory_space<hbm>>
    tpu.enqueue_indirect_dma source(%dma_start3A_40 : memref<10000x64xf32, #tpu.memory_space<hbm>>) target(%arg8 : memref<80x64xf32, #tpu.memory_space<vmem>>) offsets(%dma_start3A_37 : memref<80xi32, #tpu.memory_space<vmem>>) semaphore(%arg16 : memref<!tpu.dma_semaphore, #tpu.memory_space<semaphore_mem>>)
    %dma_start3A_41 = arith.constant 2 : i32
    %dma_start3A_42 = arith.constant 0 : i32
    %dma_start3A_43 = tpu.memref_slice %arg5[%dma_start3A_41, %dma_start3A_42] : memref<125x80xi32, #tpu.memory_space<vmem>> -> memref<1x80xi32, #tpu.memory_space<vmem>>
    %dma_start3A_44 = tpu.memref_squeeze %dma_start3A_43 : memref<1x80xi32, #tpu.memory_space<vmem>> -> memref<80xi32, #tpu.memory_space<vmem>>
    %dma_start3A_45 = arith.constant 0 : i32
    %dma_start3A_46 = arith.constant 0 : i32
    %dma_start3A_47 = tpu.memref_slice %arg2[%dma_start3A_45, %dma_start3A_46] : memref<10000x64xf32, #tpu.memory_space<hbm>> -> memref<10000x64xf32, #tpu.memory_space<hbm>>
    tpu.enqueue_indirect_dma source(%dma_start3A_47 : memref<10000x64xf32, #tpu.memory_space<hbm>>) target(%arg9 : memref<80x64xf32, #tpu.memory_space<vmem>>) offsets(%dma_start3A_44 : memref<80xi32, #tpu.memory_space<vmem>>) semaphore(%arg17 : memref<!tpu.dma_semaphore, #tpu.memory_space<semaphore_mem>>)
    %dma_start3A_48 = arith.constant 3 : i32
    %dma_start3A_49 = arith.constant 0 : i32
    %dma_start3A_50 = tpu.memref_slice %arg5[%dma_start3A_48, %dma_start3A_49] : memref<125x80xi32, #tpu.memory_space<vmem>> -> memref<1x80xi32, #tpu.memory_space<vmem>>
    %dma_start3A_51 = tpu.memref_squeeze %dma_start3A_50 : memref<1x80xi32, #tpu.memory_space<vmem>> -> memref<80xi32, #tpu.memory_space<vmem>>
    %dma_start3A_52 = arith.constant 0 : i32
    %dma_start3A_53 = arith.constant 0 : i32
    %dma_start3A_54 = tpu.memref_slice %arg2[%dma_start3A_52, %dma_start3A_53] : memref<10000x64xf32, #tpu.memory_space<hbm>> -> memref<10000x64xf32, #tpu.memory_space<hbm>>
    tpu.enqueue_indirect_dma source(%dma_start3A_54 : memref<10000x64xf32, #tpu.memory_space<hbm>>) target(%arg10 : memref<80x64xf32, #tpu.memory_space<vmem>>) offsets(%dma_start3A_51 : memref<80xi32, #tpu.memory_space<vmem>>) semaphore(%arg18 : memref<!tpu.dma_semaphore, #tpu.memory_space<semaphore_mem>>)
    %dma_start3A_55 = arith.constant 4 : i32
    %dma_start3A_56 = arith.constant 0 : i32
    %dma_start3A_57 = tpu.memref_slice %arg5[%dma_start3A_55, %dma_start3A_56] : memref<125x80xi32, #tpu.memory_space<vmem>> -> memref<1x80xi32, #tpu.memory_space<vmem>>
    %dma_start3A_58 = tpu.memref_squeeze %dma_start3A_57 : memref<1x80xi32, #tpu.memory_space<vmem>> -> memref<80xi32, #tpu.memory_space<vmem>>
    %dma_start3A_59 = arith.constant 0 : i32
    %dma_start3A_60 = arith.constant 0 : i32
    %dma_start3A_61 = tpu.memref_slice %arg2[%dma_start3A_59, %dma_start3A_60] : memref<10000x64xf32, #tpu.memory_space<hbm>> -> memref<10000x64xf32, #tpu.memory_space<hbm>>
    tpu.enqueue_indirect_dma source(%dma_start3A_61 : memref<10000x64xf32, #tpu.memory_space<hbm>>) target(%arg11 : memref<80x64xf32, #tpu.memory_space<vmem>>) offsets(%dma_start3A_58 : memref<80xi32, #tpu.memory_space<vmem>>) semaphore(%arg19 : memref<!tpu.dma_semaphore, #tpu.memory_space<semaphore_mem>>)
    %scan3A_62 = arith.constant 0 : i32
    %scan3A_63 = arith.constant 0 : i32
    %scan3A_64 = arith.constant 24 : i32
    %scan3A_65 = arith.addi %scan3A_63, %scan3A_64 : i32
    %scan3A_66 = arith.constant 1 : i32
    %scan3A_67 = scf.for %scan3A_115 = %scan3A_63 to %scan3A_65 step %scan3A_66 iter_args(%scan3A_116 = %scan3A_62) -> (i32)  : i32 {
      %mul3A_117 = arith.constant 5 : i32
      %mul3A_118 = arith.muli %scan3A_115, %mul3A_117 : i32
      %add3A_119 = arith.constant 0 : i32
      %add3A_120 = arith.addi %mul3A_118, %add3A_119 : i32
      %dma_wait3A_121 = arith.constant 0 : i32
      %dma_wait3A_122 = tpu.memref_slice %arg5[%add3A_120, %dma_wait3A_121] : memref<125x80xi32, #tpu.memory_space<vmem>> -> memref<1x80xi32, #tpu.memory_space<vmem>>
      %dma_wait3A_123 = tpu.memref_squeeze %dma_wait3A_122 : memref<1x80xi32, #tpu.memory_space<vmem>> -> memref<80xi32, #tpu.memory_space<vmem>>
      %dma_wait3A_124 = arith.constant 0 : i32
      %dma_wait3A_125 = arith.constant 0 : i32
      %dma_wait3A_126 = tpu.memref_slice %arg2[%dma_wait3A_124, %dma_wait3A_125] : memref<10000x64xf32, #tpu.memory_space<hbm>> -> memref<10000x64xf32, #tpu.memory_space<hbm>>
      tpu.wait_indirect_dma semaphore(%arg15 : memref<!tpu.dma_semaphore, #tpu.memory_space<semaphore_mem>>) src(%dma_wait3A_126 : memref<10000x64xf32, #tpu.memory_space<hbm>>) dst(%arg7 : memref<80x64xf32, #tpu.memory_space<vmem>>)
      %add3A_127 = arith.constant 0 : i32
      %add3A_128 = arith.addi %mul3A_118, %add3A_127 : i32
      "tpu.region"() ({
        %run_scoped3A_220 = tpu.sem_alloc : memref<!tpu.dma_semaphore, #tpu.memory_space<semaphore_mem>>
        %dma_start3A_221 = arith.constant 0 : i32
        %dma_start3A_222 = tpu.memref_slice %arg6[%add3A_128, %dma_start3A_221] : memref<125x80xi32, #tpu.memory_space<vmem>> -> memref<1x80xi32, #tpu.memory_space<vmem>>
        %dma_start3A_223 = tpu.memref_squeeze %dma_start3A_222 : memref<1x80xi32, #tpu.memory_space<vmem>> -> memref<80xi32, #tpu.memory_space<vmem>>
        %dma_start3A_224 = arith.constant 0 : i32
        %dma_start3A_225 = arith.constant 0 : i32
        %dma_start3A_226 = tpu.memref_slice %arg13[%dma_start3A_224, %dma_start3A_225] : memref<10240x64xf32, #tpu.memory_space<vmem_shared>> -> memref<10240x64xf32, #tpu.memory_space<vmem_shared>>
        tpu.enqueue_indirect_dma source(%arg7 : memref<80x64xf32, #tpu.memory_space<vmem>>) target(%dma_start3A_226 : memref<10240x64xf32, #tpu.memory_space<vmem_shared>>) offsets(%dma_start3A_223 : memref<80xi32, #tpu.memory_space<vmem>>) semaphore(%run_scoped3A_220 : memref<!tpu.dma_semaphore, #tpu.memory_space<semaphore_mem>>) {add = true}
        %dma_wait3A_227 = arith.constant 0 : i32
        %dma_wait3A_228 = tpu.memref_slice %arg6[%add3A_128, %dma_wait3A_227] : memref<125x80xi32, #tpu.memory_space<vmem>> -> memref<1x80xi32, #tpu.memory_space<vmem>>
        %dma_wait3A_229 = tpu.memref_squeeze %dma_wait3A_228 : memref<1x80xi32, #tpu.memory_space<vmem>> -> memref<80xi32, #tpu.memory_space<vmem>>
        %dma_wait3A_230 = arith.constant 0 : i32
        %dma_wait3A_231 = arith.constant 0 : i32
        %dma_wait3A_232 = tpu.memref_slice %arg13[%dma_wait3A_230, %dma_wait3A_231] : memref<10240x64xf32, #tpu.memory_space<vmem_shared>> -> memref<10240x64xf32, #tpu.memory_space<vmem_shared>>
        tpu.wait_indirect_dma semaphore(%run_scoped3A_220 : memref<!tpu.dma_semaphore, #tpu.memory_space<semaphore_mem>>) src(%arg7 : memref<80x64xf32, #tpu.memory_space<vmem>>) dst(%dma_wait3A_232 : memref<10240x64xf32, #tpu.memory_space<vmem_shared>>)
        tpu.yield
      }) : () -> ()
      %add3A_129 = arith.constant 5 : i32
      %add3A_130 = arith.addi %mul3A_118, %add3A_129 : i32
      %add3A_131 = arith.constant 0 : i32
      %add3A_132 = arith.addi %add3A_130, %add3A_131 : i32
      %dma_start3A_133 = arith.constant 0 : i32
      %dma_start3A_134 = tpu.memref_slice %arg5[%add3A_132, %dma_start3A_133] : memref<125x80xi32, #tpu.memory_space<vmem>> -> memref<1x80xi32, #tpu.memory_space<vmem>>
      %dma_start3A_135 = tpu.memref_squeeze %dma_start3A_134 : memref<1x80xi32, #tpu.memory_space<vmem>> -> memref<80xi32, #tpu.memory_space<vmem>>
      %dma_start3A_136 = arith.constant 0 : i32
      %dma_start3A_137 = arith.constant 0 : i32
      %dma_start3A_138 = tpu.memref_slice %arg2[%dma_start3A_136, %dma_start3A_137] : memref<10000x64xf32, #tpu.memory_space<hbm>> -> memref<10000x64xf32, #tpu.memory_space<hbm>>
      tpu.enqueue_indirect_dma source(%dma_start3A_138 : memref<10000x64xf32, #tpu.memory_space<hbm>>) target(%arg7 : memref<80x64xf32, #tpu.memory_space<vmem>>) offsets(%dma_start3A_135 : memref<80xi32, #tpu.memory_space<vmem>>) semaphore(%arg15 : memref<!tpu.dma_semaphore, #tpu.memory_space<semaphore_mem>>)
      %add3A_139 = arith.constant 1 : i32
      %add3A_140 = arith.addi %mul3A_118, %add3A_139 : i32
      %dma_wait3A_141 = arith.constant 0 : i32
      %dma_wait3A_142 = tpu.memref_slice %arg5[%add3A_140, %dma_wait3A_141] : memref<125x80xi32, #tpu.memory_space<vmem>> -> memref<1x80xi32, #tpu.memory_space<vmem>>
      %dma_wait3A_143 = tpu.memref_squeeze %dma_wait3A_142 : memref<1x80xi32, #tpu.memory_space<vmem>> -> memref<80xi32, #tpu.memory_space<vmem>>
      %dma_wait3A_144 = arith.constant 0 : i32
      %dma_wait3A_145 = arith.constant 0 : i32
      %dma_wait3A_146 = tpu.memref_slice %arg2[%dma_wait3A_144, %dma_wait3A_145] : memref<10000x64xf32, #tpu.memory_space<hbm>> -> memref<10000x64xf32, #tpu.memory_space<hbm>>
      tpu.wait_indirect_dma semaphore(%arg16 : memref<!tpu.dma_semaphore, #tpu.memory_space<semaphore_mem>>) src(%dma_wait3A_146 : memref<10000x64xf32, #tpu.memory_space<hbm>>) dst(%arg8 : memref<80x64xf32, #tpu.memory_space<vmem>>)
      %add3A_147 = arith.constant 1 : i32
      %add3A_148 = arith.addi %mul3A_118, %add3A_147 : i32
      "tpu.region"() ({
        %run_scoped3A_220 = tpu.sem_alloc : memref<!tpu.dma_semaphore, #tpu.memory_space<semaphore_mem>>
        %dma_start3A_221 = arith.constant 0 : i32
        %dma_start3A_222 = tpu.memref_slice %arg6[%add3A_148, %dma_start3A_221] : memref<125x80xi32, #tpu.memory_space<vmem>> -> memref<1x80xi32, #tpu.memory_space<vmem>>
        %dma_start3A_223 = tpu.memref_squeeze %dma_start3A_222 : memref<1x80xi32, #tpu.memory_space<vmem>> -> memref<80xi32, #tpu.memory_space<vmem>>
        %dma_start3A_224 = arith.constant 0 : i32
        %dma_start3A_225 = arith.constant 0 : i32
        %dma_start3A_226 = tpu.memref_slice %arg13[%dma_start3A_224, %dma_start3A_225] : memref<10240x64xf32, #tpu.memory_space<vmem_shared>> -> memref<10240x64xf32, #tpu.memory_space<vmem_shared>>
        tpu.enqueue_indirect_dma source(%arg8 : memref<80x64xf32, #tpu.memory_space<vmem>>) target(%dma_start3A_226 : memref<10240x64xf32, #tpu.memory_space<vmem_shared>>) offsets(%dma_start3A_223 : memref<80xi32, #tpu.memory_space<vmem>>) semaphore(%run_scoped3A_220 : memref<!tpu.dma_semaphore, #tpu.memory_space<semaphore_mem>>) {add = true}
        %dma_wait3A_227 = arith.constant 0 : i32
        %dma_wait3A_228 = tpu.memref_slice %arg6[%add3A_148, %dma_wait3A_227] : memref<125x80xi32, #tpu.memory_space<vmem>> -> memref<1x80xi32, #tpu.memory_space<vmem>>
        %dma_wait3A_229 = tpu.memref_squeeze %dma_wait3A_228 : memref<1x80xi32, #tpu.memory_space<vmem>> -> memref<80xi32, #tpu.memory_space<vmem>>
        %dma_wait3A_230 = arith.constant 0 : i32
        %dma_wait3A_231 = arith.constant 0 : i32
        %dma_wait3A_232 = tpu.memref_slice %arg13[%dma_wait3A_230, %dma_wait3A_231] : memref<10240x64xf32, #tpu.memory_space<vmem_shared>> -> memref<10240x64xf32, #tpu.memory_space<vmem_shared>>
        tpu.wait_indirect_dma semaphore(%run_scoped3A_220 : memref<!tpu.dma_semaphore, #tpu.memory_space<semaphore_mem>>) src(%arg8 : memref<80x64xf32, #tpu.memory_space<vmem>>) dst(%dma_wait3A_232 : memref<10240x64xf32, #tpu.memory_space<vmem_shared>>)
        tpu.yield
      }) : () -> ()
      %add3A_149 = arith.constant 5 : i32
      %add3A_150 = arith.addi %mul3A_118, %add3A_149 : i32
      %add3A_151 = arith.constant 1 : i32
      %add3A_152 = arith.addi %add3A_150, %add3A_151 : i32
      %dma_start3A_153 = arith.constant 0 : i32
      %dma_start3A_154 = tpu.memref_slice %arg5[%add3A_152, %dma_start3A_153] : memref<125x80xi32, #tpu.memory_space<vmem>> -> memref<1x80xi32, #tpu.memory_space<vmem>>
      %dma_start3A_155 = tpu.memref_squeeze %dma_start3A_154 : memref<1x80xi32, #tpu.memory_space<vmem>> -> memref<80xi32, #tpu.memory_space<vmem>>
      %dma_start3A_156 = arith.constant 0 : i32
      %dma_start3A_157 = arith.constant 0 : i32
      %dma_start3A_158 = tpu.memref_slice %arg2[%dma_start3A_156, %dma_start3A_157] : memref<10000x64xf32, #tpu.memory_space<hbm>> -> memref<10000x64xf32, #tpu.memory_space<hbm>>
      tpu.enqueue_indirect_dma source(%dma_start3A_158 : memref<10000x64xf32, #tpu.memory_space<hbm>>) target(%arg8 : memref<80x64xf32, #tpu.memory_space<vmem>>) offsets(%dma_start3A_155 : memref<80xi32, #tpu.memory_space<vmem>>) semaphore(%arg16 : memref<!tpu.dma_semaphore, #tpu.memory_space<semaphore_mem>>)
      %add3A_159 = arith.constant 2 : i32
      %add3A_160 = arith.addi %mul3A_118, %add3A_159 : i32
      %dma_wait3A_161 = arith.constant 0 : i32
      %dma_wait3A_162 = tpu.memref_slice %arg5[%add3A_160, %dma_wait3A_161] : memref<125x80xi32, #tpu.memory_space<vmem>> -> memref<1x80xi32, #tpu.memory_space<vmem>>
      %dma_wait3A_163 = tpu.memref_squeeze %dma_wait3A_162 : memref<1x80xi32, #tpu.memory_space<vmem>> -> memref<80xi32, #tpu.memory_space<vmem>>
      %dma_wait3A_164 = arith.constant 0 : i32
      %dma_wait3A_165 = arith.constant 0 : i32
      %dma_wait3A_166 = tpu.memref_slice %arg2[%dma_wait3A_164, %dma_wait3A_165] : memref<10000x64xf32, #tpu.memory_space<hbm>> -> memref<10000x64xf32, #tpu.memory_space<hbm>>
      tpu.wait_indirect_dma semaphore(%arg17 : memref<!tpu.dma_semaphore, #tpu.memory_space<semaphore_mem>>) src(%dma_wait3A_166 : memref<10000x64xf32, #tpu.memory_space<hbm>>) dst(%arg9 : memref<80x64xf32, #tpu.memory_space<vmem>>)
      %add3A_167 = arith.constant 2 : i32
      %add3A_168 = arith.addi %mul3A_118, %add3A_167 : i32
      "tpu.region"() ({
        %run_scoped3A_220 = tpu.sem_alloc : memref<!tpu.dma_semaphore, #tpu.memory_space<semaphore_mem>>
        %dma_start3A_221 = arith.constant 0 : i32
        %dma_start3A_222 = tpu.memref_slice %arg6[%add3A_168, %dma_start3A_221] : memref<125x80xi32, #tpu.memory_space<vmem>> -> memref<1x80xi32, #tpu.memory_space<vmem>>
        %dma_start3A_223 = tpu.memref_squeeze %dma_start3A_222 : memref<1x80xi32, #tpu.memory_space<vmem>> -> memref<80xi32, #tpu.memory_space<vmem>>
        %dma_start3A_224 = arith.constant 0 : i32
        %dma_start3A_225 = arith.constant 0 : i32
        %dma_start3A_226 = tpu.memref_slice %arg13[%dma_start3A_224, %dma_start3A_225] : memref<10240x64xf32, #tpu.memory_space<vmem_shared>> -> memref<10240x64xf32, #tpu.memory_space<vmem_shared>>
        tpu.enqueue_indirect_dma source(%arg9 : memref<80x64xf32, #tpu.memory_space<vmem>>) target(%dma_start3A_226 : memref<10240x64xf32, #tpu.memory_space<vmem_shared>>) offsets(%dma_start3A_223 : memref<80xi32, #tpu.memory_space<vmem>>) semaphore(%run_scoped3A_220 : memref<!tpu.dma_semaphore, #tpu.memory_space<semaphore_mem>>) {add = true}
        %dma_wait3A_227 = arith.constant 0 : i32
        %dma_wait3A_228 = tpu.memref_slice %arg6[%add3A_168, %dma_wait3A_227] : memref<125x80xi32, #tpu.memory_space<vmem>> -> memref<1x80xi32, #tpu.memory_space<vmem>>
        %dma_wait3A_229 = tpu.memref_squeeze %dma_wait3A_228 : memref<1x80xi32, #tpu.memory_space<vmem>> -> memref<80xi32, #tpu.memory_space<vmem>>
        %dma_wait3A_230 = arith.constant 0 : i32
        %dma_wait3A_231 = arith.constant 0 : i32
        %dma_wait3A_232 = tpu.memref_slice %arg13[%dma_wait3A_230, %dma_wait3A_231] : memref<10240x64xf32, #tpu.memory_space<vmem_shared>> -> memref<10240x64xf32, #tpu.memory_space<vmem_shared>>
        tpu.wait_indirect_dma semaphore(%run_scoped3A_220 : memref<!tpu.dma_semaphore, #tpu.memory_space<semaphore_mem>>) src(%arg9 : memref<80x64xf32, #tpu.memory_space<vmem>>) dst(%dma_wait3A_232 : memref<10240x64xf32, #tpu.memory_space<vmem_shared>>)
        tpu.yield
      }) : () -> ()
      %add3A_169 = arith.constant 5 : i32
      %add3A_170 = arith.addi %mul3A_118, %add3A_169 : i32
      %add3A_171 = arith.constant 2 : i32
      %add3A_172 = arith.addi %add3A_170, %add3A_171 : i32
      %dma_start3A_173 = arith.constant 0 : i32
      %dma_start3A_174 = tpu.memref_slice %arg5[%add3A_172, %dma_start3A_173] : memref<125x80xi32, #tpu.memory_space<vmem>> -> memref<1x80xi32, #tpu.memory_space<vmem>>
      %dma_start3A_175 = tpu.memref_squeeze %dma_start3A_174 : memref<1x80xi32, #tpu.memory_space<vmem>> -> memref<80xi32, #tpu.memory_space<vmem>>
      %dma_start3A_176 = arith.constant 0 : i32
      %dma_start3A_177 = arith.constant 0 : i32
      %dma_start3A_178 = tpu.memref_slice %arg2[%dma_start3A_176, %dma_start3A_177] : memref<10000x64xf32, #tpu.memory_space<hbm>> -> memref<10000x64xf32, #tpu.memory_space<hbm>>
      tpu.enqueue_indirect_dma source(%dma_start3A_178 : memref<10000x64xf32, #tpu.memory_space<hbm>>) target(%arg9 : memref<80x64xf32, #tpu.memory_space<vmem>>) offsets(%dma_start3A_175 : memref<80xi32, #tpu.memory_space<vmem>>) semaphore(%arg17 : memref<!tpu.dma_semaphore, #tpu.memory_space<semaphore_mem>>)
      %add3A_179 = arith.constant 3 : i32
      %add3A_180 = arith.addi %mul3A_118, %add3A_179 : i32
      %dma_wait3A_181 = arith.constant 0 : i32
      %dma_wait3A_182 = tpu.memref_slice %arg5[%add3A_180, %dma_wait3A_181] : memref<125x80xi32, #tpu.memory_space<vmem>> -> memref<1x80xi32, #tpu.memory_space<vmem>>
      %dma_wait3A_183 = tpu.memref_squeeze %dma_wait3A_182 : memref<1x80xi32, #tpu.memory_space<vmem>> -> memref<80xi32, #tpu.memory_space<vmem>>
      %dma_wait3A_184 = arith.constant 0 : i32
      %dma_wait3A_185 = arith.constant 0 : i32
      %dma_wait3A_186 = tpu.memref_slice %arg2[%dma_wait3A_184, %dma_wait3A_185] : memref<10000x64xf32, #tpu.memory_space<hbm>> -> memref<10000x64xf32, #tpu.memory_space<hbm>>
      tpu.wait_indirect_dma semaphore(%arg18 : memref<!tpu.dma_semaphore, #tpu.memory_space<semaphore_mem>>) src(%dma_wait3A_186 : memref<10000x64xf32, #tpu.memory_space<hbm>>) dst(%arg10 : memref<80x64xf32, #tpu.memory_space<vmem>>)
      %add3A_187 = arith.constant 3 : i32
      %add3A_188 = arith.addi %mul3A_118, %add3A_187 : i32
      "tpu.region"() ({
        %run_scoped3A_220 = tpu.sem_alloc : memref<!tpu.dma_semaphore, #tpu.memory_space<semaphore_mem>>
        %dma_start3A_221 = arith.constant 0 : i32
        %dma_start3A_222 = tpu.memref_slice %arg6[%add3A_188, %dma_start3A_221] : memref<125x80xi32, #tpu.memory_space<vmem>> -> memref<1x80xi32, #tpu.memory_space<vmem>>
        %dma_start3A_223 = tpu.memref_squeeze %dma_start3A_222 : memref<1x80xi32, #tpu.memory_space<vmem>> -> memref<80xi32, #tpu.memory_space<vmem>>
        %dma_start3A_224 = arith.constant 0 : i32
        %dma_start3A_225 = arith.constant 0 : i32
        %dma_start3A_226 = tpu.memref_slice %arg13[%dma_start3A_224, %dma_start3A_225] : memref<10240x64xf32, #tpu.memory_space<vmem_shared>> -> memref<10240x64xf32, #tpu.memory_space<vmem_shared>>
        tpu.enqueue_indirect_dma source(%arg10 : memref<80x64xf32, #tpu.memory_space<vmem>>) target(%dma_start3A_226 : memref<10240x64xf32, #tpu.memory_space<vmem_shared>>) offsets(%dma_start3A_223 : memref<80xi32, #tpu.memory_space<vmem>>) semaphore(%run_scoped3A_220 : memref<!tpu.dma_semaphore, #tpu.memory_space<semaphore_mem>>) {add = true}
        %dma_wait3A_227 = arith.constant 0 : i32
        %dma_wait3A_228 = tpu.memref_slice %arg6[%add3A_188, %dma_wait3A_227] : memref<125x80xi32, #tpu.memory_space<vmem>> -> memref<1x80xi32, #tpu.memory_space<vmem>>
        %dma_wait3A_229 = tpu.memref_squeeze %dma_wait3A_228 : memref<1x80xi32, #tpu.memory_space<vmem>> -> memref<80xi32, #tpu.memory_space<vmem>>
        %dma_wait3A_230 = arith.constant 0 : i32
        %dma_wait3A_231 = arith.constant 0 : i32
        %dma_wait3A_232 = tpu.memref_slice %arg13[%dma_wait3A_230, %dma_wait3A_231] : memref<10240x64xf32, #tpu.memory_space<vmem_shared>> -> memref<10240x64xf32, #tpu.memory_space<vmem_shared>>
        tpu.wait_indirect_dma semaphore(%run_scoped3A_220 : memref<!tpu.dma_semaphore, #tpu.memory_space<semaphore_mem>>) src(%arg10 : memref<80x64xf32, #tpu.memory_space<vmem>>) dst(%dma_wait3A_232 : memref<10240x64xf32, #tpu.memory_space<vmem_shared>>)
        tpu.yield
      }) : () -> ()
      %add3A_189 = arith.constant 5 : i32
      %add3A_190 = arith.addi %mul3A_118, %add3A_189 : i32
      %add3A_191 = arith.constant 3 : i32
      %add3A_192 = arith.addi %add3A_190, %add3A_191 : i32
      %dma_start3A_193 = arith.constant 0 : i32
      %dma_start3A_194 = tpu.memref_slice %arg5[%add3A_192, %dma_start3A_193] : memref<125x80xi32, #tpu.memory_space<vmem>> -> memref<1x80xi32, #tpu.memory_space<vmem>>
      %dma_start3A_195 = tpu.memref_squeeze %dma_start3A_194 : memref<1x80xi32, #tpu.memory_space<vmem>> -> memref<80xi32, #tpu.memory_space<vmem>>
      %dma_start3A_196 = arith.constant 0 : i32
      %dma_start3A_197 = arith.constant 0 : i32
      %dma_start3A_198 = tpu.memref_slice %arg2[%dma_start3A_196, %dma_start3A_197] : memref<10000x64xf32, #tpu.memory_space<hbm>> -> memref<10000x64xf32, #tpu.memory_space<hbm>>
      tpu.enqueue_indirect_dma source(%dma_start3A_198 : memref<10000x64xf32, #tpu.memory_space<hbm>>) target(%arg10 : memref<80x64xf32, #tpu.memory_space<vmem>>) offsets(%dma_start3A_195 : memref<80xi32, #tpu.memory_space<vmem>>) semaphore(%arg18 : memref<!tpu.dma_semaphore, #tpu.memory_space<semaphore_mem>>)
      %add3A_199 = arith.constant 4 : i32
      %add3A_200 = arith.addi %mul3A_118, %add3A_199 : i32
      %dma_wait3A_201 = arith.constant 0 : i32
      %dma_wait3A_202 = tpu.memref_slice %arg5[%add3A_200, %dma_wait3A_201] : memref<125x80xi32, #tpu.memory_space<vmem>> -> memref<1x80xi32, #tpu.memory_space<vmem>>
      %dma_wait3A_203 = tpu.memref_squeeze %dma_wait3A_202 : memref<1x80xi32, #tpu.memory_space<vmem>> -> memref<80xi32, #tpu.memory_space<vmem>>
      %dma_wait3A_204 = arith.constant 0 : i32
      %dma_wait3A_205 = arith.constant 0 : i32
      %dma_wait3A_206 = tpu.memref_slice %arg2[%dma_wait3A_204, %dma_wait3A_205] : memref<10000x64xf32, #tpu.memory_space<hbm>> -> memref<10000x64xf32, #tpu.memory_space<hbm>>
      tpu.wait_indirect_dma semaphore(%arg19 : memref<!tpu.dma_semaphore, #tpu.memory_space<semaphore_mem>>) src(%dma_wait3A_206 : memref<10000x64xf32, #tpu.memory_space<hbm>>) dst(%arg11 : memref<80x64xf32, #tpu.memory_space<vmem>>)
      %add3A_207 = arith.constant 4 : i32
      %add3A_208 = arith.addi %mul3A_118, %add3A_207 : i32
      "tpu.region"() ({
        %run_scoped3A_220 = tpu.sem_alloc : memref<!tpu.dma_semaphore, #tpu.memory_space<semaphore_mem>>
        %dma_start3A_221 = arith.constant 0 : i32
        %dma_start3A_222 = tpu.memref_slice %arg6[%add3A_208, %dma_start3A_221] : memref<125x80xi32, #tpu.memory_space<vmem>> -> memref<1x80xi32, #tpu.memory_space<vmem>>
        %dma_start3A_223 = tpu.memref_squeeze %dma_start3A_222 : memref<1x80xi32, #tpu.memory_space<vmem>> -> memref<80xi32, #tpu.memory_space<vmem>>
        %dma_start3A_224 = arith.constant 0 : i32
        %dma_start3A_225 = arith.constant 0 : i32
        %dma_start3A_226 = tpu.memref_slice %arg13[%dma_start3A_224, %dma_start3A_225] : memref<10240x64xf32, #tpu.memory_space<vmem_shared>> -> memref<10240x64xf32, #tpu.memory_space<vmem_shared>>
        tpu.enqueue_indirect_dma source(%arg11 : memref<80x64xf32, #tpu.memory_space<vmem>>) target(%dma_start3A_226 : memref<10240x64xf32, #tpu.memory_space<vmem_shared>>) offsets(%dma_start3A_223 : memref<80xi32, #tpu.memory_space<vmem>>) semaphore(%run_scoped3A_220 : memref<!tpu.dma_semaphore, #tpu.memory_space<semaphore_mem>>) {add = true}
        %dma_wait3A_227 = arith.constant 0 : i32
        %dma_wait3A_228 = tpu.memref_slice %arg6[%add3A_208, %dma_wait3A_227] : memref<125x80xi32, #tpu.memory_space<vmem>> -> memref<1x80xi32, #tpu.memory_space<vmem>>
        %dma_wait3A_229 = tpu.memref_squeeze %dma_wait3A_228 : memref<1x80xi32, #tpu.memory_space<vmem>> -> memref<80xi32, #tpu.memory_space<vmem>>
        %dma_wait3A_230 = arith.constant 0 : i32
        %dma_wait3A_231 = arith.constant 0 : i32
        %dma_wait3A_232 = tpu.memref_slice %arg13[%dma_wait3A_230, %dma_wait3A_231] : memref<10240x64xf32, #tpu.memory_space<vmem_shared>> -> memref<10240x64xf32, #tpu.memory_space<vmem_shared>>
        tpu.wait_indirect_dma semaphore(%run_scoped3A_220 : memref<!tpu.dma_semaphore, #tpu.memory_space<semaphore_mem>>) src(%arg11 : memref<80x64xf32, #tpu.memory_space<vmem>>) dst(%dma_wait3A_232 : memref<10240x64xf32, #tpu.memory_space<vmem_shared>>)
        tpu.yield
      }) : () -> ()
      %add3A_209 = arith.constant 5 : i32
      %add3A_210 = arith.addi %mul3A_118, %add3A_209 : i32
      %add3A_211 = arith.constant 4 : i32
      %add3A_212 = arith.addi %add3A_210, %add3A_211 : i32
      %dma_start3A_213 = arith.constant 0 : i32
      %dma_start3A_214 = tpu.memref_slice %arg5[%add3A_212, %dma_start3A_213] : memref<125x80xi32, #tpu.memory_space<vmem>> -> memref<1x80xi32, #tpu.memory_space<vmem>>
      %dma_start3A_215 = tpu.memref_squeeze %dma_start3A_214 : memref<1x80xi32, #tpu.memory_space<vmem>> -> memref<80xi32, #tpu.memory_space<vmem>>
      %dma_start3A_216 = arith.constant 0 : i32
      %dma_start3A_217 = arith.constant 0 : i32
      %dma_start3A_218 = tpu.memref_slice %arg2[%dma_start3A_216, %dma_start3A_217] : memref<10000x64xf32, #tpu.memory_space<hbm>> -> memref<10000x64xf32, #tpu.memory_space<hbm>>
      tpu.enqueue_indirect_dma source(%dma_start3A_218 : memref<10000x64xf32, #tpu.memory_space<hbm>>) target(%arg11 : memref<80x64xf32, #tpu.memory_space<vmem>>) offsets(%dma_start3A_215 : memref<80xi32, #tpu.memory_space<vmem>>) semaphore(%arg19 : memref<!tpu.dma_semaphore, #tpu.memory_space<semaphore_mem>>)
      %scan3A_219 = arith.constant 0 : i32
      scf.yield %scan3A_219 : i32
    }
    %scan3A_68 = arith.constant 24 : i32
    %dma_wait3A = arith.constant 120 : i32
    %dma_wait3A_69 = arith.constant 0 : i32
    %dma_wait3A_70 = tpu.memref_slice %arg5[%dma_wait3A, %dma_wait3A_69] : memref<125x80xi32, #tpu.memory_space<vmem>> -> memref<1x80xi32, #tpu.memory_space<vmem>>
    %dma_wait3A_71 = tpu.memref_squeeze %dma_wait3A_70 : memref<1x80xi32, #tpu.memory_space<vmem>> -> memref<80xi32, #tpu.memory_space<vmem>>
    %dma_wait3A_72 = arith.constant 0 : i32
    %dma_wait3A_73 = arith.constant 0 : i32
    %dma_wait3A_74 = tpu.memref_slice %arg2[%dma_wait3A_72, %dma_wait3A_73] : memref<10000x64xf32, #tpu.memory_space<hbm>> -> memref<10000x64xf32, #tpu.memory_space<hbm>>
    tpu.wait_indirect_dma semaphore(%arg15 : memref<!tpu.dma_semaphore, #tpu.memory_space<semaphore_mem>>) src(%dma_wait3A_74 : memref<10000x64xf32, #tpu.memory_space<hbm>>) dst(%arg7 : memref<80x64xf32, #tpu.memory_space<vmem>>)
    %run_scoped3A_75 = arith.constant 120 : i32
    "tpu.region"() ({
      %run_scoped3A_115 = tpu.sem_alloc : memref<!tpu.dma_semaphore, #tpu.memory_space<semaphore_mem>>
      %dma_start3A_116 = arith.constant 0 : i32
      %dma_start3A_117 = tpu.memref_slice %arg6[%run_scoped3A_75, %dma_start3A_116] : memref<125x80xi32, #tpu.memory_space<vmem>> -> memref<1x80xi32, #tpu.memory_space<vmem>>
      %dma_start3A_118 = tpu.memref_squeeze %dma_start3A_117 : memref<1x80xi32, #tpu.memory_space<vmem>> -> memref<80xi32, #tpu.memory_space<vmem>>
      %dma_start3A_119 = arith.constant 0 : i32
      %dma_start3A_120 = arith.constant 0 : i32
      %dma_start3A_121 = tpu.memref_slice %arg13[%dma_start3A_119, %dma_start3A_120] : memref<10240x64xf32, #tpu.memory_space<vmem_shared>> -> memref<10240x64xf32, #tpu.memory_space<vmem_shared>>
      tpu.enqueue_indirect_dma source(%arg7 : memref<80x64xf32, #tpu.memory_space<vmem>>) target(%dma_start3A_121 : memref<10240x64xf32, #tpu.memory_space<vmem_shared>>) offsets(%dma_start3A_118 : memref<80xi32, #tpu.memory_space<vmem>>) semaphore(%run_scoped3A_115 : memref<!tpu.dma_semaphore, #tpu.memory_space<semaphore_mem>>) {add = true}
      %dma_wait3A_122 = arith.constant 0 : i32
      %dma_wait3A_123 = tpu.memref_slice %arg6[%run_scoped3A_75, %dma_wait3A_122] : memref<125x80xi32, #tpu.memory_space<vmem>> -> memref<1x80xi32, #tpu.memory_space<vmem>>
      %dma_wait3A_124 = tpu.memref_squeeze %dma_wait3A_123 : memref<1x80xi32, #tpu.memory_space<vmem>> -> memref<80xi32, #tpu.memory_space<vmem>>
      %dma_wait3A_125 = arith.constant 0 : i32
      %dma_wait3A_126 = arith.constant 0 : i32
      %dma_wait3A_127 = tpu.memref_slice %arg13[%dma_wait3A_125, %dma_wait3A_126] : memref<10240x64xf32, #tpu.memory_space<vmem_shared>> -> memref<10240x64xf32, #tpu.memory_space<vmem_shared>>
      tpu.wait_indirect_dma semaphore(%run_scoped3A_115 : memref<!tpu.dma_semaphore, #tpu.memory_space<semaphore_mem>>) src(%arg7 : memref<80x64xf32, #tpu.memory_space<vmem>>) dst(%dma_wait3A_127 : memref<10240x64xf32, #tpu.memory_space<vmem_shared>>)
      tpu.yield
    }) : () -> ()
    %dma_wait3A_76 = arith.constant 121 : i32
    %dma_wait3A_77 = arith.constant 0 : i32
    %dma_wait3A_78 = tpu.memref_slice %arg5[%dma_wait3A_76, %dma_wait3A_77] : memref<125x80xi32, #tpu.memory_space<vmem>> -> memref<1x80xi32, #tpu.memory_space<vmem>>
    %dma_wait3A_79 = tpu.memref_squeeze %dma_wait3A_78 : memref<1x80xi32, #tpu.memory_space<vmem>> -> memref<80xi32, #tpu.memory_space<vmem>>
    %dma_wait3A_80 = arith.constant 0 : i32
    %dma_wait3A_81 = arith.constant 0 : i32
    %dma_wait3A_82 = tpu.memref_slice %arg2[%dma_wait3A_80, %dma_wait3A_81] : memref<10000x64xf32, #tpu.memory_space<hbm>> -> memref<10000x64xf32, #tpu.memory_space<hbm>>
    tpu.wait_indirect_dma semaphore(%arg16 : memref<!tpu.dma_semaphore, #tpu.memory_space<semaphore_mem>>) src(%dma_wait3A_82 : memref<10000x64xf32, #tpu.memory_space<hbm>>) dst(%arg8 : memref<80x64xf32, #tpu.memory_space<vmem>>)
    %run_scoped3A_83 = arith.constant 121 : i32
    "tpu.region"() ({
      %run_scoped3A_115 = tpu.sem_alloc : memref<!tpu.dma_semaphore, #tpu.memory_space<semaphore_mem>>
      %dma_start3A_116 = arith.constant 0 : i32
      %dma_start3A_117 = tpu.memref_slice %arg6[%run_scoped3A_83, %dma_start3A_116] : memref<125x80xi32, #tpu.memory_space<vmem>> -> memref<1x80xi32, #tpu.memory_space<vmem>>
      %dma_start3A_118 = tpu.memref_squeeze %dma_start3A_117 : memref<1x80xi32, #tpu.memory_space<vmem>> -> memref<80xi32, #tpu.memory_space<vmem>>
      %dma_start3A_119 = arith.constant 0 : i32
      %dma_start3A_120 = arith.constant 0 : i32
      %dma_start3A_121 = tpu.memref_slice %arg13[%dma_start3A_119, %dma_start3A_120] : memref<10240x64xf32, #tpu.memory_space<vmem_shared>> -> memref<10240x64xf32, #tpu.memory_space<vmem_shared>>
      tpu.enqueue_indirect_dma source(%arg8 : memref<80x64xf32, #tpu.memory_space<vmem>>) target(%dma_start3A_121 : memref<10240x64xf32, #tpu.memory_space<vmem_shared>>) offsets(%dma_start3A_118 : memref<80xi32, #tpu.memory_space<vmem>>) semaphore(%run_scoped3A_115 : memref<!tpu.dma_semaphore, #tpu.memory_space<semaphore_mem>>) {add = true}
      %dma_wait3A_122 = arith.constant 0 : i32
      %dma_wait3A_123 = tpu.memref_slice %arg6[%run_scoped3A_83, %dma_wait3A_122] : memref<125x80xi32, #tpu.memory_space<vmem>> -> memref<1x80xi32, #tpu.memory_space<vmem>>
      %dma_wait3A_124 = tpu.memref_squeeze %dma_wait3A_123 : memref<1x80xi32, #tpu.memory_space<vmem>> -> memref<80xi32, #tpu.memory_space<vmem>>
      %dma_wait3A_125 = arith.constant 0 : i32
      %dma_wait3A_126 = arith.constant 0 : i32
      %dma_wait3A_127 = tpu.memref_slice %arg13[%dma_wait3A_125, %dma_wait3A_126] : memref<10240x64xf32, #tpu.memory_space<vmem_shared>> -> memref<10240x64xf32, #tpu.memory_space<vmem_shared>>
      tpu.wait_indirect_dma semaphore(%run_scoped3A_115 : memref<!tpu.dma_semaphore, #tpu.memory_space<semaphore_mem>>) src(%arg8 : memref<80x64xf32, #tpu.memory_space<vmem>>) dst(%dma_wait3A_127 : memref<10240x64xf32, #tpu.memory_space<vmem_shared>>)
      tpu.yield
    }) : () -> ()
    %dma_wait3A_84 = arith.constant 122 : i32
    %dma_wait3A_85 = arith.constant 0 : i32
    %dma_wait3A_86 = tpu.memref_slice %arg5[%dma_wait3A_84, %dma_wait3A_85] : memref<125x80xi32, #tpu.memory_space<vmem>> -> memref<1x80xi32, #tpu.memory_space<vmem>>
    %dma_wait3A_87 = tpu.memref_squeeze %dma_wait3A_86 : memref<1x80xi32, #tpu.memory_space<vmem>> -> memref<80xi32, #tpu.memory_space<vmem>>
    %dma_wait3A_88 = arith.constant 0 : i32
    %dma_wait3A_89 = arith.constant 0 : i32
    %dma_wait3A_90 = tpu.memref_slice %arg2[%dma_wait3A_88, %dma_wait3A_89] : memref<10000x64xf32, #tpu.memory_space<hbm>> -> memref<10000x64xf32, #tpu.memory_space<hbm>>
    tpu.wait_indirect_dma semaphore(%arg17 : memref<!tpu.dma_semaphore, #tpu.memory_space<semaphore_mem>>) src(%dma_wait3A_90 : memref<10000x64xf32, #tpu.memory_space<hbm>>) dst(%arg9 : memref<80x64xf32, #tpu.memory_space<vmem>>)
    %run_scoped3A_91 = arith.constant 122 : i32
    "tpu.region"() ({
      %run_scoped3A_115 = tpu.sem_alloc : memref<!tpu.dma_semaphore, #tpu.memory_space<semaphore_mem>>
      %dma_start3A_116 = arith.constant 0 : i32
      %dma_start3A_117 = tpu.memref_slice %arg6[%run_scoped3A_91, %dma_start3A_116] : memref<125x80xi32, #tpu.memory_space<vmem>> -> memref<1x80xi32, #tpu.memory_space<vmem>>
      %dma_start3A_118 = tpu.memref_squeeze %dma_start3A_117 : memref<1x80xi32, #tpu.memory_space<vmem>> -> memref<80xi32, #tpu.memory_space<vmem>>
      %dma_start3A_119 = arith.constant 0 : i32
      %dma_start3A_120 = arith.constant 0 : i32
      %dma_start3A_121 = tpu.memref_slice %arg13[%dma_start3A_119, %dma_start3A_120] : memref<10240x64xf32, #tpu.memory_space<vmem_shared>> -> memref<10240x64xf32, #tpu.memory_space<vmem_shared>>
      tpu.enqueue_indirect_dma source(%arg9 : memref<80x64xf32, #tpu.memory_space<vmem>>) target(%dma_start3A_121 : memref<10240x64xf32, #tpu.memory_space<vmem_shared>>) offsets(%dma_start3A_118 : memref<80xi32, #tpu.memory_space<vmem>>) semaphore(%run_scoped3A_115 : memref<!tpu.dma_semaphore, #tpu.memory_space<semaphore_mem>>) {add = true}
      %dma_wait3A_122 = arith.constant 0 : i32
      %dma_wait3A_123 = tpu.memref_slice %arg6[%run_scoped3A_91, %dma_wait3A_122] : memref<125x80xi32, #tpu.memory_space<vmem>> -> memref<1x80xi32, #tpu.memory_space<vmem>>
      %dma_wait3A_124 = tpu.memref_squeeze %dma_wait3A_123 : memref<1x80xi32, #tpu.memory_space<vmem>> -> memref<80xi32, #tpu.memory_space<vmem>>
      %dma_wait3A_125 = arith.constant 0 : i32
      %dma_wait3A_126 = arith.constant 0 : i32
      %dma_wait3A_127 = tpu.memref_slice %arg13[%dma_wait3A_125, %dma_wait3A_126] : memref<10240x64xf32, #tpu.memory_space<vmem_shared>> -> memref<10240x64xf32, #tpu.memory_space<vmem_shared>>
      tpu.wait_indirect_dma semaphore(%run_scoped3A_115 : memref<!tpu.dma_semaphore, #tpu.memory_space<semaphore_mem>>) src(%arg9 : memref<80x64xf32, #tpu.memory_space<vmem>>) dst(%dma_wait3A_127 : memref<10240x64xf32, #tpu.memory_space<vmem_shared>>)
      tpu.yield
    }) : () -> ()
    %dma_wait3A_92 = arith.constant 123 : i32
    %dma_wait3A_93 = arith.constant 0 : i32
    %dma_wait3A_94 = tpu.memref_slice %arg5[%dma_wait3A_92, %dma_wait3A_93] : memref<125x80xi32, #tpu.memory_space<vmem>> -> memref<1x80xi32, #tpu.memory_space<vmem>>
    %dma_wait3A_95 = tpu.memref_squeeze %dma_wait3A_94 : memref<1x80xi32, #tpu.memory_space<vmem>> -> memref<80xi32, #tpu.memory_space<vmem>>
    %dma_wait3A_96 = arith.constant 0 : i32
    %dma_wait3A_97 = arith.constant 0 : i32
    %dma_wait3A_98 = tpu.memref_slice %arg2[%dma_wait3A_96, %dma_wait3A_97] : memref<10000x64xf32, #tpu.memory_space<hbm>> -> memref<10000x64xf32, #tpu.memory_space<hbm>>
    tpu.wait_indirect_dma semaphore(%arg18 : memref<!tpu.dma_semaphore, #tpu.memory_space<semaphore_mem>>) src(%dma_wait3A_98 : memref<10000x64xf32, #tpu.memory_space<hbm>>) dst(%arg10 : memref<80x64xf32, #tpu.memory_space<vmem>>)
    %run_scoped3A_99 = arith.constant 123 : i32
    "tpu.region"() ({
      %run_scoped3A_115 = tpu.sem_alloc : memref<!tpu.dma_semaphore, #tpu.memory_space<semaphore_mem>>
      %dma_start3A_116 = arith.constant 0 : i32
      %dma_start3A_117 = tpu.memref_slice %arg6[%run_scoped3A_99, %dma_start3A_116] : memref<125x80xi32, #tpu.memory_space<vmem>> -> memref<1x80xi32, #tpu.memory_space<vmem>>
      %dma_start3A_118 = tpu.memref_squeeze %dma_start3A_117 : memref<1x80xi32, #tpu.memory_space<vmem>> -> memref<80xi32, #tpu.memory_space<vmem>>
      %dma_start3A_119 = arith.constant 0 : i32
      %dma_start3A_120 = arith.constant 0 : i32
      %dma_start3A_121 = tpu.memref_slice %arg13[%dma_start3A_119, %dma_start3A_120] : memref<10240x64xf32, #tpu.memory_space<vmem_shared>> -> memref<10240x64xf32, #tpu.memory_space<vmem_shared>>
      tpu.enqueue_indirect_dma source(%arg10 : memref<80x64xf32, #tpu.memory_space<vmem>>) target(%dma_start3A_121 : memref<10240x64xf32, #tpu.memory_space<vmem_shared>>) offsets(%dma_start3A_118 : memref<80xi32, #tpu.memory_space<vmem>>) semaphore(%run_scoped3A_115 : memref<!tpu.dma_semaphore, #tpu.memory_space<semaphore_mem>>) {add = true}
      %dma_wait3A_122 = arith.constant 0 : i32
      %dma_wait3A_123 = tpu.memref_slice %arg6[%run_scoped3A_99, %dma_wait3A_122] : memref<125x80xi32, #tpu.memory_space<vmem>> -> memref<1x80xi32, #tpu.memory_space<vmem>>
      %dma_wait3A_124 = tpu.memref_squeeze %dma_wait3A_123 : memref<1x80xi32, #tpu.memory_space<vmem>> -> memref<80xi32, #tpu.memory_space<vmem>>
      %dma_wait3A_125 = arith.constant 0 : i32
      %dma_wait3A_126 = arith.constant 0 : i32
      %dma_wait3A_127 = tpu.memref_slice %arg13[%dma_wait3A_125, %dma_wait3A_126] : memref<10240x64xf32, #tpu.memory_space<vmem_shared>> -> memref<10240x64xf32, #tpu.memory_space<vmem_shared>>
      tpu.wait_indirect_dma semaphore(%run_scoped3A_115 : memref<!tpu.dma_semaphore, #tpu.memory_space<semaphore_mem>>) src(%arg10 : memref<80x64xf32, #tpu.memory_space<vmem>>) dst(%dma_wait3A_127 : memref<10240x64xf32, #tpu.memory_space<vmem_shared>>)
      tpu.yield
    }) : () -> ()
    %dma_wait3A_100 = arith.constant 124 : i32
    %dma_wait3A_101 = arith.constant 0 : i32
    %dma_wait3A_102 = tpu.memref_slice %arg5[%dma_wait3A_100, %dma_wait3A_101] : memref<125x80xi32, #tpu.memory_space<vmem>> -> memref<1x80xi32, #tpu.memory_space<vmem>>
    %dma_wait3A_103 = tpu.memref_squeeze %dma_wait3A_102 : memref<1x80xi32, #tpu.memory_space<vmem>> -> memref<80xi32, #tpu.memory_space<vmem>>
    %dma_wait3A_104 = arith.constant 0 : i32
    %dma_wait3A_105 = arith.constant 0 : i32
    %dma_wait3A_106 = tpu.memref_slice %arg2[%dma_wait3A_104, %dma_wait3A_105] : memref<10000x64xf32, #tpu.memory_space<hbm>> -> memref<10000x64xf32, #tpu.memory_space<hbm>>
    tpu.wait_indirect_dma semaphore(%arg19 : memref<!tpu.dma_semaphore, #tpu.memory_space<semaphore_mem>>) src(%dma_wait3A_106 : memref<10000x64xf32, #tpu.memory_space<hbm>>) dst(%arg11 : memref<80x64xf32, #tpu.memory_space<vmem>>)
    %run_scoped3A_107 = arith.constant 124 : i32
    "tpu.region"() ({
      %run_scoped3A_115 = tpu.sem_alloc : memref<!tpu.dma_semaphore, #tpu.memory_space<semaphore_mem>>
      %dma_start3A_116 = arith.constant 0 : i32
      %dma_start3A_117 = tpu.memref_slice %arg6[%run_scoped3A_107, %dma_start3A_116] : memref<125x80xi32, #tpu.memory_space<vmem>> -> memref<1x80xi32, #tpu.memory_space<vmem>>
      %dma_start3A_118 = tpu.memref_squeeze %dma_start3A_117 : memref<1x80xi32, #tpu.memory_space<vmem>> -> memref<80xi32, #tpu.memory_space<vmem>>
      %dma_start3A_119 = arith.constant 0 : i32
      %dma_start3A_120 = arith.constant 0 : i32
      %dma_start3A_121 = tpu.memref_slice %arg13[%dma_start3A_119, %dma_start3A_120] : memref<10240x64xf32, #tpu.memory_space<vmem_shared>> -> memref<10240x64xf32, #tpu.memory_space<vmem_shared>>
      tpu.enqueue_indirect_dma source(%arg11 : memref<80x64xf32, #tpu.memory_space<vmem>>) target(%dma_start3A_121 : memref<10240x64xf32, #tpu.memory_space<vmem_shared>>) offsets(%dma_start3A_118 : memref<80xi32, #tpu.memory_space<vmem>>) semaphore(%run_scoped3A_115 : memref<!tpu.dma_semaphore, #tpu.memory_space<semaphore_mem>>) {add = true}
      %dma_wait3A_122 = arith.constant 0 : i32
      %dma_wait3A_123 = tpu.memref_slice %arg6[%run_scoped3A_107, %dma_wait3A_122] : memref<125x80xi32, #tpu.memory_space<vmem>> -> memref<1x80xi32, #tpu.memory_space<vmem>>
      %dma_wait3A_124 = tpu.memref_squeeze %dma_wait3A_123 : memref<1x80xi32, #tpu.memory_space<vmem>> -> memref<80xi32, #tpu.memory_space<vmem>>
      %dma_wait3A_125 = arith.constant 0 : i32
      %dma_wait3A_126 = arith.constant 0 : i32
      %dma_wait3A_127 = tpu.memref_slice %arg13[%dma_wait3A_125, %dma_wait3A_126] : memref<10240x64xf32, #tpu.memory_space<vmem_shared>> -> memref<10240x64xf32, #tpu.memory_space<vmem_shared>>
      tpu.wait_indirect_dma semaphore(%run_scoped3A_115 : memref<!tpu.dma_semaphore, #tpu.memory_space<semaphore_mem>>) src(%arg11 : memref<80x64xf32, #tpu.memory_space<vmem>>) dst(%dma_wait3A_127 : memref<10240x64xf32, #tpu.memory_space<vmem_shared>>)
      tpu.yield
    }) : () -> ()
    %barrier3A_108 = arith.constant 0 : index
    tpu.barrier barrier_id(%barrier3A_108)
    %lt3A = arith.constant 15 : i32
    %lt3A_109 = arith.cmpi slt, %arg1, %lt3A : i32
    %convert_element_type3A = arith.extui %lt3A_109 : i1 to i32
    %cond3A = arith.constant 0 : i32
    %cond3A_110 = arith.cmpi ne, %convert_element_type3A, %cond3A : i32
    scf.if %cond3A_110 {
      %mul3A_115 = arith.constant 640 : i32
      %mul3A_116 = arith.muli %arg1, %mul3A_115 : i32
      %mul3A_117 = arith.constant 640 : i32
      %mul3A_118 = arith.muli %arg1, %mul3A_117 : i32
      "tpu.region"() ({
        %run_scoped3A_119 = tpu.sem_alloc : memref<!tpu.dma_semaphore, #tpu.memory_space<semaphore_mem>>
        %dma_start3A_120 = arith.constant 0 : i32
        %dma_start3A_121 = tpu.memref_slice %arg4[%arg0, %mul3A_118, %dma_start3A_120] : memref<2x10000x64xf32, #tpu.memory_space<hbm>> -> memref<1x640x64xf32, #tpu.memory_space<hbm>>
        %dma_start3A_122 = tpu.memref_squeeze %dma_start3A_121 : memref<1x640x64xf32, #tpu.memory_space<hbm>> -> memref<640x64xf32, #tpu.memory_space<hbm>>
        %dma_start3A_123 = arith.constant 0 : i32
        %dma_start3A_124 = tpu.memref_slice %arg13[%mul3A_116, %dma_start3A_123] : memref<10240x64xf32, #tpu.memory_space<vmem_shared>> -> memref<640x64xf32, #tpu.memory_space<vmem_shared>>
        tpu.enqueue_dma source(%dma_start3A_124 : memref<640x64xf32, #tpu.memory_space<vmem_shared>>) target(%dma_start3A_122 : memref<640x64xf32, #tpu.memory_space<hbm>>) target_semaphore(%run_scoped3A_119 : memref<!tpu.dma_semaphore, #tpu.memory_space<semaphore_mem>>)
        %dma_wait3A_125 = arith.constant 0 : i32
        %dma_wait3A_126 = tpu.memref_slice %arg4[%arg0, %mul3A_118, %dma_wait3A_125] : memref<2x10000x64xf32, #tpu.memory_space<hbm>> -> memref<1x640x64xf32, #tpu.memory_space<hbm>>
        %dma_wait3A_127 = tpu.memref_squeeze %dma_wait3A_126 : memref<1x640x64xf32, #tpu.memory_space<hbm>> -> memref<640x64xf32, #tpu.memory_space<hbm>>
        %dma_wait3A_128 = arith.constant 0 : i32
        %dma_wait3A_129 = tpu.memref_slice %arg13[%mul3A_116, %dma_wait3A_128] : memref<10240x64xf32, #tpu.memory_space<vmem_shared>> -> memref<640x64xf32, #tpu.memory_space<vmem_shared>>
        tpu.wait_dma2 semaphore(%run_scoped3A_119 : memref<!tpu.dma_semaphore, #tpu.memory_space<semaphore_mem>>) src(%dma_wait3A_129 : memref<640x64xf32, #tpu.memory_space<vmem_shared>>) dst(%dma_wait3A_127 : memref<640x64xf32, #tpu.memory_space<hbm>>)
        tpu.yield
      }) : () -> ()
    } else {
    }
    %eq3A = arith.constant 15 : i32
    %eq3A_111 = arith.cmpi eq, %arg1, %eq3A : i32
    %convert_element_type3A_112 = arith.extui %eq3A_111 : i1 to i32
    %cond3A_113 = arith.constant 0 : i32
    %cond3A_114 = arith.cmpi ne, %convert_element_type3A_112, %cond3A_113 : i32
    scf.if %cond3A_114 {
      "tpu.region"() ({
        %run_scoped3A_115 = tpu.sem_alloc : memref<!tpu.dma_semaphore, #tpu.memory_space<semaphore_mem>>
        %dma_start3A_116 = arith.constant 9600 : i32
        %dma_start3A_117 = arith.constant 0 : i32
        %dma_start3A_118 = tpu.memref_slice %arg4[%arg0, %dma_start3A_116, %dma_start3A_117] : memref<2x10000x64xf32, #tpu.memory_space<hbm>> -> memref<1x400x64xf32, #tpu.memory_space<hbm>>
        %dma_start3A_119 = tpu.memref_squeeze %dma_start3A_118 : memref<1x400x64xf32, #tpu.memory_space<hbm>> -> memref<400x64xf32, #tpu.memory_space<hbm>>
        %dma_start3A_120 = arith.constant 9600 : i32
        %dma_start3A_121 = arith.constant 0 : i32
        %dma_start3A_122 = tpu.memref_slice %arg13[%dma_start3A_120, %dma_start3A_121] : memref<10240x64xf32, #tpu.memory_space<vmem_shared>> -> memref<400x64xf32, #tpu.memory_space<vmem_shared>>
        tpu.enqueue_dma source(%dma_start3A_122 : memref<400x64xf32, #tpu.memory_space<vmem_shared>>) target(%dma_start3A_119 : memref<400x64xf32, #tpu.memory_space<hbm>>) target_semaphore(%run_scoped3A_115 : memref<!tpu.dma_semaphore, #tpu.memory_space<semaphore_mem>>)
        %dma_wait3A_123 = arith.constant 9600 : i32
        %dma_wait3A_124 = arith.constant 0 : i32
        %dma_wait3A_125 = tpu.memref_slice %arg4[%arg0, %dma_wait3A_123, %dma_wait3A_124] : memref<2x10000x64xf32, #tpu.memory_space<hbm>> -> memref<1x400x64xf32, #tpu.memory_space<hbm>>
        %dma_wait3A_126 = tpu.memref_squeeze %dma_wait3A_125 : memref<1x400x64xf32, #tpu.memory_space<hbm>> -> memref<400x64xf32, #tpu.memory_space<hbm>>
        %dma_wait3A_127 = arith.constant 9600 : i32
        %dma_wait3A_128 = arith.constant 0 : i32
        %dma_wait3A_129 = tpu.memref_slice %arg13[%dma_wait3A_127, %dma_wait3A_128] : memref<10240x64xf32, #tpu.memory_space<vmem_shared>> -> memref<400x64xf32, #tpu.memory_space<vmem_shared>>
        tpu.wait_dma2 semaphore(%run_scoped3A_115 : memref<!tpu.dma_semaphore, #tpu.memory_space<semaphore_mem>>) src(%dma_wait3A_129 : memref<400x64xf32, #tpu.memory_space<vmem_shared>>) dst(%dma_wait3A_126 : memref<400x64xf32, #tpu.memory_space<hbm>>)
        tpu.yield
      }) : () -> ()
    } else {
    }
    return
  }
}

#map = affine_map<(d0, d1) -> (0, 0)>
#map1 = affine_map<(d0, d1) -> (0, 0, 0, 0)>
#map2 = affine_map<(d0, d1) -> (0, 0, 0)>
module attributes {stable_mosaic.version = 14 : i64} {
  func.func @agg_kernel(%arg0: i32, %arg1: i32, %arg2: memref<10000x16xf32, #tpu.memory_space<hbm>>, %arg3: memref<2x32x125x80xi32, #tpu.memory_space<hbm>>, %arg4: memref<2x10000x16xf32, #tpu.memory_space<hbm>>, %arg5: memref<125x80xi32, #tpu.memory_space<vmem>>, %arg6: memref<125x80xi32, #tpu.memory_space<vmem>>, %arg7: memref<80x16xf32, #tpu.memory_space<vmem>>, %arg8: memref<80x16xf32, #tpu.memory_space<vmem>>, %arg9: memref<80x16xf32, #tpu.memory_space<vmem>>, %arg10: memref<80x16xf32, #tpu.memory_space<vmem>>, %arg11: memref<80x16xf32, #tpu.memory_space<vmem>>, %arg12: memref<128x16xf32, #tpu.memory_space<vmem>>, %arg13: memref<10240x16xf32, #tpu.memory_space<vmem_shared>>, %arg14: memref<10000x16xf32, #tpu.memory_space<vmem_shared>>, %arg15: memref<!tpu.dma_semaphore, #tpu.memory_space<semaphore_mem>>, %arg16: memref<!tpu.dma_semaphore, #tpu.memory_space<semaphore_mem>>, %arg17: memref<!tpu.dma_semaphore, #tpu.memory_space<semaphore_mem>>, %arg18: memref<!tpu.dma_semaphore, #tpu.memory_space<semaphore_mem>>, %arg19: memref<!tpu.dma_semaphore, #tpu.memory_space<semaphore_mem>>) attributes {dimension_semantics = [#tpu.dimension_semantics<core_parallel>, #tpu.dimension_semantics<subcore_parallel>], iteration_bounds = array<i64: 2, 16>, scalar_prefetch = 0 : i64, scratch_operands = 15 : i64, tpu.core_type = #tpu.core_type<sc_vector_subcore>, window_params = [{transform_indices = #map}, {transform_indices = #map1}, {transform_indices = #map2}]} {
    %mul3A = arith.constant 16 : i32
    %mul3A_0 = arith.muli %arg0, %mul3A : i32
    %add3A = arith.addi %mul3A_0, %arg1 : i32
    %run_scoped3A = arith.constant 0 : i32
    "tpu.region"() ({
      %run_scoped3A_125 = tpu.sem_alloc : memref<!tpu.dma_semaphore, #tpu.memory_space<semaphore_mem>>
      %dma_start3A_126 = arith.constant 0 : i32
      %dma_start3A_127 = arith.constant 0 : i32
      %dma_start3A_128 = tpu.memref_slice %arg3[%run_scoped3A, %add3A, %dma_start3A_126, %dma_start3A_127] : memref<2x32x125x80xi32, #tpu.memory_space<hbm>> -> memref<1x1x125x80xi32, #tpu.memory_space<hbm>>
      %dma_start3A_129 = tpu.memref_squeeze %dma_start3A_128 : memref<1x1x125x80xi32, #tpu.memory_space<hbm>> -> memref<125x80xi32, #tpu.memory_space<hbm>>
      %dma_start3A_130 = arith.constant 0 : i32
      %dma_start3A_131 = arith.constant 0 : i32
      %dma_start3A_132 = tpu.memref_slice %arg3[%run_scoped3A, %add3A, %dma_start3A_130, %dma_start3A_131] : memref<2x32x125x80xi32, #tpu.memory_space<hbm>> -> memref<1x1x125x80xi32, #tpu.memory_space<hbm>>
      %dma_start3A_133 = tpu.memref_squeeze %dma_start3A_132 : memref<1x1x125x80xi32, #tpu.memory_space<hbm>> -> memref<125x80xi32, #tpu.memory_space<hbm>>
      tpu.enqueue_dma source(%dma_start3A_133 : memref<125x80xi32, #tpu.memory_space<hbm>>) target(%arg5 : memref<125x80xi32, #tpu.memory_space<vmem>>) target_semaphore(%run_scoped3A_125 : memref<!tpu.dma_semaphore, #tpu.memory_space<semaphore_mem>>)
      %dma_wait3A_134 = arith.constant 0 : i32
      %dma_wait3A_135 = arith.constant 0 : i32
      %dma_wait3A_136 = tpu.memref_slice %arg3[%run_scoped3A, %add3A, %dma_wait3A_134, %dma_wait3A_135] : memref<2x32x125x80xi32, #tpu.memory_space<hbm>> -> memref<1x1x125x80xi32, #tpu.memory_space<hbm>>
      %dma_wait3A_137 = tpu.memref_squeeze %dma_wait3A_136 : memref<1x1x125x80xi32, #tpu.memory_space<hbm>> -> memref<125x80xi32, #tpu.memory_space<hbm>>
      %dma_wait3A_138 = arith.constant 0 : i32
      %dma_wait3A_139 = arith.constant 0 : i32
      %dma_wait3A_140 = tpu.memref_slice %arg3[%run_scoped3A, %add3A, %dma_wait3A_138, %dma_wait3A_139] : memref<2x32x125x80xi32, #tpu.memory_space<hbm>> -> memref<1x1x125x80xi32, #tpu.memory_space<hbm>>
      %dma_wait3A_141 = tpu.memref_squeeze %dma_wait3A_140 : memref<1x1x125x80xi32, #tpu.memory_space<hbm>> -> memref<125x80xi32, #tpu.memory_space<hbm>>
      tpu.wait_dma2 semaphore(%run_scoped3A_125 : memref<!tpu.dma_semaphore, #tpu.memory_space<semaphore_mem>>) src(%dma_wait3A_141 : memref<125x80xi32, #tpu.memory_space<hbm>>) dst(%arg5 : memref<125x80xi32, #tpu.memory_space<vmem>>)
      tpu.yield
    }) : () -> ()
    %run_scoped3A_1 = arith.constant 1 : i32
    "tpu.region"() ({
      %run_scoped3A_125 = tpu.sem_alloc : memref<!tpu.dma_semaphore, #tpu.memory_space<semaphore_mem>>
      %dma_start3A_126 = arith.constant 0 : i32
      %dma_start3A_127 = arith.constant 0 : i32
      %dma_start3A_128 = tpu.memref_slice %arg3[%run_scoped3A_1, %add3A, %dma_start3A_126, %dma_start3A_127] : memref<2x32x125x80xi32, #tpu.memory_space<hbm>> -> memref<1x1x125x80xi32, #tpu.memory_space<hbm>>
      %dma_start3A_129 = tpu.memref_squeeze %dma_start3A_128 : memref<1x1x125x80xi32, #tpu.memory_space<hbm>> -> memref<125x80xi32, #tpu.memory_space<hbm>>
      %dma_start3A_130 = arith.constant 0 : i32
      %dma_start3A_131 = arith.constant 0 : i32
      %dma_start3A_132 = tpu.memref_slice %arg3[%run_scoped3A_1, %add3A, %dma_start3A_130, %dma_start3A_131] : memref<2x32x125x80xi32, #tpu.memory_space<hbm>> -> memref<1x1x125x80xi32, #tpu.memory_space<hbm>>
      %dma_start3A_133 = tpu.memref_squeeze %dma_start3A_132 : memref<1x1x125x80xi32, #tpu.memory_space<hbm>> -> memref<125x80xi32, #tpu.memory_space<hbm>>
      tpu.enqueue_dma source(%dma_start3A_133 : memref<125x80xi32, #tpu.memory_space<hbm>>) target(%arg6 : memref<125x80xi32, #tpu.memory_space<vmem>>) target_semaphore(%run_scoped3A_125 : memref<!tpu.dma_semaphore, #tpu.memory_space<semaphore_mem>>)
      %dma_wait3A_134 = arith.constant 0 : i32
      %dma_wait3A_135 = arith.constant 0 : i32
      %dma_wait3A_136 = tpu.memref_slice %arg3[%run_scoped3A_1, %add3A, %dma_wait3A_134, %dma_wait3A_135] : memref<2x32x125x80xi32, #tpu.memory_space<hbm>> -> memref<1x1x125x80xi32, #tpu.memory_space<hbm>>
      %dma_wait3A_137 = tpu.memref_squeeze %dma_wait3A_136 : memref<1x1x125x80xi32, #tpu.memory_space<hbm>> -> memref<125x80xi32, #tpu.memory_space<hbm>>
      %dma_wait3A_138 = arith.constant 0 : i32
      %dma_wait3A_139 = arith.constant 0 : i32
      %dma_wait3A_140 = tpu.memref_slice %arg3[%run_scoped3A_1, %add3A, %dma_wait3A_138, %dma_wait3A_139] : memref<2x32x125x80xi32, #tpu.memory_space<hbm>> -> memref<1x1x125x80xi32, #tpu.memory_space<hbm>>
      %dma_wait3A_141 = tpu.memref_squeeze %dma_wait3A_140 : memref<1x1x125x80xi32, #tpu.memory_space<hbm>> -> memref<125x80xi32, #tpu.memory_space<hbm>>
      tpu.wait_dma2 semaphore(%run_scoped3A_125 : memref<!tpu.dma_semaphore, #tpu.memory_space<semaphore_mem>>) src(%dma_wait3A_141 : memref<125x80xi32, #tpu.memory_space<hbm>>) dst(%arg6 : memref<125x80xi32, #tpu.memory_space<vmem>>)
      tpu.yield
    }) : () -> ()
    %lt3A = arith.constant 15 : i32
    %lt3A_2 = arith.cmpi slt, %arg1, %lt3A : i32
    %convert_element_type3A = arith.extui %lt3A_2 : i1 to i32
    %cond3A = arith.constant 0 : i32
    %cond3A_3 = arith.cmpi ne, %convert_element_type3A, %cond3A : i32
    scf.if %cond3A_3 {
      %mul3A_125 = arith.constant 640 : i32
      %mul3A_126 = arith.muli %arg1, %mul3A_125 : i32
      %mul3A_127 = arith.constant 640 : i32
      %mul3A_128 = arith.muli %arg1, %mul3A_127 : i32
      "tpu.region"() ({
        %run_scoped3A_129 = tpu.sem_alloc : memref<!tpu.dma_semaphore, #tpu.memory_space<semaphore_mem>>
        %dma_start3A_130 = arith.constant 0 : i32
        %dma_start3A_131 = tpu.memref_slice %arg14[%mul3A_128, %dma_start3A_130] : memref<10000x16xf32, #tpu.memory_space<vmem_shared>> -> memref<640x16xf32, #tpu.memory_space<vmem_shared>>
        %dma_start3A_132 = arith.constant 0 : i32
        %dma_start3A_133 = tpu.memref_slice %arg2[%mul3A_126, %dma_start3A_132] : memref<10000x16xf32, #tpu.memory_space<hbm>> -> memref<640x16xf32, #tpu.memory_space<hbm>>
        tpu.enqueue_dma source(%dma_start3A_133 : memref<640x16xf32, #tpu.memory_space<hbm>>) target(%dma_start3A_131 : memref<640x16xf32, #tpu.memory_space<vmem_shared>>) target_semaphore(%run_scoped3A_129 : memref<!tpu.dma_semaphore, #tpu.memory_space<semaphore_mem>>)
        %dma_wait3A_134 = arith.constant 0 : i32
        %dma_wait3A_135 = tpu.memref_slice %arg14[%mul3A_128, %dma_wait3A_134] : memref<10000x16xf32, #tpu.memory_space<vmem_shared>> -> memref<640x16xf32, #tpu.memory_space<vmem_shared>>
        %dma_wait3A_136 = arith.constant 0 : i32
        %dma_wait3A_137 = tpu.memref_slice %arg2[%mul3A_126, %dma_wait3A_136] : memref<10000x16xf32, #tpu.memory_space<hbm>> -> memref<640x16xf32, #tpu.memory_space<hbm>>
        tpu.wait_dma2 semaphore(%run_scoped3A_129 : memref<!tpu.dma_semaphore, #tpu.memory_space<semaphore_mem>>) src(%dma_wait3A_137 : memref<640x16xf32, #tpu.memory_space<hbm>>) dst(%dma_wait3A_135 : memref<640x16xf32, #tpu.memory_space<vmem_shared>>)
        tpu.yield
      }) : () -> ()
    } else {
    }
    %eq3A = arith.constant 15 : i32
    %eq3A_4 = arith.cmpi eq, %arg1, %eq3A : i32
    %convert_element_type3A_5 = arith.extui %eq3A_4 : i1 to i32
    %cond3A_6 = arith.constant 0 : i32
    %cond3A_7 = arith.cmpi ne, %convert_element_type3A_5, %cond3A_6 : i32
    scf.if %cond3A_7 {
      "tpu.region"() ({
        %run_scoped3A_125 = tpu.sem_alloc : memref<!tpu.dma_semaphore, #tpu.memory_space<semaphore_mem>>
        %dma_start3A_126 = arith.constant 9600 : i32
        %dma_start3A_127 = arith.constant 0 : i32
        %dma_start3A_128 = tpu.memref_slice %arg14[%dma_start3A_126, %dma_start3A_127] : memref<10000x16xf32, #tpu.memory_space<vmem_shared>> -> memref<400x16xf32, #tpu.memory_space<vmem_shared>>
        %dma_start3A_129 = arith.constant 9600 : i32
        %dma_start3A_130 = arith.constant 0 : i32
        %dma_start3A_131 = tpu.memref_slice %arg2[%dma_start3A_129, %dma_start3A_130] : memref<10000x16xf32, #tpu.memory_space<hbm>> -> memref<400x16xf32, #tpu.memory_space<hbm>>
        tpu.enqueue_dma source(%dma_start3A_131 : memref<400x16xf32, #tpu.memory_space<hbm>>) target(%dma_start3A_128 : memref<400x16xf32, #tpu.memory_space<vmem_shared>>) target_semaphore(%run_scoped3A_125 : memref<!tpu.dma_semaphore, #tpu.memory_space<semaphore_mem>>)
        %dma_wait3A_132 = arith.constant 9600 : i32
        %dma_wait3A_133 = arith.constant 0 : i32
        %dma_wait3A_134 = tpu.memref_slice %arg14[%dma_wait3A_132, %dma_wait3A_133] : memref<10000x16xf32, #tpu.memory_space<vmem_shared>> -> memref<400x16xf32, #tpu.memory_space<vmem_shared>>
        %dma_wait3A_135 = arith.constant 9600 : i32
        %dma_wait3A_136 = arith.constant 0 : i32
        %dma_wait3A_137 = tpu.memref_slice %arg2[%dma_wait3A_135, %dma_wait3A_136] : memref<10000x16xf32, #tpu.memory_space<hbm>> -> memref<400x16xf32, #tpu.memory_space<hbm>>
        tpu.wait_dma2 semaphore(%run_scoped3A_125 : memref<!tpu.dma_semaphore, #tpu.memory_space<semaphore_mem>>) src(%dma_wait3A_137 : memref<400x16xf32, #tpu.memory_space<hbm>>) dst(%dma_wait3A_134 : memref<400x16xf32, #tpu.memory_space<vmem_shared>>)
        tpu.yield
      }) : () -> ()
    } else {
    }
    %scan3A = arith.constant 0 : i32
    %scan3A_8 = arith.constant 0 : i32
    %scan3A_9 = arith.constant 128 : i32
    %scan3A_10 = arith.addi %scan3A_8, %scan3A_9 : i32
    %scan3A_11 = arith.constant 1 : i32
    %scan3A_12 = scf.for %scan3A_125 = %scan3A_8 to %scan3A_10 step %scan3A_11 iter_args(%scan3A_126 = %scan3A) -> (i32)  : i32 {
      %broadcast_in_dim3A = arith.constant 0.000000e+00 : f32
      %broadcast_in_dim3A_127 = vector.broadcast %broadcast_in_dim3A : f32 to vector<16xf32>
      %swap3A = arith.index_cast %scan3A_125 : i32 to index
      %swap3A_128 = arith.constant 0 : index
      %swap3A_129 = tpu.vector_load %arg12[%swap3A, %swap3A_128] {strides = array<i32>} : memref<128x16xf32, #tpu.memory_space<vmem>>, vector<1x16xf32>,
      %swap3A_130 = vector.shape_cast %swap3A_129 : vector<1x16xf32> to vector<16xf32>
      %swap3A_131 = vector.shape_cast %broadcast_in_dim3A_127 : vector<16xf32> to vector<1x16xf32>
      tpu.vector_store %arg12[%swap3A, %swap3A_128], %swap3A_131 {strides = array<i32>} : memref<128x16xf32, #tpu.memory_space<vmem>>, vector<1x16xf32>,
      %scan3A_132 = arith.constant 0 : i32
      scf.yield %scan3A_132 : i32
    }
    %scan3A_13 = arith.constant 128 : i32
    %mul3A_14 = arith.constant 640 : i32
    %mul3A_15 = arith.muli %arg1, %mul3A_14 : i32
    %add3A_16 = arith.constant 0 : i32
    %add3A_17 = arith.addi %mul3A_15, %add3A_16 : i32
    "tpu.region"() ({
      %run_scoped3A_125 = tpu.sem_alloc : memref<!tpu.dma_semaphore, #tpu.memory_space<semaphore_mem>>
      %dma_start3A_126 = arith.constant 0 : i32
      %dma_start3A_127 = tpu.memref_slice %arg13[%add3A_17, %dma_start3A_126] : memref<10240x16xf32, #tpu.memory_space<vmem_shared>> -> memref<128x16xf32, #tpu.memory_space<vmem_shared>>
      %dma_start3A_128 = arith.constant 0 : i32
      %dma_start3A_129 = tpu.memref_slice %arg13[%add3A_17, %dma_start3A_128] : memref<10240x16xf32, #tpu.memory_space<vmem_shared>> -> memref<128x16xf32, #tpu.memory_space<vmem_shared>>
      tpu.enqueue_dma source(%arg12 : memref<128x16xf32, #tpu.memory_space<vmem>>) target(%dma_start3A_129 : memref<128x16xf32, #tpu.memory_space<vmem_shared>>) target_semaphore(%run_scoped3A_125 : memref<!tpu.dma_semaphore, #tpu.memory_space<semaphore_mem>>)
      %dma_wait3A_130 = arith.constant 0 : i32
      %dma_wait3A_131 = tpu.memref_slice %arg13[%add3A_17, %dma_wait3A_130] : memref<10240x16xf32, #tpu.memory_space<vmem_shared>> -> memref<128x16xf32, #tpu.memory_space<vmem_shared>>
      %dma_wait3A_132 = arith.constant 0 : i32
      %dma_wait3A_133 = tpu.memref_slice %arg13[%add3A_17, %dma_wait3A_132] : memref<10240x16xf32, #tpu.memory_space<vmem_shared>> -> memref<128x16xf32, #tpu.memory_space<vmem_shared>>
      tpu.wait_dma2 semaphore(%run_scoped3A_125 : memref<!tpu.dma_semaphore, #tpu.memory_space<semaphore_mem>>) src(%arg12 : memref<128x16xf32, #tpu.memory_space<vmem>>) dst(%dma_wait3A_133 : memref<128x16xf32, #tpu.memory_space<vmem_shared>>)
      tpu.yield
    }) : () -> ()
    %mul3A_18 = arith.constant 640 : i32
    %mul3A_19 = arith.muli %arg1, %mul3A_18 : i32
    %add3A_20 = arith.constant 128 : i32
    %add3A_21 = arith.addi %mul3A_19, %add3A_20 : i32
    "tpu.region"() ({
      %run_scoped3A_125 = tpu.sem_alloc : memref<!tpu.dma_semaphore, #tpu.memory_space<semaphore_mem>>
      %dma_start3A_126 = arith.constant 0 : i32
      %dma_start3A_127 = tpu.memref_slice %arg13[%add3A_21, %dma_start3A_126] : memref<10240x16xf32, #tpu.memory_space<vmem_shared>> -> memref<128x16xf32, #tpu.memory_space<vmem_shared>>
      %dma_start3A_128 = arith.constant 0 : i32
      %dma_start3A_129 = tpu.memref_slice %arg13[%add3A_21, %dma_start3A_128] : memref<10240x16xf32, #tpu.memory_space<vmem_shared>> -> memref<128x16xf32, #tpu.memory_space<vmem_shared>>
      tpu.enqueue_dma source(%arg12 : memref<128x16xf32, #tpu.memory_space<vmem>>) target(%dma_start3A_129 : memref<128x16xf32, #tpu.memory_space<vmem_shared>>) target_semaphore(%run_scoped3A_125 : memref<!tpu.dma_semaphore, #tpu.memory_space<semaphore_mem>>)
      %dma_wait3A_130 = arith.constant 0 : i32
      %dma_wait3A_131 = tpu.memref_slice %arg13[%add3A_21, %dma_wait3A_130] : memref<10240x16xf32, #tpu.memory_space<vmem_shared>> -> memref<128x16xf32, #tpu.memory_space<vmem_shared>>
      %dma_wait3A_132 = arith.constant 0 : i32
      %dma_wait3A_133 = tpu.memref_slice %arg13[%add3A_21, %dma_wait3A_132] : memref<10240x16xf32, #tpu.memory_space<vmem_shared>> -> memref<128x16xf32, #tpu.memory_space<vmem_shared>>
      tpu.wait_dma2 semaphore(%run_scoped3A_125 : memref<!tpu.dma_semaphore, #tpu.memory_space<semaphore_mem>>) src(%arg12 : memref<128x16xf32, #tpu.memory_space<vmem>>) dst(%dma_wait3A_133 : memref<128x16xf32, #tpu.memory_space<vmem_shared>>)
      tpu.yield
    }) : () -> ()
    %mul3A_22 = arith.constant 640 : i32
    %mul3A_23 = arith.muli %arg1, %mul3A_22 : i32
    %add3A_24 = arith.constant 256 : i32
    %add3A_25 = arith.addi %mul3A_23, %add3A_24 : i32
    "tpu.region"() ({
      %run_scoped3A_125 = tpu.sem_alloc : memref<!tpu.dma_semaphore, #tpu.memory_space<semaphore_mem>>
      %dma_start3A_126 = arith.constant 0 : i32
      %dma_start3A_127 = tpu.memref_slice %arg13[%add3A_25, %dma_start3A_126] : memref<10240x16xf32, #tpu.memory_space<vmem_shared>> -> memref<128x16xf32, #tpu.memory_space<vmem_shared>>
      %dma_start3A_128 = arith.constant 0 : i32
      %dma_start3A_129 = tpu.memref_slice %arg13[%add3A_25, %dma_start3A_128] : memref<10240x16xf32, #tpu.memory_space<vmem_shared>> -> memref<128x16xf32, #tpu.memory_space<vmem_shared>>
      tpu.enqueue_dma source(%arg12 : memref<128x16xf32, #tpu.memory_space<vmem>>) target(%dma_start3A_129 : memref<128x16xf32, #tpu.memory_space<vmem_shared>>) target_semaphore(%run_scoped3A_125 : memref<!tpu.dma_semaphore, #tpu.memory_space<semaphore_mem>>)
      %dma_wait3A_130 = arith.constant 0 : i32
      %dma_wait3A_131 = tpu.memref_slice %arg13[%add3A_25, %dma_wait3A_130] : memref<10240x16xf32, #tpu.memory_space<vmem_shared>> -> memref<128x16xf32, #tpu.memory_space<vmem_shared>>
      %dma_wait3A_132 = arith.constant 0 : i32
      %dma_wait3A_133 = tpu.memref_slice %arg13[%add3A_25, %dma_wait3A_132] : memref<10240x16xf32, #tpu.memory_space<vmem_shared>> -> memref<128x16xf32, #tpu.memory_space<vmem_shared>>
      tpu.wait_dma2 semaphore(%run_scoped3A_125 : memref<!tpu.dma_semaphore, #tpu.memory_space<semaphore_mem>>) src(%arg12 : memref<128x16xf32, #tpu.memory_space<vmem>>) dst(%dma_wait3A_133 : memref<128x16xf32, #tpu.memory_space<vmem_shared>>)
      tpu.yield
    }) : () -> ()
    %mul3A_26 = arith.constant 640 : i32
    %mul3A_27 = arith.muli %arg1, %mul3A_26 : i32
    %add3A_28 = arith.constant 384 : i32
    %add3A_29 = arith.addi %mul3A_27, %add3A_28 : i32
    "tpu.region"() ({
      %run_scoped3A_125 = tpu.sem_alloc : memref<!tpu.dma_semaphore, #tpu.memory_space<semaphore_mem>>
      %dma_start3A_126 = arith.constant 0 : i32
      %dma_start3A_127 = tpu.memref_slice %arg13[%add3A_29, %dma_start3A_126] : memref<10240x16xf32, #tpu.memory_space<vmem_shared>> -> memref<128x16xf32, #tpu.memory_space<vmem_shared>>
      %dma_start3A_128 = arith.constant 0 : i32
      %dma_start3A_129 = tpu.memref_slice %arg13[%add3A_29, %dma_start3A_128] : memref<10240x16xf32, #tpu.memory_space<vmem_shared>> -> memref<128x16xf32, #tpu.memory_space<vmem_shared>>
      tpu.enqueue_dma source(%arg12 : memref<128x16xf32, #tpu.memory_space<vmem>>) target(%dma_start3A_129 : memref<128x16xf32, #tpu.memory_space<vmem_shared>>) target_semaphore(%run_scoped3A_125 : memref<!tpu.dma_semaphore, #tpu.memory_space<semaphore_mem>>)
      %dma_wait3A_130 = arith.constant 0 : i32
      %dma_wait3A_131 = tpu.memref_slice %arg13[%add3A_29, %dma_wait3A_130] : memref<10240x16xf32, #tpu.memory_space<vmem_shared>> -> memref<128x16xf32, #tpu.memory_space<vmem_shared>>
      %dma_wait3A_132 = arith.constant 0 : i32
      %dma_wait3A_133 = tpu.memref_slice %arg13[%add3A_29, %dma_wait3A_132] : memref<10240x16xf32, #tpu.memory_space<vmem_shared>> -> memref<128x16xf32, #tpu.memory_space<vmem_shared>>
      tpu.wait_dma2 semaphore(%run_scoped3A_125 : memref<!tpu.dma_semaphore, #tpu.memory_space<semaphore_mem>>) src(%arg12 : memref<128x16xf32, #tpu.memory_space<vmem>>) dst(%dma_wait3A_133 : memref<128x16xf32, #tpu.memory_space<vmem_shared>>)
      tpu.yield
    }) : () -> ()
    %mul3A_30 = arith.constant 640 : i32
    %mul3A_31 = arith.muli %arg1, %mul3A_30 : i32
    %add3A_32 = arith.constant 512 : i32
    %add3A_33 = arith.addi %mul3A_31, %add3A_32 : i32
    "tpu.region"() ({
      %run_scoped3A_125 = tpu.sem_alloc : memref<!tpu.dma_semaphore, #tpu.memory_space<semaphore_mem>>
      %dma_start3A_126 = arith.constant 0 : i32
      %dma_start3A_127 = tpu.memref_slice %arg13[%add3A_33, %dma_start3A_126] : memref<10240x16xf32, #tpu.memory_space<vmem_shared>> -> memref<128x16xf32, #tpu.memory_space<vmem_shared>>
      %dma_start3A_128 = arith.constant 0 : i32
      %dma_start3A_129 = tpu.memref_slice %arg13[%add3A_33, %dma_start3A_128] : memref<10240x16xf32, #tpu.memory_space<vmem_shared>> -> memref<128x16xf32, #tpu.memory_space<vmem_shared>>
      tpu.enqueue_dma source(%arg12 : memref<128x16xf32, #tpu.memory_space<vmem>>) target(%dma_start3A_129 : memref<128x16xf32, #tpu.memory_space<vmem_shared>>) target_semaphore(%run_scoped3A_125 : memref<!tpu.dma_semaphore, #tpu.memory_space<semaphore_mem>>)
      %dma_wait3A_130 = arith.constant 0 : i32
      %dma_wait3A_131 = tpu.memref_slice %arg13[%add3A_33, %dma_wait3A_130] : memref<10240x16xf32, #tpu.memory_space<vmem_shared>> -> memref<128x16xf32, #tpu.memory_space<vmem_shared>>
      %dma_wait3A_132 = arith.constant 0 : i32
      %dma_wait3A_133 = tpu.memref_slice %arg13[%add3A_33, %dma_wait3A_132] : memref<10240x16xf32, #tpu.memory_space<vmem_shared>> -> memref<128x16xf32, #tpu.memory_space<vmem_shared>>
      tpu.wait_dma2 semaphore(%run_scoped3A_125 : memref<!tpu.dma_semaphore, #tpu.memory_space<semaphore_mem>>) src(%arg12 : memref<128x16xf32, #tpu.memory_space<vmem>>) dst(%dma_wait3A_133 : memref<128x16xf32, #tpu.memory_space<vmem_shared>>)
      tpu.yield
    }) : () -> ()
    %barrier3A = arith.constant 0 : index
    tpu.barrier barrier_id(%barrier3A)
    %dma_start3A = arith.constant 0 : i32
    %dma_start3A_34 = arith.constant 0 : i32
    %dma_start3A_35 = tpu.memref_slice %arg5[%dma_start3A, %dma_start3A_34] : memref<125x80xi32, #tpu.memory_space<vmem>> -> memref<1x80xi32, #tpu.memory_space<vmem>>
    %dma_start3A_36 = tpu.memref_squeeze %dma_start3A_35 : memref<1x80xi32, #tpu.memory_space<vmem>> -> memref<80xi32, #tpu.memory_space<vmem>>
    %dma_start3A_37 = arith.constant 0 : i32
    %dma_start3A_38 = arith.constant 0 : i32
    %dma_start3A_39 = tpu.memref_slice %arg14[%dma_start3A_37, %dma_start3A_38] : memref<10000x16xf32, #tpu.memory_space<vmem_shared>> -> memref<10000x16xf32, #tpu.memory_space<vmem_shared>>
    tpu.enqueue_indirect_dma source(%dma_start3A_39 : memref<10000x16xf32, #tpu.memory_space<vmem_shared>>) target(%arg7 : memref<80x16xf32, #tpu.memory_space<vmem>>) offsets(%dma_start3A_36 : memref<80xi32, #tpu.memory_space<vmem>>) semaphore(%arg15 : memref<!tpu.dma_semaphore, #tpu.memory_space<semaphore_mem>>)
    %dma_start3A_40 = arith.constant 1 : i32
    %dma_start3A_41 = arith.constant 0 : i32
    %dma_start3A_42 = tpu.memref_slice %arg5[%dma_start3A_40, %dma_start3A_41] : memref<125x80xi32, #tpu.memory_space<vmem>> -> memref<1x80xi32, #tpu.memory_space<vmem>>
    %dma_start3A_43 = tpu.memref_squeeze %dma_start3A_42 : memref<1x80xi32, #tpu.memory_space<vmem>> -> memref<80xi32, #tpu.memory_space<vmem>>
    %dma_start3A_44 = arith.constant 0 : i32
    %dma_start3A_45 = arith.constant 0 : i32
    %dma_start3A_46 = tpu.memref_slice %arg14[%dma_start3A_44, %dma_start3A_45] : memref<10000x16xf32, #tpu.memory_space<vmem_shared>> -> memref<10000x16xf32, #tpu.memory_space<vmem_shared>>
    tpu.enqueue_indirect_dma source(%dma_start3A_46 : memref<10000x16xf32, #tpu.memory_space<vmem_shared>>) target(%arg8 : memref<80x16xf32, #tpu.memory_space<vmem>>) offsets(%dma_start3A_43 : memref<80xi32, #tpu.memory_space<vmem>>) semaphore(%arg16 : memref<!tpu.dma_semaphore, #tpu.memory_space<semaphore_mem>>)
    %dma_start3A_47 = arith.constant 2 : i32
    %dma_start3A_48 = arith.constant 0 : i32
    %dma_start3A_49 = tpu.memref_slice %arg5[%dma_start3A_47, %dma_start3A_48] : memref<125x80xi32, #tpu.memory_space<vmem>> -> memref<1x80xi32, #tpu.memory_space<vmem>>
    %dma_start3A_50 = tpu.memref_squeeze %dma_start3A_49 : memref<1x80xi32, #tpu.memory_space<vmem>> -> memref<80xi32, #tpu.memory_space<vmem>>
    %dma_start3A_51 = arith.constant 0 : i32
    %dma_start3A_52 = arith.constant 0 : i32
    %dma_start3A_53 = tpu.memref_slice %arg14[%dma_start3A_51, %dma_start3A_52] : memref<10000x16xf32, #tpu.memory_space<vmem_shared>> -> memref<10000x16xf32, #tpu.memory_space<vmem_shared>>
    tpu.enqueue_indirect_dma source(%dma_start3A_53 : memref<10000x16xf32, #tpu.memory_space<vmem_shared>>) target(%arg9 : memref<80x16xf32, #tpu.memory_space<vmem>>) offsets(%dma_start3A_50 : memref<80xi32, #tpu.memory_space<vmem>>) semaphore(%arg17 : memref<!tpu.dma_semaphore, #tpu.memory_space<semaphore_mem>>)
    %dma_start3A_54 = arith.constant 3 : i32
    %dma_start3A_55 = arith.constant 0 : i32
    %dma_start3A_56 = tpu.memref_slice %arg5[%dma_start3A_54, %dma_start3A_55] : memref<125x80xi32, #tpu.memory_space<vmem>> -> memref<1x80xi32, #tpu.memory_space<vmem>>
    %dma_start3A_57 = tpu.memref_squeeze %dma_start3A_56 : memref<1x80xi32, #tpu.memory_space<vmem>> -> memref<80xi32, #tpu.memory_space<vmem>>
    %dma_start3A_58 = arith.constant 0 : i32
    %dma_start3A_59 = arith.constant 0 : i32
    %dma_start3A_60 = tpu.memref_slice %arg14[%dma_start3A_58, %dma_start3A_59] : memref<10000x16xf32, #tpu.memory_space<vmem_shared>> -> memref<10000x16xf32, #tpu.memory_space<vmem_shared>>
    tpu.enqueue_indirect_dma source(%dma_start3A_60 : memref<10000x16xf32, #tpu.memory_space<vmem_shared>>) target(%arg10 : memref<80x16xf32, #tpu.memory_space<vmem>>) offsets(%dma_start3A_57 : memref<80xi32, #tpu.memory_space<vmem>>) semaphore(%arg18 : memref<!tpu.dma_semaphore, #tpu.memory_space<semaphore_mem>>)
    %dma_start3A_61 = arith.constant 4 : i32
    %dma_start3A_62 = arith.constant 0 : i32
    %dma_start3A_63 = tpu.memref_slice %arg5[%dma_start3A_61, %dma_start3A_62] : memref<125x80xi32, #tpu.memory_space<vmem>> -> memref<1x80xi32, #tpu.memory_space<vmem>>
    %dma_start3A_64 = tpu.memref_squeeze %dma_start3A_63 : memref<1x80xi32, #tpu.memory_space<vmem>> -> memref<80xi32, #tpu.memory_space<vmem>>
    %dma_start3A_65 = arith.constant 0 : i32
    %dma_start3A_66 = arith.constant 0 : i32
    %dma_start3A_67 = tpu.memref_slice %arg14[%dma_start3A_65, %dma_start3A_66] : memref<10000x16xf32, #tpu.memory_space<vmem_shared>> -> memref<10000x16xf32, #tpu.memory_space<vmem_shared>>
    tpu.enqueue_indirect_dma source(%dma_start3A_67 : memref<10000x16xf32, #tpu.memory_space<vmem_shared>>) target(%arg11 : memref<80x16xf32, #tpu.memory_space<vmem>>) offsets(%dma_start3A_64 : memref<80xi32, #tpu.memory_space<vmem>>) semaphore(%arg19 : memref<!tpu.dma_semaphore, #tpu.memory_space<semaphore_mem>>)
    %scan3A_68 = arith.constant 0 : i32
    %scan3A_69 = arith.constant 0 : i32
    %scan3A_70 = arith.constant 24 : i32
    %scan3A_71 = arith.addi %scan3A_69, %scan3A_70 : i32
    %scan3A_72 = arith.constant 1 : i32
    %scan3A_73 = scf.for %scan3A_125 = %scan3A_69 to %scan3A_71 step %scan3A_72 iter_args(%scan3A_126 = %scan3A_68) -> (i32)  : i32 {
      %mul3A_127 = arith.constant 5 : i32
      %mul3A_128 = arith.muli %scan3A_125, %mul3A_127 : i32
      %add3A_129 = arith.constant 0 : i32
      %add3A_130 = arith.addi %mul3A_128, %add3A_129 : i32
      %dma_wait3A_131 = arith.constant 0 : i32
      %dma_wait3A_132 = tpu.memref_slice %arg5[%add3A_130, %dma_wait3A_131] : memref<125x80xi32, #tpu.memory_space<vmem>> -> memref<1x80xi32, #tpu.memory_space<vmem>>
      %dma_wait3A_133 = tpu.memref_squeeze %dma_wait3A_132 : memref<1x80xi32, #tpu.memory_space<vmem>> -> memref<80xi32, #tpu.memory_space<vmem>>
      %dma_wait3A_134 = arith.constant 0 : i32
      %dma_wait3A_135 = arith.constant 0 : i32
      %dma_wait3A_136 = tpu.memref_slice %arg14[%dma_wait3A_134, %dma_wait3A_135] : memref<10000x16xf32, #tpu.memory_space<vmem_shared>> -> memref<10000x16xf32, #tpu.memory_space<vmem_shared>>
      tpu.wait_indirect_dma semaphore(%arg15 : memref<!tpu.dma_semaphore, #tpu.memory_space<semaphore_mem>>) src(%dma_wait3A_136 : memref<10000x16xf32, #tpu.memory_space<vmem_shared>>) dst(%arg7 : memref<80x16xf32, #tpu.memory_space<vmem>>)
      %add3A_137 = arith.constant 0 : i32
      %add3A_138 = arith.addi %mul3A_128, %add3A_137 : i32
      "tpu.region"() ({
        %run_scoped3A_230 = tpu.sem_alloc : memref<!tpu.dma_semaphore, #tpu.memory_space<semaphore_mem>>
        %dma_start3A_231 = arith.constant 0 : i32
        %dma_start3A_232 = tpu.memref_slice %arg6[%add3A_138, %dma_start3A_231] : memref<125x80xi32, #tpu.memory_space<vmem>> -> memref<1x80xi32, #tpu.memory_space<vmem>>
        %dma_start3A_233 = tpu.memref_squeeze %dma_start3A_232 : memref<1x80xi32, #tpu.memory_space<vmem>> -> memref<80xi32, #tpu.memory_space<vmem>>
        %dma_start3A_234 = arith.constant 0 : i32
        %dma_start3A_235 = arith.constant 0 : i32
        %dma_start3A_236 = tpu.memref_slice %arg13[%dma_start3A_234, %dma_start3A_235] : memref<10240x16xf32, #tpu.memory_space<vmem_shared>> -> memref<10240x16xf32, #tpu.memory_space<vmem_shared>>
        tpu.enqueue_indirect_dma source(%arg7 : memref<80x16xf32, #tpu.memory_space<vmem>>) target(%dma_start3A_236 : memref<10240x16xf32, #tpu.memory_space<vmem_shared>>) offsets(%dma_start3A_233 : memref<80xi32, #tpu.memory_space<vmem>>) semaphore(%run_scoped3A_230 : memref<!tpu.dma_semaphore, #tpu.memory_space<semaphore_mem>>) {add = true}
        %dma_wait3A_237 = arith.constant 0 : i32
        %dma_wait3A_238 = tpu.memref_slice %arg6[%add3A_138, %dma_wait3A_237] : memref<125x80xi32, #tpu.memory_space<vmem>> -> memref<1x80xi32, #tpu.memory_space<vmem>>
        %dma_wait3A_239 = tpu.memref_squeeze %dma_wait3A_238 : memref<1x80xi32, #tpu.memory_space<vmem>> -> memref<80xi32, #tpu.memory_space<vmem>>
        %dma_wait3A_240 = arith.constant 0 : i32
        %dma_wait3A_241 = arith.constant 0 : i32
        %dma_wait3A_242 = tpu.memref_slice %arg13[%dma_wait3A_240, %dma_wait3A_241] : memref<10240x16xf32, #tpu.memory_space<vmem_shared>> -> memref<10240x16xf32, #tpu.memory_space<vmem_shared>>
        tpu.wait_indirect_dma semaphore(%run_scoped3A_230 : memref<!tpu.dma_semaphore, #tpu.memory_space<semaphore_mem>>) src(%arg7 : memref<80x16xf32, #tpu.memory_space<vmem>>) dst(%dma_wait3A_242 : memref<10240x16xf32, #tpu.memory_space<vmem_shared>>)
        tpu.yield
      }) : () -> ()
      %add3A_139 = arith.constant 5 : i32
      %add3A_140 = arith.addi %mul3A_128, %add3A_139 : i32
      %add3A_141 = arith.constant 0 : i32
      %add3A_142 = arith.addi %add3A_140, %add3A_141 : i32
      %dma_start3A_143 = arith.constant 0 : i32
      %dma_start3A_144 = tpu.memref_slice %arg5[%add3A_142, %dma_start3A_143] : memref<125x80xi32, #tpu.memory_space<vmem>> -> memref<1x80xi32, #tpu.memory_space<vmem>>
      %dma_start3A_145 = tpu.memref_squeeze %dma_start3A_144 : memref<1x80xi32, #tpu.memory_space<vmem>> -> memref<80xi32, #tpu.memory_space<vmem>>
      %dma_start3A_146 = arith.constant 0 : i32
      %dma_start3A_147 = arith.constant 0 : i32
      %dma_start3A_148 = tpu.memref_slice %arg14[%dma_start3A_146, %dma_start3A_147] : memref<10000x16xf32, #tpu.memory_space<vmem_shared>> -> memref<10000x16xf32, #tpu.memory_space<vmem_shared>>
      tpu.enqueue_indirect_dma source(%dma_start3A_148 : memref<10000x16xf32, #tpu.memory_space<vmem_shared>>) target(%arg7 : memref<80x16xf32, #tpu.memory_space<vmem>>) offsets(%dma_start3A_145 : memref<80xi32, #tpu.memory_space<vmem>>) semaphore(%arg15 : memref<!tpu.dma_semaphore, #tpu.memory_space<semaphore_mem>>)
      %add3A_149 = arith.constant 1 : i32
      %add3A_150 = arith.addi %mul3A_128, %add3A_149 : i32
      %dma_wait3A_151 = arith.constant 0 : i32
      %dma_wait3A_152 = tpu.memref_slice %arg5[%add3A_150, %dma_wait3A_151] : memref<125x80xi32, #tpu.memory_space<vmem>> -> memref<1x80xi32, #tpu.memory_space<vmem>>
      %dma_wait3A_153 = tpu.memref_squeeze %dma_wait3A_152 : memref<1x80xi32, #tpu.memory_space<vmem>> -> memref<80xi32, #tpu.memory_space<vmem>>
      %dma_wait3A_154 = arith.constant 0 : i32
      %dma_wait3A_155 = arith.constant 0 : i32
      %dma_wait3A_156 = tpu.memref_slice %arg14[%dma_wait3A_154, %dma_wait3A_155] : memref<10000x16xf32, #tpu.memory_space<vmem_shared>> -> memref<10000x16xf32, #tpu.memory_space<vmem_shared>>
      tpu.wait_indirect_dma semaphore(%arg16 : memref<!tpu.dma_semaphore, #tpu.memory_space<semaphore_mem>>) src(%dma_wait3A_156 : memref<10000x16xf32, #tpu.memory_space<vmem_shared>>) dst(%arg8 : memref<80x16xf32, #tpu.memory_space<vmem>>)
      %add3A_157 = arith.constant 1 : i32
      %add3A_158 = arith.addi %mul3A_128, %add3A_157 : i32
      "tpu.region"() ({
        %run_scoped3A_230 = tpu.sem_alloc : memref<!tpu.dma_semaphore, #tpu.memory_space<semaphore_mem>>
        %dma_start3A_231 = arith.constant 0 : i32
        %dma_start3A_232 = tpu.memref_slice %arg6[%add3A_158, %dma_start3A_231] : memref<125x80xi32, #tpu.memory_space<vmem>> -> memref<1x80xi32, #tpu.memory_space<vmem>>
        %dma_start3A_233 = tpu.memref_squeeze %dma_start3A_232 : memref<1x80xi32, #tpu.memory_space<vmem>> -> memref<80xi32, #tpu.memory_space<vmem>>
        %dma_start3A_234 = arith.constant 0 : i32
        %dma_start3A_235 = arith.constant 0 : i32
        %dma_start3A_236 = tpu.memref_slice %arg13[%dma_start3A_234, %dma_start3A_235] : memref<10240x16xf32, #tpu.memory_space<vmem_shared>> -> memref<10240x16xf32, #tpu.memory_space<vmem_shared>>
        tpu.enqueue_indirect_dma source(%arg8 : memref<80x16xf32, #tpu.memory_space<vmem>>) target(%dma_start3A_236 : memref<10240x16xf32, #tpu.memory_space<vmem_shared>>) offsets(%dma_start3A_233 : memref<80xi32, #tpu.memory_space<vmem>>) semaphore(%run_scoped3A_230 : memref<!tpu.dma_semaphore, #tpu.memory_space<semaphore_mem>>) {add = true}
        %dma_wait3A_237 = arith.constant 0 : i32
        %dma_wait3A_238 = tpu.memref_slice %arg6[%add3A_158, %dma_wait3A_237] : memref<125x80xi32, #tpu.memory_space<vmem>> -> memref<1x80xi32, #tpu.memory_space<vmem>>
        %dma_wait3A_239 = tpu.memref_squeeze %dma_wait3A_238 : memref<1x80xi32, #tpu.memory_space<vmem>> -> memref<80xi32, #tpu.memory_space<vmem>>
        %dma_wait3A_240 = arith.constant 0 : i32
        %dma_wait3A_241 = arith.constant 0 : i32
        %dma_wait3A_242 = tpu.memref_slice %arg13[%dma_wait3A_240, %dma_wait3A_241] : memref<10240x16xf32, #tpu.memory_space<vmem_shared>> -> memref<10240x16xf32, #tpu.memory_space<vmem_shared>>
        tpu.wait_indirect_dma semaphore(%run_scoped3A_230 : memref<!tpu.dma_semaphore, #tpu.memory_space<semaphore_mem>>) src(%arg8 : memref<80x16xf32, #tpu.memory_space<vmem>>) dst(%dma_wait3A_242 : memref<10240x16xf32, #tpu.memory_space<vmem_shared>>)
        tpu.yield
      }) : () -> ()
      %add3A_159 = arith.constant 5 : i32
      %add3A_160 = arith.addi %mul3A_128, %add3A_159 : i32
      %add3A_161 = arith.constant 1 : i32
      %add3A_162 = arith.addi %add3A_160, %add3A_161 : i32
      %dma_start3A_163 = arith.constant 0 : i32
      %dma_start3A_164 = tpu.memref_slice %arg5[%add3A_162, %dma_start3A_163] : memref<125x80xi32, #tpu.memory_space<vmem>> -> memref<1x80xi32, #tpu.memory_space<vmem>>
      %dma_start3A_165 = tpu.memref_squeeze %dma_start3A_164 : memref<1x80xi32, #tpu.memory_space<vmem>> -> memref<80xi32, #tpu.memory_space<vmem>>
      %dma_start3A_166 = arith.constant 0 : i32
      %dma_start3A_167 = arith.constant 0 : i32
      %dma_start3A_168 = tpu.memref_slice %arg14[%dma_start3A_166, %dma_start3A_167] : memref<10000x16xf32, #tpu.memory_space<vmem_shared>> -> memref<10000x16xf32, #tpu.memory_space<vmem_shared>>
      tpu.enqueue_indirect_dma source(%dma_start3A_168 : memref<10000x16xf32, #tpu.memory_space<vmem_shared>>) target(%arg8 : memref<80x16xf32, #tpu.memory_space<vmem>>) offsets(%dma_start3A_165 : memref<80xi32, #tpu.memory_space<vmem>>) semaphore(%arg16 : memref<!tpu.dma_semaphore, #tpu.memory_space<semaphore_mem>>)
      %add3A_169 = arith.constant 2 : i32
      %add3A_170 = arith.addi %mul3A_128, %add3A_169 : i32
      %dma_wait3A_171 = arith.constant 0 : i32
      %dma_wait3A_172 = tpu.memref_slice %arg5[%add3A_170, %dma_wait3A_171] : memref<125x80xi32, #tpu.memory_space<vmem>> -> memref<1x80xi32, #tpu.memory_space<vmem>>
      %dma_wait3A_173 = tpu.memref_squeeze %dma_wait3A_172 : memref<1x80xi32, #tpu.memory_space<vmem>> -> memref<80xi32, #tpu.memory_space<vmem>>
      %dma_wait3A_174 = arith.constant 0 : i32
      %dma_wait3A_175 = arith.constant 0 : i32
      %dma_wait3A_176 = tpu.memref_slice %arg14[%dma_wait3A_174, %dma_wait3A_175] : memref<10000x16xf32, #tpu.memory_space<vmem_shared>> -> memref<10000x16xf32, #tpu.memory_space<vmem_shared>>
      tpu.wait_indirect_dma semaphore(%arg17 : memref<!tpu.dma_semaphore, #tpu.memory_space<semaphore_mem>>) src(%dma_wait3A_176 : memref<10000x16xf32, #tpu.memory_space<vmem_shared>>) dst(%arg9 : memref<80x16xf32, #tpu.memory_space<vmem>>)
      %add3A_177 = arith.constant 2 : i32
      %add3A_178 = arith.addi %mul3A_128, %add3A_177 : i32
      "tpu.region"() ({
        %run_scoped3A_230 = tpu.sem_alloc : memref<!tpu.dma_semaphore, #tpu.memory_space<semaphore_mem>>
        %dma_start3A_231 = arith.constant 0 : i32
        %dma_start3A_232 = tpu.memref_slice %arg6[%add3A_178, %dma_start3A_231] : memref<125x80xi32, #tpu.memory_space<vmem>> -> memref<1x80xi32, #tpu.memory_space<vmem>>
        %dma_start3A_233 = tpu.memref_squeeze %dma_start3A_232 : memref<1x80xi32, #tpu.memory_space<vmem>> -> memref<80xi32, #tpu.memory_space<vmem>>
        %dma_start3A_234 = arith.constant 0 : i32
        %dma_start3A_235 = arith.constant 0 : i32
        %dma_start3A_236 = tpu.memref_slice %arg13[%dma_start3A_234, %dma_start3A_235] : memref<10240x16xf32, #tpu.memory_space<vmem_shared>> -> memref<10240x16xf32, #tpu.memory_space<vmem_shared>>
        tpu.enqueue_indirect_dma source(%arg9 : memref<80x16xf32, #tpu.memory_space<vmem>>) target(%dma_start3A_236 : memref<10240x16xf32, #tpu.memory_space<vmem_shared>>) offsets(%dma_start3A_233 : memref<80xi32, #tpu.memory_space<vmem>>) semaphore(%run_scoped3A_230 : memref<!tpu.dma_semaphore, #tpu.memory_space<semaphore_mem>>) {add = true}
        %dma_wait3A_237 = arith.constant 0 : i32
        %dma_wait3A_238 = tpu.memref_slice %arg6[%add3A_178, %dma_wait3A_237] : memref<125x80xi32, #tpu.memory_space<vmem>> -> memref<1x80xi32, #tpu.memory_space<vmem>>
        %dma_wait3A_239 = tpu.memref_squeeze %dma_wait3A_238 : memref<1x80xi32, #tpu.memory_space<vmem>> -> memref<80xi32, #tpu.memory_space<vmem>>
        %dma_wait3A_240 = arith.constant 0 : i32
        %dma_wait3A_241 = arith.constant 0 : i32
        %dma_wait3A_242 = tpu.memref_slice %arg13[%dma_wait3A_240, %dma_wait3A_241] : memref<10240x16xf32, #tpu.memory_space<vmem_shared>> -> memref<10240x16xf32, #tpu.memory_space<vmem_shared>>
        tpu.wait_indirect_dma semaphore(%run_scoped3A_230 : memref<!tpu.dma_semaphore, #tpu.memory_space<semaphore_mem>>) src(%arg9 : memref<80x16xf32, #tpu.memory_space<vmem>>) dst(%dma_wait3A_242 : memref<10240x16xf32, #tpu.memory_space<vmem_shared>>)
        tpu.yield
      }) : () -> ()
      %add3A_179 = arith.constant 5 : i32
      %add3A_180 = arith.addi %mul3A_128, %add3A_179 : i32
      %add3A_181 = arith.constant 2 : i32
      %add3A_182 = arith.addi %add3A_180, %add3A_181 : i32
      %dma_start3A_183 = arith.constant 0 : i32
      %dma_start3A_184 = tpu.memref_slice %arg5[%add3A_182, %dma_start3A_183] : memref<125x80xi32, #tpu.memory_space<vmem>> -> memref<1x80xi32, #tpu.memory_space<vmem>>
      %dma_start3A_185 = tpu.memref_squeeze %dma_start3A_184 : memref<1x80xi32, #tpu.memory_space<vmem>> -> memref<80xi32, #tpu.memory_space<vmem>>
      %dma_start3A_186 = arith.constant 0 : i32
      %dma_start3A_187 = arith.constant 0 : i32
      %dma_start3A_188 = tpu.memref_slice %arg14[%dma_start3A_186, %dma_start3A_187] : memref<10000x16xf32, #tpu.memory_space<vmem_shared>> -> memref<10000x16xf32, #tpu.memory_space<vmem_shared>>
      tpu.enqueue_indirect_dma source(%dma_start3A_188 : memref<10000x16xf32, #tpu.memory_space<vmem_shared>>) target(%arg9 : memref<80x16xf32, #tpu.memory_space<vmem>>) offsets(%dma_start3A_185 : memref<80xi32, #tpu.memory_space<vmem>>) semaphore(%arg17 : memref<!tpu.dma_semaphore, #tpu.memory_space<semaphore_mem>>)
      %add3A_189 = arith.constant 3 : i32
      %add3A_190 = arith.addi %mul3A_128, %add3A_189 : i32
      %dma_wait3A_191 = arith.constant 0 : i32
      %dma_wait3A_192 = tpu.memref_slice %arg5[%add3A_190, %dma_wait3A_191] : memref<125x80xi32, #tpu.memory_space<vmem>> -> memref<1x80xi32, #tpu.memory_space<vmem>>
      %dma_wait3A_193 = tpu.memref_squeeze %dma_wait3A_192 : memref<1x80xi32, #tpu.memory_space<vmem>> -> memref<80xi32, #tpu.memory_space<vmem>>
      %dma_wait3A_194 = arith.constant 0 : i32
      %dma_wait3A_195 = arith.constant 0 : i32
      %dma_wait3A_196 = tpu.memref_slice %arg14[%dma_wait3A_194, %dma_wait3A_195] : memref<10000x16xf32, #tpu.memory_space<vmem_shared>> -> memref<10000x16xf32, #tpu.memory_space<vmem_shared>>
      tpu.wait_indirect_dma semaphore(%arg18 : memref<!tpu.dma_semaphore, #tpu.memory_space<semaphore_mem>>) src(%dma_wait3A_196 : memref<10000x16xf32, #tpu.memory_space<vmem_shared>>) dst(%arg10 : memref<80x16xf32, #tpu.memory_space<vmem>>)
      %add3A_197 = arith.constant 3 : i32
      %add3A_198 = arith.addi %mul3A_128, %add3A_197 : i32
      "tpu.region"() ({
        %run_scoped3A_230 = tpu.sem_alloc : memref<!tpu.dma_semaphore, #tpu.memory_space<semaphore_mem>>
        %dma_start3A_231 = arith.constant 0 : i32
        %dma_start3A_232 = tpu.memref_slice %arg6[%add3A_198, %dma_start3A_231] : memref<125x80xi32, #tpu.memory_space<vmem>> -> memref<1x80xi32, #tpu.memory_space<vmem>>
        %dma_start3A_233 = tpu.memref_squeeze %dma_start3A_232 : memref<1x80xi32, #tpu.memory_space<vmem>> -> memref<80xi32, #tpu.memory_space<vmem>>
        %dma_start3A_234 = arith.constant 0 : i32
        %dma_start3A_235 = arith.constant 0 : i32
        %dma_start3A_236 = tpu.memref_slice %arg13[%dma_start3A_234, %dma_start3A_235] : memref<10240x16xf32, #tpu.memory_space<vmem_shared>> -> memref<10240x16xf32, #tpu.memory_space<vmem_shared>>
        tpu.enqueue_indirect_dma source(%arg10 : memref<80x16xf32, #tpu.memory_space<vmem>>) target(%dma_start3A_236 : memref<10240x16xf32, #tpu.memory_space<vmem_shared>>) offsets(%dma_start3A_233 : memref<80xi32, #tpu.memory_space<vmem>>) semaphore(%run_scoped3A_230 : memref<!tpu.dma_semaphore, #tpu.memory_space<semaphore_mem>>) {add = true}
        %dma_wait3A_237 = arith.constant 0 : i32
        %dma_wait3A_238 = tpu.memref_slice %arg6[%add3A_198, %dma_wait3A_237] : memref<125x80xi32, #tpu.memory_space<vmem>> -> memref<1x80xi32, #tpu.memory_space<vmem>>
        %dma_wait3A_239 = tpu.memref_squeeze %dma_wait3A_238 : memref<1x80xi32, #tpu.memory_space<vmem>> -> memref<80xi32, #tpu.memory_space<vmem>>
        %dma_wait3A_240 = arith.constant 0 : i32
        %dma_wait3A_241 = arith.constant 0 : i32
        %dma_wait3A_242 = tpu.memref_slice %arg13[%dma_wait3A_240, %dma_wait3A_241] : memref<10240x16xf32, #tpu.memory_space<vmem_shared>> -> memref<10240x16xf32, #tpu.memory_space<vmem_shared>>
        tpu.wait_indirect_dma semaphore(%run_scoped3A_230 : memref<!tpu.dma_semaphore, #tpu.memory_space<semaphore_mem>>) src(%arg10 : memref<80x16xf32, #tpu.memory_space<vmem>>) dst(%dma_wait3A_242 : memref<10240x16xf32, #tpu.memory_space<vmem_shared>>)
        tpu.yield
      }) : () -> ()
      %add3A_199 = arith.constant 5 : i32
      %add3A_200 = arith.addi %mul3A_128, %add3A_199 : i32
      %add3A_201 = arith.constant 3 : i32
      %add3A_202 = arith.addi %add3A_200, %add3A_201 : i32
      %dma_start3A_203 = arith.constant 0 : i32
      %dma_start3A_204 = tpu.memref_slice %arg5[%add3A_202, %dma_start3A_203] : memref<125x80xi32, #tpu.memory_space<vmem>> -> memref<1x80xi32, #tpu.memory_space<vmem>>
      %dma_start3A_205 = tpu.memref_squeeze %dma_start3A_204 : memref<1x80xi32, #tpu.memory_space<vmem>> -> memref<80xi32, #tpu.memory_space<vmem>>
      %dma_start3A_206 = arith.constant 0 : i32
      %dma_start3A_207 = arith.constant 0 : i32
      %dma_start3A_208 = tpu.memref_slice %arg14[%dma_start3A_206, %dma_start3A_207] : memref<10000x16xf32, #tpu.memory_space<vmem_shared>> -> memref<10000x16xf32, #tpu.memory_space<vmem_shared>>
      tpu.enqueue_indirect_dma source(%dma_start3A_208 : memref<10000x16xf32, #tpu.memory_space<vmem_shared>>) target(%arg10 : memref<80x16xf32, #tpu.memory_space<vmem>>) offsets(%dma_start3A_205 : memref<80xi32, #tpu.memory_space<vmem>>) semaphore(%arg18 : memref<!tpu.dma_semaphore, #tpu.memory_space<semaphore_mem>>)
      %add3A_209 = arith.constant 4 : i32
      %add3A_210 = arith.addi %mul3A_128, %add3A_209 : i32
      %dma_wait3A_211 = arith.constant 0 : i32
      %dma_wait3A_212 = tpu.memref_slice %arg5[%add3A_210, %dma_wait3A_211] : memref<125x80xi32, #tpu.memory_space<vmem>> -> memref<1x80xi32, #tpu.memory_space<vmem>>
      %dma_wait3A_213 = tpu.memref_squeeze %dma_wait3A_212 : memref<1x80xi32, #tpu.memory_space<vmem>> -> memref<80xi32, #tpu.memory_space<vmem>>
      %dma_wait3A_214 = arith.constant 0 : i32
      %dma_wait3A_215 = arith.constant 0 : i32
      %dma_wait3A_216 = tpu.memref_slice %arg14[%dma_wait3A_214, %dma_wait3A_215] : memref<10000x16xf32, #tpu.memory_space<vmem_shared>> -> memref<10000x16xf32, #tpu.memory_space<vmem_shared>>
      tpu.wait_indirect_dma semaphore(%arg19 : memref<!tpu.dma_semaphore, #tpu.memory_space<semaphore_mem>>) src(%dma_wait3A_216 : memref<10000x16xf32, #tpu.memory_space<vmem_shared>>) dst(%arg11 : memref<80x16xf32, #tpu.memory_space<vmem>>)
      %add3A_217 = arith.constant 4 : i32
      %add3A_218 = arith.addi %mul3A_128, %add3A_217 : i32
      "tpu.region"() ({
        %run_scoped3A_230 = tpu.sem_alloc : memref<!tpu.dma_semaphore, #tpu.memory_space<semaphore_mem>>
        %dma_start3A_231 = arith.constant 0 : i32
        %dma_start3A_232 = tpu.memref_slice %arg6[%add3A_218, %dma_start3A_231] : memref<125x80xi32, #tpu.memory_space<vmem>> -> memref<1x80xi32, #tpu.memory_space<vmem>>
        %dma_start3A_233 = tpu.memref_squeeze %dma_start3A_232 : memref<1x80xi32, #tpu.memory_space<vmem>> -> memref<80xi32, #tpu.memory_space<vmem>>
        %dma_start3A_234 = arith.constant 0 : i32
        %dma_start3A_235 = arith.constant 0 : i32
        %dma_start3A_236 = tpu.memref_slice %arg13[%dma_start3A_234, %dma_start3A_235] : memref<10240x16xf32, #tpu.memory_space<vmem_shared>> -> memref<10240x16xf32, #tpu.memory_space<vmem_shared>>
        tpu.enqueue_indirect_dma source(%arg11 : memref<80x16xf32, #tpu.memory_space<vmem>>) target(%dma_start3A_236 : memref<10240x16xf32, #tpu.memory_space<vmem_shared>>) offsets(%dma_start3A_233 : memref<80xi32, #tpu.memory_space<vmem>>) semaphore(%run_scoped3A_230 : memref<!tpu.dma_semaphore, #tpu.memory_space<semaphore_mem>>) {add = true}
        %dma_wait3A_237 = arith.constant 0 : i32
        %dma_wait3A_238 = tpu.memref_slice %arg6[%add3A_218, %dma_wait3A_237] : memref<125x80xi32, #tpu.memory_space<vmem>> -> memref<1x80xi32, #tpu.memory_space<vmem>>
        %dma_wait3A_239 = tpu.memref_squeeze %dma_wait3A_238 : memref<1x80xi32, #tpu.memory_space<vmem>> -> memref<80xi32, #tpu.memory_space<vmem>>
        %dma_wait3A_240 = arith.constant 0 : i32
        %dma_wait3A_241 = arith.constant 0 : i32
        %dma_wait3A_242 = tpu.memref_slice %arg13[%dma_wait3A_240, %dma_wait3A_241] : memref<10240x16xf32, #tpu.memory_space<vmem_shared>> -> memref<10240x16xf32, #tpu.memory_space<vmem_shared>>
        tpu.wait_indirect_dma semaphore(%run_scoped3A_230 : memref<!tpu.dma_semaphore, #tpu.memory_space<semaphore_mem>>) src(%arg11 : memref<80x16xf32, #tpu.memory_space<vmem>>) dst(%dma_wait3A_242 : memref<10240x16xf32, #tpu.memory_space<vmem_shared>>)
        tpu.yield
      }) : () -> ()
      %add3A_219 = arith.constant 5 : i32
      %add3A_220 = arith.addi %mul3A_128, %add3A_219 : i32
      %add3A_221 = arith.constant 4 : i32
      %add3A_222 = arith.addi %add3A_220, %add3A_221 : i32
      %dma_start3A_223 = arith.constant 0 : i32
      %dma_start3A_224 = tpu.memref_slice %arg5[%add3A_222, %dma_start3A_223] : memref<125x80xi32, #tpu.memory_space<vmem>> -> memref<1x80xi32, #tpu.memory_space<vmem>>
      %dma_start3A_225 = tpu.memref_squeeze %dma_start3A_224 : memref<1x80xi32, #tpu.memory_space<vmem>> -> memref<80xi32, #tpu.memory_space<vmem>>
      %dma_start3A_226 = arith.constant 0 : i32
      %dma_start3A_227 = arith.constant 0 : i32
      %dma_start3A_228 = tpu.memref_slice %arg14[%dma_start3A_226, %dma_start3A_227] : memref<10000x16xf32, #tpu.memory_space<vmem_shared>> -> memref<10000x16xf32, #tpu.memory_space<vmem_shared>>
      tpu.enqueue_indirect_dma source(%dma_start3A_228 : memref<10000x16xf32, #tpu.memory_space<vmem_shared>>) target(%arg11 : memref<80x16xf32, #tpu.memory_space<vmem>>) offsets(%dma_start3A_225 : memref<80xi32, #tpu.memory_space<vmem>>) semaphore(%arg19 : memref<!tpu.dma_semaphore, #tpu.memory_space<semaphore_mem>>)
      %scan3A_229 = arith.constant 0 : i32
      scf.yield %scan3A_229 : i32
    }
    %scan3A_74 = arith.constant 24 : i32
    %dma_wait3A = arith.constant 120 : i32
    %dma_wait3A_75 = arith.constant 0 : i32
    %dma_wait3A_76 = tpu.memref_slice %arg5[%dma_wait3A, %dma_wait3A_75] : memref<125x80xi32, #tpu.memory_space<vmem>> -> memref<1x80xi32, #tpu.memory_space<vmem>>
    %dma_wait3A_77 = tpu.memref_squeeze %dma_wait3A_76 : memref<1x80xi32, #tpu.memory_space<vmem>> -> memref<80xi32, #tpu.memory_space<vmem>>
    %dma_wait3A_78 = arith.constant 0 : i32
    %dma_wait3A_79 = arith.constant 0 : i32
    %dma_wait3A_80 = tpu.memref_slice %arg14[%dma_wait3A_78, %dma_wait3A_79] : memref<10000x16xf32, #tpu.memory_space<vmem_shared>> -> memref<10000x16xf32, #tpu.memory_space<vmem_shared>>
    tpu.wait_indirect_dma semaphore(%arg15 : memref<!tpu.dma_semaphore, #tpu.memory_space<semaphore_mem>>) src(%dma_wait3A_80 : memref<10000x16xf32, #tpu.memory_space<vmem_shared>>) dst(%arg7 : memref<80x16xf32, #tpu.memory_space<vmem>>)
    %run_scoped3A_81 = arith.constant 120 : i32
    "tpu.region"() ({
      %run_scoped3A_125 = tpu.sem_alloc : memref<!tpu.dma_semaphore, #tpu.memory_space<semaphore_mem>>
      %dma_start3A_126 = arith.constant 0 : i32
      %dma_start3A_127 = tpu.memref_slice %arg6[%run_scoped3A_81, %dma_start3A_126] : memref<125x80xi32, #tpu.memory_space<vmem>> -> memref<1x80xi32, #tpu.memory_space<vmem>>
      %dma_start3A_128 = tpu.memref_squeeze %dma_start3A_127 : memref<1x80xi32, #tpu.memory_space<vmem>> -> memref<80xi32, #tpu.memory_space<vmem>>
      %dma_start3A_129 = arith.constant 0 : i32
      %dma_start3A_130 = arith.constant 0 : i32
      %dma_start3A_131 = tpu.memref_slice %arg13[%dma_start3A_129, %dma_start3A_130] : memref<10240x16xf32, #tpu.memory_space<vmem_shared>> -> memref<10240x16xf32, #tpu.memory_space<vmem_shared>>
      tpu.enqueue_indirect_dma source(%arg7 : memref<80x16xf32, #tpu.memory_space<vmem>>) target(%dma_start3A_131 : memref<10240x16xf32, #tpu.memory_space<vmem_shared>>) offsets(%dma_start3A_128 : memref<80xi32, #tpu.memory_space<vmem>>) semaphore(%run_scoped3A_125 : memref<!tpu.dma_semaphore, #tpu.memory_space<semaphore_mem>>) {add = true}
      %dma_wait3A_132 = arith.constant 0 : i32
      %dma_wait3A_133 = tpu.memref_slice %arg6[%run_scoped3A_81, %dma_wait3A_132] : memref<125x80xi32, #tpu.memory_space<vmem>> -> memref<1x80xi32, #tpu.memory_space<vmem>>
      %dma_wait3A_134 = tpu.memref_squeeze %dma_wait3A_133 : memref<1x80xi32, #tpu.memory_space<vmem>> -> memref<80xi32, #tpu.memory_space<vmem>>
      %dma_wait3A_135 = arith.constant 0 : i32
      %dma_wait3A_136 = arith.constant 0 : i32
      %dma_wait3A_137 = tpu.memref_slice %arg13[%dma_wait3A_135, %dma_wait3A_136] : memref<10240x16xf32, #tpu.memory_space<vmem_shared>> -> memref<10240x16xf32, #tpu.memory_space<vmem_shared>>
      tpu.wait_indirect_dma semaphore(%run_scoped3A_125 : memref<!tpu.dma_semaphore, #tpu.memory_space<semaphore_mem>>) src(%arg7 : memref<80x16xf32, #tpu.memory_space<vmem>>) dst(%dma_wait3A_137 : memref<10240x16xf32, #tpu.memory_space<vmem_shared>>)
      tpu.yield
    }) : () -> ()
    %dma_wait3A_82 = arith.constant 121 : i32
    %dma_wait3A_83 = arith.constant 0 : i32
    %dma_wait3A_84 = tpu.memref_slice %arg5[%dma_wait3A_82, %dma_wait3A_83] : memref<125x80xi32, #tpu.memory_space<vmem>> -> memref<1x80xi32, #tpu.memory_space<vmem>>
    %dma_wait3A_85 = tpu.memref_squeeze %dma_wait3A_84 : memref<1x80xi32, #tpu.memory_space<vmem>> -> memref<80xi32, #tpu.memory_space<vmem>>
    %dma_wait3A_86 = arith.constant 0 : i32
    %dma_wait3A_87 = arith.constant 0 : i32
    %dma_wait3A_88 = tpu.memref_slice %arg14[%dma_wait3A_86, %dma_wait3A_87] : memref<10000x16xf32, #tpu.memory_space<vmem_shared>> -> memref<10000x16xf32, #tpu.memory_space<vmem_shared>>
    tpu.wait_indirect_dma semaphore(%arg16 : memref<!tpu.dma_semaphore, #tpu.memory_space<semaphore_mem>>) src(%dma_wait3A_88 : memref<10000x16xf32, #tpu.memory_space<vmem_shared>>) dst(%arg8 : memref<80x16xf32, #tpu.memory_space<vmem>>)
    %run_scoped3A_89 = arith.constant 121 : i32
    "tpu.region"() ({
      %run_scoped3A_125 = tpu.sem_alloc : memref<!tpu.dma_semaphore, #tpu.memory_space<semaphore_mem>>
      %dma_start3A_126 = arith.constant 0 : i32
      %dma_start3A_127 = tpu.memref_slice %arg6[%run_scoped3A_89, %dma_start3A_126] : memref<125x80xi32, #tpu.memory_space<vmem>> -> memref<1x80xi32, #tpu.memory_space<vmem>>
      %dma_start3A_128 = tpu.memref_squeeze %dma_start3A_127 : memref<1x80xi32, #tpu.memory_space<vmem>> -> memref<80xi32, #tpu.memory_space<vmem>>
      %dma_start3A_129 = arith.constant 0 : i32
      %dma_start3A_130 = arith.constant 0 : i32
      %dma_start3A_131 = tpu.memref_slice %arg13[%dma_start3A_129, %dma_start3A_130] : memref<10240x16xf32, #tpu.memory_space<vmem_shared>> -> memref<10240x16xf32, #tpu.memory_space<vmem_shared>>
      tpu.enqueue_indirect_dma source(%arg8 : memref<80x16xf32, #tpu.memory_space<vmem>>) target(%dma_start3A_131 : memref<10240x16xf32, #tpu.memory_space<vmem_shared>>) offsets(%dma_start3A_128 : memref<80xi32, #tpu.memory_space<vmem>>) semaphore(%run_scoped3A_125 : memref<!tpu.dma_semaphore, #tpu.memory_space<semaphore_mem>>) {add = true}
      %dma_wait3A_132 = arith.constant 0 : i32
      %dma_wait3A_133 = tpu.memref_slice %arg6[%run_scoped3A_89, %dma_wait3A_132] : memref<125x80xi32, #tpu.memory_space<vmem>> -> memref<1x80xi32, #tpu.memory_space<vmem>>
      %dma_wait3A_134 = tpu.memref_squeeze %dma_wait3A_133 : memref<1x80xi32, #tpu.memory_space<vmem>> -> memref<80xi32, #tpu.memory_space<vmem>>
      %dma_wait3A_135 = arith.constant 0 : i32
      %dma_wait3A_136 = arith.constant 0 : i32
      %dma_wait3A_137 = tpu.memref_slice %arg13[%dma_wait3A_135, %dma_wait3A_136] : memref<10240x16xf32, #tpu.memory_space<vmem_shared>> -> memref<10240x16xf32, #tpu.memory_space<vmem_shared>>
      tpu.wait_indirect_dma semaphore(%run_scoped3A_125 : memref<!tpu.dma_semaphore, #tpu.memory_space<semaphore_mem>>) src(%arg8 : memref<80x16xf32, #tpu.memory_space<vmem>>) dst(%dma_wait3A_137 : memref<10240x16xf32, #tpu.memory_space<vmem_shared>>)
      tpu.yield
    }) : () -> ()
    %dma_wait3A_90 = arith.constant 122 : i32
    %dma_wait3A_91 = arith.constant 0 : i32
    %dma_wait3A_92 = tpu.memref_slice %arg5[%dma_wait3A_90, %dma_wait3A_91] : memref<125x80xi32, #tpu.memory_space<vmem>> -> memref<1x80xi32, #tpu.memory_space<vmem>>
    %dma_wait3A_93 = tpu.memref_squeeze %dma_wait3A_92 : memref<1x80xi32, #tpu.memory_space<vmem>> -> memref<80xi32, #tpu.memory_space<vmem>>
    %dma_wait3A_94 = arith.constant 0 : i32
    %dma_wait3A_95 = arith.constant 0 : i32
    %dma_wait3A_96 = tpu.memref_slice %arg14[%dma_wait3A_94, %dma_wait3A_95] : memref<10000x16xf32, #tpu.memory_space<vmem_shared>> -> memref<10000x16xf32, #tpu.memory_space<vmem_shared>>
    tpu.wait_indirect_dma semaphore(%arg17 : memref<!tpu.dma_semaphore, #tpu.memory_space<semaphore_mem>>) src(%dma_wait3A_96 : memref<10000x16xf32, #tpu.memory_space<vmem_shared>>) dst(%arg9 : memref<80x16xf32, #tpu.memory_space<vmem>>)
    %run_scoped3A_97 = arith.constant 122 : i32
    "tpu.region"() ({
      %run_scoped3A_125 = tpu.sem_alloc : memref<!tpu.dma_semaphore, #tpu.memory_space<semaphore_mem>>
      %dma_start3A_126 = arith.constant 0 : i32
      %dma_start3A_127 = tpu.memref_slice %arg6[%run_scoped3A_97, %dma_start3A_126] : memref<125x80xi32, #tpu.memory_space<vmem>> -> memref<1x80xi32, #tpu.memory_space<vmem>>
      %dma_start3A_128 = tpu.memref_squeeze %dma_start3A_127 : memref<1x80xi32, #tpu.memory_space<vmem>> -> memref<80xi32, #tpu.memory_space<vmem>>
      %dma_start3A_129 = arith.constant 0 : i32
      %dma_start3A_130 = arith.constant 0 : i32
      %dma_start3A_131 = tpu.memref_slice %arg13[%dma_start3A_129, %dma_start3A_130] : memref<10240x16xf32, #tpu.memory_space<vmem_shared>> -> memref<10240x16xf32, #tpu.memory_space<vmem_shared>>
      tpu.enqueue_indirect_dma source(%arg9 : memref<80x16xf32, #tpu.memory_space<vmem>>) target(%dma_start3A_131 : memref<10240x16xf32, #tpu.memory_space<vmem_shared>>) offsets(%dma_start3A_128 : memref<80xi32, #tpu.memory_space<vmem>>) semaphore(%run_scoped3A_125 : memref<!tpu.dma_semaphore, #tpu.memory_space<semaphore_mem>>) {add = true}
      %dma_wait3A_132 = arith.constant 0 : i32
      %dma_wait3A_133 = tpu.memref_slice %arg6[%run_scoped3A_97, %dma_wait3A_132] : memref<125x80xi32, #tpu.memory_space<vmem>> -> memref<1x80xi32, #tpu.memory_space<vmem>>
      %dma_wait3A_134 = tpu.memref_squeeze %dma_wait3A_133 : memref<1x80xi32, #tpu.memory_space<vmem>> -> memref<80xi32, #tpu.memory_space<vmem>>
      %dma_wait3A_135 = arith.constant 0 : i32
      %dma_wait3A_136 = arith.constant 0 : i32
      %dma_wait3A_137 = tpu.memref_slice %arg13[%dma_wait3A_135, %dma_wait3A_136] : memref<10240x16xf32, #tpu.memory_space<vmem_shared>> -> memref<10240x16xf32, #tpu.memory_space<vmem_shared>>
      tpu.wait_indirect_dma semaphore(%run_scoped3A_125 : memref<!tpu.dma_semaphore, #tpu.memory_space<semaphore_mem>>) src(%arg9 : memref<80x16xf32, #tpu.memory_space<vmem>>) dst(%dma_wait3A_137 : memref<10240x16xf32, #tpu.memory_space<vmem_shared>>)
      tpu.yield
    }) : () -> ()
    %dma_wait3A_98 = arith.constant 123 : i32
    %dma_wait3A_99 = arith.constant 0 : i32
    %dma_wait3A_100 = tpu.memref_slice %arg5[%dma_wait3A_98, %dma_wait3A_99] : memref<125x80xi32, #tpu.memory_space<vmem>> -> memref<1x80xi32, #tpu.memory_space<vmem>>
    %dma_wait3A_101 = tpu.memref_squeeze %dma_wait3A_100 : memref<1x80xi32, #tpu.memory_space<vmem>> -> memref<80xi32, #tpu.memory_space<vmem>>
    %dma_wait3A_102 = arith.constant 0 : i32
    %dma_wait3A_103 = arith.constant 0 : i32
    %dma_wait3A_104 = tpu.memref_slice %arg14[%dma_wait3A_102, %dma_wait3A_103] : memref<10000x16xf32, #tpu.memory_space<vmem_shared>> -> memref<10000x16xf32, #tpu.memory_space<vmem_shared>>
    tpu.wait_indirect_dma semaphore(%arg18 : memref<!tpu.dma_semaphore, #tpu.memory_space<semaphore_mem>>) src(%dma_wait3A_104 : memref<10000x16xf32, #tpu.memory_space<vmem_shared>>) dst(%arg10 : memref<80x16xf32, #tpu.memory_space<vmem>>)
    %run_scoped3A_105 = arith.constant 123 : i32
    "tpu.region"() ({
      %run_scoped3A_125 = tpu.sem_alloc : memref<!tpu.dma_semaphore, #tpu.memory_space<semaphore_mem>>
      %dma_start3A_126 = arith.constant 0 : i32
      %dma_start3A_127 = tpu.memref_slice %arg6[%run_scoped3A_105, %dma_start3A_126] : memref<125x80xi32, #tpu.memory_space<vmem>> -> memref<1x80xi32, #tpu.memory_space<vmem>>
      %dma_start3A_128 = tpu.memref_squeeze %dma_start3A_127 : memref<1x80xi32, #tpu.memory_space<vmem>> -> memref<80xi32, #tpu.memory_space<vmem>>
      %dma_start3A_129 = arith.constant 0 : i32
      %dma_start3A_130 = arith.constant 0 : i32
      %dma_start3A_131 = tpu.memref_slice %arg13[%dma_start3A_129, %dma_start3A_130] : memref<10240x16xf32, #tpu.memory_space<vmem_shared>> -> memref<10240x16xf32, #tpu.memory_space<vmem_shared>>
      tpu.enqueue_indirect_dma source(%arg10 : memref<80x16xf32, #tpu.memory_space<vmem>>) target(%dma_start3A_131 : memref<10240x16xf32, #tpu.memory_space<vmem_shared>>) offsets(%dma_start3A_128 : memref<80xi32, #tpu.memory_space<vmem>>) semaphore(%run_scoped3A_125 : memref<!tpu.dma_semaphore, #tpu.memory_space<semaphore_mem>>) {add = true}
      %dma_wait3A_132 = arith.constant 0 : i32
      %dma_wait3A_133 = tpu.memref_slice %arg6[%run_scoped3A_105, %dma_wait3A_132] : memref<125x80xi32, #tpu.memory_space<vmem>> -> memref<1x80xi32, #tpu.memory_space<vmem>>
      %dma_wait3A_134 = tpu.memref_squeeze %dma_wait3A_133 : memref<1x80xi32, #tpu.memory_space<vmem>> -> memref<80xi32, #tpu.memory_space<vmem>>
      %dma_wait3A_135 = arith.constant 0 : i32
      %dma_wait3A_136 = arith.constant 0 : i32
      %dma_wait3A_137 = tpu.memref_slice %arg13[%dma_wait3A_135, %dma_wait3A_136] : memref<10240x16xf32, #tpu.memory_space<vmem_shared>> -> memref<10240x16xf32, #tpu.memory_space<vmem_shared>>
      tpu.wait_indirect_dma semaphore(%run_scoped3A_125 : memref<!tpu.dma_semaphore, #tpu.memory_space<semaphore_mem>>) src(%arg10 : memref<80x16xf32, #tpu.memory_space<vmem>>) dst(%dma_wait3A_137 : memref<10240x16xf32, #tpu.memory_space<vmem_shared>>)
      tpu.yield
    }) : () -> ()
    %dma_wait3A_106 = arith.constant 124 : i32
    %dma_wait3A_107 = arith.constant 0 : i32
    %dma_wait3A_108 = tpu.memref_slice %arg5[%dma_wait3A_106, %dma_wait3A_107] : memref<125x80xi32, #tpu.memory_space<vmem>> -> memref<1x80xi32, #tpu.memory_space<vmem>>
    %dma_wait3A_109 = tpu.memref_squeeze %dma_wait3A_108 : memref<1x80xi32, #tpu.memory_space<vmem>> -> memref<80xi32, #tpu.memory_space<vmem>>
    %dma_wait3A_110 = arith.constant 0 : i32
    %dma_wait3A_111 = arith.constant 0 : i32
    %dma_wait3A_112 = tpu.memref_slice %arg14[%dma_wait3A_110, %dma_wait3A_111] : memref<10000x16xf32, #tpu.memory_space<vmem_shared>> -> memref<10000x16xf32, #tpu.memory_space<vmem_shared>>
    tpu.wait_indirect_dma semaphore(%arg19 : memref<!tpu.dma_semaphore, #tpu.memory_space<semaphore_mem>>) src(%dma_wait3A_112 : memref<10000x16xf32, #tpu.memory_space<vmem_shared>>) dst(%arg11 : memref<80x16xf32, #tpu.memory_space<vmem>>)
    %run_scoped3A_113 = arith.constant 124 : i32
    "tpu.region"() ({
      %run_scoped3A_125 = tpu.sem_alloc : memref<!tpu.dma_semaphore, #tpu.memory_space<semaphore_mem>>
      %dma_start3A_126 = arith.constant 0 : i32
      %dma_start3A_127 = tpu.memref_slice %arg6[%run_scoped3A_113, %dma_start3A_126] : memref<125x80xi32, #tpu.memory_space<vmem>> -> memref<1x80xi32, #tpu.memory_space<vmem>>
      %dma_start3A_128 = tpu.memref_squeeze %dma_start3A_127 : memref<1x80xi32, #tpu.memory_space<vmem>> -> memref<80xi32, #tpu.memory_space<vmem>>
      %dma_start3A_129 = arith.constant 0 : i32
      %dma_start3A_130 = arith.constant 0 : i32
      %dma_start3A_131 = tpu.memref_slice %arg13[%dma_start3A_129, %dma_start3A_130] : memref<10240x16xf32, #tpu.memory_space<vmem_shared>> -> memref<10240x16xf32, #tpu.memory_space<vmem_shared>>
      tpu.enqueue_indirect_dma source(%arg11 : memref<80x16xf32, #tpu.memory_space<vmem>>) target(%dma_start3A_131 : memref<10240x16xf32, #tpu.memory_space<vmem_shared>>) offsets(%dma_start3A_128 : memref<80xi32, #tpu.memory_space<vmem>>) semaphore(%run_scoped3A_125 : memref<!tpu.dma_semaphore, #tpu.memory_space<semaphore_mem>>) {add = true}
      %dma_wait3A_132 = arith.constant 0 : i32
      %dma_wait3A_133 = tpu.memref_slice %arg6[%run_scoped3A_113, %dma_wait3A_132] : memref<125x80xi32, #tpu.memory_space<vmem>> -> memref<1x80xi32, #tpu.memory_space<vmem>>
      %dma_wait3A_134 = tpu.memref_squeeze %dma_wait3A_133 : memref<1x80xi32, #tpu.memory_space<vmem>> -> memref<80xi32, #tpu.memory_space<vmem>>
      %dma_wait3A_135 = arith.constant 0 : i32
      %dma_wait3A_136 = arith.constant 0 : i32
      %dma_wait3A_137 = tpu.memref_slice %arg13[%dma_wait3A_135, %dma_wait3A_136] : memref<10240x16xf32, #tpu.memory_space<vmem_shared>> -> memref<10240x16xf32, #tpu.memory_space<vmem_shared>>
      tpu.wait_indirect_dma semaphore(%run_scoped3A_125 : memref<!tpu.dma_semaphore, #tpu.memory_space<semaphore_mem>>) src(%arg11 : memref<80x16xf32, #tpu.memory_space<vmem>>) dst(%dma_wait3A_137 : memref<10240x16xf32, #tpu.memory_space<vmem_shared>>)
      tpu.yield
    }) : () -> ()
    %barrier3A_114 = arith.constant 0 : index
    tpu.barrier barrier_id(%barrier3A_114)
    %lt3A_115 = arith.constant 15 : i32
    %lt3A_116 = arith.cmpi slt, %arg1, %lt3A_115 : i32
    %convert_element_type3A_117 = arith.extui %lt3A_116 : i1 to i32
    %cond3A_118 = arith.constant 0 : i32
    %cond3A_119 = arith.cmpi ne, %convert_element_type3A_117, %cond3A_118 : i32
    scf.if %cond3A_119 {
      %mul3A_125 = arith.constant 640 : i32
      %mul3A_126 = arith.muli %arg1, %mul3A_125 : i32
      %mul3A_127 = arith.constant 640 : i32
      %mul3A_128 = arith.muli %arg1, %mul3A_127 : i32
      "tpu.region"() ({
        %run_scoped3A_129 = tpu.sem_alloc : memref<!tpu.dma_semaphore, #tpu.memory_space<semaphore_mem>>
        %dma_start3A_130 = arith.constant 0 : i32
        %dma_start3A_131 = tpu.memref_slice %arg4[%arg0, %mul3A_128, %dma_start3A_130] : memref<2x10000x16xf32, #tpu.memory_space<hbm>> -> memref<1x640x16xf32, #tpu.memory_space<hbm>>
        %dma_start3A_132 = tpu.memref_squeeze %dma_start3A_131 : memref<1x640x16xf32, #tpu.memory_space<hbm>> -> memref<640x16xf32, #tpu.memory_space<hbm>>
        %dma_start3A_133 = arith.constant 0 : i32
        %dma_start3A_134 = tpu.memref_slice %arg13[%mul3A_126, %dma_start3A_133] : memref<10240x16xf32, #tpu.memory_space<vmem_shared>> -> memref<640x16xf32, #tpu.memory_space<vmem_shared>>
        tpu.enqueue_dma source(%dma_start3A_134 : memref<640x16xf32, #tpu.memory_space<vmem_shared>>) target(%dma_start3A_132 : memref<640x16xf32, #tpu.memory_space<hbm>>) target_semaphore(%run_scoped3A_129 : memref<!tpu.dma_semaphore, #tpu.memory_space<semaphore_mem>>)
        %dma_wait3A_135 = arith.constant 0 : i32
        %dma_wait3A_136 = tpu.memref_slice %arg4[%arg0, %mul3A_128, %dma_wait3A_135] : memref<2x10000x16xf32, #tpu.memory_space<hbm>> -> memref<1x640x16xf32, #tpu.memory_space<hbm>>
        %dma_wait3A_137 = tpu.memref_squeeze %dma_wait3A_136 : memref<1x640x16xf32, #tpu.memory_space<hbm>> -> memref<640x16xf32, #tpu.memory_space<hbm>>
        %dma_wait3A_138 = arith.constant 0 : i32
        %dma_wait3A_139 = tpu.memref_slice %arg13[%mul3A_126, %dma_wait3A_138] : memref<10240x16xf32, #tpu.memory_space<vmem_shared>> -> memref<640x16xf32, #tpu.memory_space<vmem_shared>>
        tpu.wait_dma2 semaphore(%run_scoped3A_129 : memref<!tpu.dma_semaphore, #tpu.memory_space<semaphore_mem>>) src(%dma_wait3A_139 : memref<640x16xf32, #tpu.memory_space<vmem_shared>>) dst(%dma_wait3A_137 : memref<640x16xf32, #tpu.memory_space<hbm>>)
        tpu.yield
      }) : () -> ()
    } else {
    }
    %eq3A_120 = arith.constant 15 : i32
    %eq3A_121 = arith.cmpi eq, %arg1, %eq3A_120 : i32
    %convert_element_type3A_122 = arith.extui %eq3A_121 : i1 to i32
    %cond3A_123 = arith.constant 0 : i32
    %cond3A_124 = arith.cmpi ne, %convert_element_type3A_122, %cond3A_123 : i32
    scf.if %cond3A_124 {
      "tpu.region"() ({
        %run_scoped3A_125 = tpu.sem_alloc : memref<!tpu.dma_semaphore, #tpu.memory_space<semaphore_mem>>
        %dma_start3A_126 = arith.constant 9600 : i32
        %dma_start3A_127 = arith.constant 0 : i32
        %dma_start3A_128 = tpu.memref_slice %arg4[%arg0, %dma_start3A_126, %dma_start3A_127] : memref<2x10000x16xf32, #tpu.memory_space<hbm>> -> memref<1x400x16xf32, #tpu.memory_space<hbm>>
        %dma_start3A_129 = tpu.memref_squeeze %dma_start3A_128 : memref<1x400x16xf32, #tpu.memory_space<hbm>> -> memref<400x16xf32, #tpu.memory_space<hbm>>
        %dma_start3A_130 = arith.constant 9600 : i32
        %dma_start3A_131 = arith.constant 0 : i32
        %dma_start3A_132 = tpu.memref_slice %arg13[%dma_start3A_130, %dma_start3A_131] : memref<10240x16xf32, #tpu.memory_space<vmem_shared>> -> memref<400x16xf32, #tpu.memory_space<vmem_shared>>
        tpu.enqueue_dma source(%dma_start3A_132 : memref<400x16xf32, #tpu.memory_space<vmem_shared>>) target(%dma_start3A_129 : memref<400x16xf32, #tpu.memory_space<hbm>>) target_semaphore(%run_scoped3A_125 : memref<!tpu.dma_semaphore, #tpu.memory_space<semaphore_mem>>)
        %dma_wait3A_133 = arith.constant 9600 : i32
        %dma_wait3A_134 = arith.constant 0 : i32
        %dma_wait3A_135 = tpu.memref_slice %arg4[%arg0, %dma_wait3A_133, %dma_wait3A_134] : memref<2x10000x16xf32, #tpu.memory_space<hbm>> -> memref<1x400x16xf32, #tpu.memory_space<hbm>>
        %dma_wait3A_136 = tpu.memref_squeeze %dma_wait3A_135 : memref<1x400x16xf32, #tpu.memory_space<hbm>> -> memref<400x16xf32, #tpu.memory_space<hbm>>
        %dma_wait3A_137 = arith.constant 9600 : i32
        %dma_wait3A_138 = arith.constant 0 : i32
        %dma_wait3A_139 = tpu.memref_slice %arg13[%dma_wait3A_137, %dma_wait3A_138] : memref<10240x16xf32, #tpu.memory_space<vmem_shared>> -> memref<400x16xf32, #tpu.memory_space<vmem_shared>>
        tpu.wait_dma2 semaphore(%run_scoped3A_125 : memref<!tpu.dma_semaphore, #tpu.memory_space<semaphore_mem>>) src(%dma_wait3A_139 : memref<400x16xf32, #tpu.memory_space<vmem_shared>>) dst(%dma_wait3A_136 : memref<400x16xf32, #tpu.memory_space<hbm>>)
        tpu.yield
      }) : () -> ()
    } else {
    }
    return
  }
}

module attributes {stable_mosaic.version = 14 : i64} {
  func.func @_layer1_body(%arg0: i32, %arg1: memref<1x250x1024xf32, #tpu.memory_space<vmem>>, %arg2: memref<1024x128xf32, #tpu.memory_space<vmem>>, %arg3: memref<2x1x250x128xf32, #tpu.memory_space<vmem>>, %arg4: memref<1x250x128xf32, #tpu.memory_space<vmem>>, %arg5: memref<1x250x128xf32, #tpu.memory_space<vmem>>) attributes {dimension_semantics = [#tpu.dimension_semantics<arbitrary>], iteration_bounds = array<i64: 5>, scalar_prefetch = 0 : i64, scratch_operands = 0 : i64, tpu.core_type = #tpu.core_type<tc>, window_params = [{transform_indices = @transform_0, window_bounds = array<i64: 1, 250, 1024>}, {pipeline_mode = #tpu.pipeline_mode<synchronous>, transform_indices = @transform_1, window_bounds = array<i64: 1024, 128>}, {transform_indices = @transform_2, window_bounds = array<i64: 2, 1, 250, 128>}, {transform_indices = @transform_3, window_bounds = array<i64: 1, 250, 128>}, {transform_indices = @transform_4, window_bounds = array<i64: 1, 250, 128>}]} {
    %get3A = arith.constant 0 : index
    %get3A_0 = arith.constant 0 : index
    %get3A_1 = arith.constant 0 : index
    %get3A_2 = arith.constant 0 : index
    %get3A_3 = vector.load %arg3[%get3A, %get3A_0, %get3A_1, %get3A_2] : memref<2x1x250x128xf32, #tpu.memory_space<vmem>>, vector<1x1x250x128xf32>
    %get3A_4 = vector.shape_cast %get3A_3 : vector<1x1x250x128xf32> to vector<250x128xf32>
    %get3A_5 = arith.constant 1 : index
    %get3A_6 = arith.constant 0 : index
    %get3A_7 = arith.constant 0 : index
    %get3A_8 = arith.constant 0 : index
    %get3A_9 = vector.load %arg3[%get3A_5, %get3A_6, %get3A_7, %get3A_8] : memref<2x1x250x128xf32, #tpu.memory_space<vmem>>, vector<1x1x250x128xf32>
    %get3A_10 = vector.shape_cast %get3A_9 : vector<1x1x250x128xf32> to vector<250x128xf32>
    %add3A = arith.addf %get3A_4, %get3A_10 : vector<250x128xf32>
    %add3A_11 = arith.constant 1.000000e+00 : f32
    %add3A_12 = vector.broadcast %add3A_11 : f32 to vector<250x128xf32>
    %add3A_13 = arith.addf %add3A, %add3A_12 : vector<250x128xf32>
    %rsqrt3A = math.rsqrt %add3A_13 : vector<250x128xf32>
    %get3A_14 = arith.constant 0 : index
    %get3A_15 = arith.constant 0 : index
    %get3A_16 = arith.constant 0 : index
    %get3A_17 = vector.load %arg1[%get3A_14, %get3A_15, %get3A_16] : memref<1x250x1024xf32, #tpu.memory_space<vmem>>, vector<1x250x1024xf32>
    %get3A_18 = vector.shape_cast %get3A_17 : vector<1x250x1024xf32> to vector<250x1024xf32>
    %get3A_19 = arith.constant 0 : index
    %get3A_20 = arith.constant 0 : index
    %get3A_21 = vector.load %arg2[%get3A_19, %get3A_20] : memref<1024x128xf32, #tpu.memory_space<vmem>>, vector<1024x128xf32>
    %dot_general3A = arith.constant dense<0.000000e+00> : vector<250x128xf32>
    %dot_general3A_22 = tpu.matmul %get3A_18, %get3A_21, %dot_general3A {dimension_numbers = #tpu.dot_dimension_numbers<[1], [0], [0], [1], [0, 0, 1, 1], [], []>, transpose_lhs_hint = false} : vector<250x1024xf32>, vector<1024x128xf32>, vector<250x128xf32> -> vector<250x128xf32>
    %mul3A = arith.mulf %dot_general3A_22, %rsqrt3A : vector<250x128xf32>
    %swap3A = arith.constant 0 : index
    %swap3A_23 = arith.constant 0 : index
    %swap3A_24 = arith.constant 0 : index
    %swap3A_25 = vector.load %arg4[%swap3A, %swap3A_23, %swap3A_24] : memref<1x250x128xf32, #tpu.memory_space<vmem>>, vector<1x250x128xf32>
    %swap3A_26 = vector.shape_cast %swap3A_25 : vector<1x250x128xf32> to vector<250x128xf32>
    %swap3A_27 = vector.shape_cast %mul3A : vector<250x128xf32> to vector<1x250x128xf32>
    tpu.vector_store %arg4[%swap3A, %swap3A_23, %swap3A_24], %swap3A_27 {strides = array<i32>} : memref<1x250x128xf32, #tpu.memory_space<vmem>>, vector<1x250x128xf32>,
    %swap3A_28 = arith.constant 0 : index
    %swap3A_29 = arith.constant 0 : index
    %swap3A_30 = arith.constant 0 : index
    %swap3A_31 = vector.load %arg5[%swap3A_28, %swap3A_29, %swap3A_30] : memref<1x250x128xf32, #tpu.memory_space<vmem>>, vector<1x250x128xf32>
    %swap3A_32 = vector.shape_cast %swap3A_31 : vector<1x250x128xf32> to vector<250x128xf32>
    %swap3A_33 = vector.shape_cast %rsqrt3A : vector<250x128xf32> to vector<1x250x128xf32>
    tpu.vector_store %arg5[%swap3A_28, %swap3A_29, %swap3A_30], %swap3A_33 {strides = array<i32>} : memref<1x250x128xf32, #tpu.memory_space<vmem>>, vector<1x250x128xf32>,
    return
  }
  func.func @transform_0(%arg0: i32) -> (i32, i32, i32) {
    %c0_i32 = arith.constant 0 : i32
    %c0_i32_0 = arith.constant 0 : i32
    %c0_i32_1 = arith.constant 0 : i32
    return %arg0, %c0_i32, %c0_i32_0 : i32, i32, i32
  }
  func.func @transform_1(%arg0: i32) -> (i32, i32) {
    %c0_i32 = arith.constant 0 : i32
    %c0_i32_0 = arith.constant 0 : i32
    %c0_i32_1 = arith.constant 0 : i32
    return %c0_i32, %c0_i32_0 : i32, i32
  }
  func.func @transform_2(%arg0: i32) -> (i32, i32, i32, i32) {
    %c0_i32 = arith.constant 0 : i32
    %c0_i32_0 = arith.constant 0 : i32
    %c0_i32_1 = arith.constant 0 : i32
    %c0_i32_2 = arith.constant 0 : i32
    return %c0_i32, %arg0, %c0_i32_0, %c0_i32_1 : i32, i32, i32, i32
  }
  func.func @transform_3(%arg0: i32) -> (i32, i32, i32) {
    %c0_i32 = arith.constant 0 : i32
    %c0_i32_0 = arith.constant 0 : i32
    %c0_i32_1 = arith.constant 0 : i32
    return %arg0, %c0_i32, %c0_i32_0 : i32, i32, i32
  }
  func.func @transform_4(%arg0: i32) -> (i32, i32, i32) {
    %c0_i32 = arith.constant 0 : i32
    %c0_i32_0 = arith.constant 0 : i32
    %c0_i32_1 = arith.constant 0 : i32
    return %arg0, %c0_i32, %c0_i32_0 : i32, i32, i32
  }
}

module attributes {stable_mosaic.version = 14 : i64} {
  func.func @_layer2_body(%arg0: i32, %arg1: memref<2x1x250x128xf32, #tpu.memory_space<vmem>>, %arg2: memref<1x250x128xf32, #tpu.memory_space<vmem>>, %arg3: memref<1x250x128xf32, #tpu.memory_space<vmem>>, %arg4: memref<1x128xf32, #tpu.memory_space<vmem>>, %arg5: memref<128x512xf32, #tpu.memory_space<vmem>>, %arg6: memref<128x512xf32, #tpu.memory_space<vmem>>, %arg7: memref<1x250x512xf32, #tpu.memory_space<vmem>>) attributes {dimension_semantics = [#tpu.dimension_semantics<arbitrary>], iteration_bounds = array<i64: 5>, scalar_prefetch = 0 : i64, scratch_operands = 0 : i64, tpu.core_type = #tpu.core_type<tc>, window_params = [{transform_indices = @transform_0, window_bounds = array<i64: 2, 1, 250, 128>}, {transform_indices = @transform_1, window_bounds = array<i64: 1, 250, 128>}, {transform_indices = @transform_2, window_bounds = array<i64: 1, 250, 128>}, {pipeline_mode = #tpu.pipeline_mode<synchronous>, transform_indices = @transform_3, window_bounds = array<i64: 1, 128>}, {pipeline_mode = #tpu.pipeline_mode<synchronous>, transform_indices = @transform_4, window_bounds = array<i64: 128, 512>}, {pipeline_mode = #tpu.pipeline_mode<synchronous>, transform_indices = @transform_5, window_bounds = array<i64: 128, 512>}, {transform_indices = @transform_6, window_bounds = array<i64: 1, 250, 512>}]} {
    %get3A = arith.constant 0 : index
    %get3A_0 = arith.constant 0 : index
    %get3A_1 = arith.constant 0 : index
    %get3A_2 = arith.constant 0 : index
    %get3A_3 = vector.load %arg1[%get3A, %get3A_0, %get3A_1, %get3A_2] : memref<2x1x250x128xf32, #tpu.memory_space<vmem>>, vector<1x1x250x128xf32>
    %get3A_4 = vector.shape_cast %get3A_3 : vector<1x1x250x128xf32> to vector<250x128xf32>
    %get3A_5 = arith.constant 1 : index
    %get3A_6 = arith.constant 0 : index
    %get3A_7 = arith.constant 0 : index
    %get3A_8 = arith.constant 0 : index
    %get3A_9 = vector.load %arg1[%get3A_5, %get3A_6, %get3A_7, %get3A_8] : memref<2x1x250x128xf32, #tpu.memory_space<vmem>>, vector<1x1x250x128xf32>
    %get3A_10 = vector.shape_cast %get3A_9 : vector<1x1x250x128xf32> to vector<250x128xf32>
    %add3A = arith.addf %get3A_4, %get3A_10 : vector<250x128xf32>
    %get3A_11 = arith.constant 0 : index
    %get3A_12 = arith.constant 0 : index
    %get3A_13 = arith.constant 0 : index
    %get3A_14 = vector.load %arg2[%get3A_11, %get3A_12, %get3A_13] : memref<1x250x128xf32, #tpu.memory_space<vmem>>, vector<1x250x128xf32>
    %get3A_15 = vector.shape_cast %get3A_14 : vector<1x250x128xf32> to vector<250x128xf32>
    %add3A_16 = arith.addf %add3A, %get3A_15 : vector<250x128xf32>
    %get3A_17 = arith.constant 0 : index
    %get3A_18 = arith.constant 0 : index
    %get3A_19 = arith.constant 0 : index
    %get3A_20 = vector.load %arg3[%get3A_17, %get3A_18, %get3A_19] : memref<1x250x128xf32, #tpu.memory_space<vmem>>, vector<1x250x128xf32>
    %get3A_21 = vector.shape_cast %get3A_20 : vector<1x250x128xf32> to vector<250x128xf32>
    %mul3A = arith.mulf %get3A_21, %add3A_16 : vector<250x128xf32>
    %get3A_22 = arith.constant 0 : index
    %get3A_23 = arith.constant 0 : index
    %get3A_24 = vector.load %arg4[%get3A_22, %get3A_23] : memref<1x128xf32, #tpu.memory_space<vmem>>, vector<1x128xf32>
    %add3A_25 = vector.broadcast %get3A_24 : vector<1x128xf32> to vector<250x128xf32>
    %add3A_26 = arith.addf %mul3A, %add3A_25 : vector<250x128xf32>
    %max3A = arith.constant 0.000000e+00 : f32
    %max3A_27 = vector.broadcast %max3A : f32 to vector<250x128xf32>
    %max3A_28 = arith.maximumf %add3A_26, %max3A_27 : vector<250x128xf32>
    %get3A_29 = arith.constant 0 : index
    %get3A_30 = arith.constant 0 : index
    %get3A_31 = vector.load %arg5[%get3A_29, %get3A_30] : memref<128x512xf32, #tpu.memory_space<vmem>>, vector<128x512xf32>
    %dot_general3A = arith.constant dense<0.000000e+00> : vector<250x512xf32>
    %dot_general3A_32 = tpu.matmul %max3A_28, %get3A_31, %dot_general3A {dimension_numbers = #tpu.dot_dimension_numbers<[1], [0], [0], [1], [0, 0, 1, 1], [], []>, transpose_lhs_hint = false} : vector<250x128xf32>, vector<128x512xf32>, vector<250x512xf32> -> vector<250x512xf32>
    %get3A_33 = arith.constant 0 : index
    %get3A_34 = arith.constant 0 : index
    %get3A_35 = arith.constant 0 : index
    %get3A_36 = vector.load %arg3[%get3A_33, %get3A_34, %get3A_35] : memref<1x250x128xf32, #tpu.memory_space<vmem>>, vector<1x250x128xf32>
    %get3A_37 = vector.shape_cast %get3A_36 : vector<1x250x128xf32> to vector<250x128xf32>
    %get3A_38 = arith.constant 0 : index
    %get3A_39 = arith.constant 0 : index
    %get3A_40 = vector.load %arg6[%get3A_38, %get3A_39] : memref<128x512xf32, #tpu.memory_space<vmem>>, vector<128x512xf32>
    %dot_general3A_41 = arith.constant dense<0.000000e+00> : vector<250x512xf32>
    %dot_general3A_42 = tpu.matmul %get3A_37, %get3A_40, %dot_general3A_41 {dimension_numbers = #tpu.dot_dimension_numbers<[1], [0], [0], [1], [0, 0, 1, 1], [], []>, transpose_lhs_hint = false} : vector<250x128xf32>, vector<128x512xf32>, vector<250x512xf32> -> vector<250x512xf32>
    %mul3A_43 = arith.mulf %dot_general3A_32, %dot_general3A_42 : vector<250x512xf32>
    %swap3A = arith.constant 0 : index
    %swap3A_44 = arith.constant 0 : index
    %swap3A_45 = arith.constant 0 : index
    %swap3A_46 = vector.load %arg7[%swap3A, %swap3A_44, %swap3A_45] : memref<1x250x512xf32, #tpu.memory_space<vmem>>, vector<1x250x512xf32>
    %swap3A_47 = vector.shape_cast %swap3A_46 : vector<1x250x512xf32> to vector<250x512xf32>
    %swap3A_48 = vector.shape_cast %mul3A_43 : vector<250x512xf32> to vector<1x250x512xf32>
    tpu.vector_store %arg7[%swap3A, %swap3A_44, %swap3A_45], %swap3A_48 {strides = array<i32>} : memref<1x250x512xf32, #tpu.memory_space<vmem>>, vector<1x250x512xf32>,
    return
  }
  func.func @transform_0(%arg0: i32) -> (i32, i32, i32, i32) {
    %c0_i32 = arith.constant 0 : i32
    %c0_i32_0 = arith.constant 0 : i32
    %c0_i32_1 = arith.constant 0 : i32
    %c0_i32_2 = arith.constant 0 : i32
    return %c0_i32, %arg0, %c0_i32_0, %c0_i32_1 : i32, i32, i32, i32
  }
  func.func @transform_1(%arg0: i32) -> (i32, i32, i32) {
    %c0_i32 = arith.constant 0 : i32
    %c0_i32_0 = arith.constant 0 : i32
    %c0_i32_1 = arith.constant 0 : i32
    return %arg0, %c0_i32, %c0_i32_0 : i32, i32, i32
  }
  func.func @transform_2(%arg0: i32) -> (i32, i32, i32) {
    %c0_i32 = arith.constant 0 : i32
    %c0_i32_0 = arith.constant 0 : i32
    %c0_i32_1 = arith.constant 0 : i32
    return %arg0, %c0_i32, %c0_i32_0 : i32, i32, i32
  }
  func.func @transform_3(%arg0: i32) -> (i32, i32) {
    %c0_i32 = arith.constant 0 : i32
    %c0_i32_0 = arith.constant 0 : i32
    %c0_i32_1 = arith.constant 0 : i32
    return %c0_i32, %c0_i32_0 : i32, i32
  }
  func.func @transform_4(%arg0: i32) -> (i32, i32) {
    %c0_i32 = arith.constant 0 : i32
    %c0_i32_0 = arith.constant 0 : i32
    %c0_i32_1 = arith.constant 0 : i32
    return %c0_i32, %c0_i32_0 : i32, i32
  }
  func.func @transform_5(%arg0: i32) -> (i32, i32) {
    %c0_i32 = arith.constant 0 : i32
    %c0_i32_0 = arith.constant 0 : i32
    %c0_i32_1 = arith.constant 0 : i32
    return %c0_i32, %c0_i32_0 : i32, i32
  }
  func.func @transform_6(%arg0: i32) -> (i32, i32, i32) {
    %c0_i32 = arith.constant 0 : i32
    %c0_i32_0 = arith.constant 0 : i32
    %c0_i32_1 = arith.constant 0 : i32
    return %arg0, %c0_i32, %c0_i32_0 : i32, i32, i32
  }
}

module attributes {stable_mosaic.version = 14 : i64} {
  func.func @_out_body(%arg0: i32, %arg1: memref<2x1x250x512xf32, #tpu.memory_space<vmem>>, %arg2: memref<1x250x512xf32, #tpu.memory_space<vmem>>, %arg3: memref<1x250x128xf32, #tpu.memory_space<vmem>>, %arg4: memref<128x512xf32, #tpu.memory_space<vmem>>, %arg5: memref<1x512xf32, #tpu.memory_space<vmem>>, %arg6: memref<512x512xf32, #tpu.memory_space<vmem>>, %arg7: memref<1x250x512xf32, #tpu.memory_space<vmem>>) attributes {dimension_semantics = [#tpu.dimension_semantics<arbitrary>], iteration_bounds = array<i64: 5>, scalar_prefetch = 0 : i64, scratch_operands = 0 : i64, tpu.core_type = #tpu.core_type<tc>, window_params = [{transform_indices = @transform_0, window_bounds = array<i64: 2, 1, 250, 512>}, {transform_indices = @transform_1, window_bounds = array<i64: 1, 250, 512>}, {transform_indices = @transform_2, window_bounds = array<i64: 1, 250, 128>}, {pipeline_mode = #tpu.pipeline_mode<synchronous>, transform_indices = @transform_3, window_bounds = array<i64: 128, 512>}, {pipeline_mode = #tpu.pipeline_mode<synchronous>, transform_indices = @transform_4, window_bounds = array<i64: 1, 512>}, {pipeline_mode = #tpu.pipeline_mode<synchronous>, transform_indices = @transform_5, window_bounds = array<i64: 512, 512>}, {transform_indices = @transform_6, window_bounds = array<i64: 1, 250, 512>}]} {
    %get3A = arith.constant 0 : index
    %get3A_0 = arith.constant 0 : index
    %get3A_1 = arith.constant 0 : index
    %get3A_2 = vector.load %arg3[%get3A, %get3A_0, %get3A_1] : memref<1x250x128xf32, #tpu.memory_space<vmem>>, vector<1x250x128xf32>
    %get3A_3 = vector.shape_cast %get3A_2 : vector<1x250x128xf32> to vector<250x128xf32>
    %get3A_4 = arith.constant 0 : index
    %get3A_5 = arith.constant 0 : index
    %get3A_6 = vector.load %arg4[%get3A_4, %get3A_5] : memref<128x512xf32, #tpu.memory_space<vmem>>, vector<128x512xf32>
    %dot_general3A = arith.constant dense<0.000000e+00> : vector<250x512xf32>
    %dot_general3A_7 = tpu.matmul %get3A_3, %get3A_6, %dot_general3A {dimension_numbers = #tpu.dot_dimension_numbers<[1], [0], [0], [1], [0, 0, 1, 1], [], []>, transpose_lhs_hint = false} : vector<250x128xf32>, vector<128x512xf32>, vector<250x512xf32> -> vector<250x512xf32>
    %get3A_8 = arith.constant 0 : index
    %get3A_9 = arith.constant 0 : index
    %get3A_10 = arith.constant 0 : index
    %get3A_11 = arith.constant 0 : index
    %get3A_12 = vector.load %arg1[%get3A_8, %get3A_9, %get3A_10, %get3A_11] : memref<2x1x250x512xf32, #tpu.memory_space<vmem>>, vector<1x1x250x512xf32>
    %get3A_13 = vector.shape_cast %get3A_12 : vector<1x1x250x512xf32> to vector<250x512xf32>
    %get3A_14 = arith.constant 1 : index
    %get3A_15 = arith.constant 0 : index
    %get3A_16 = arith.constant 0 : index
    %get3A_17 = arith.constant 0 : index
    %get3A_18 = vector.load %arg1[%get3A_14, %get3A_15, %get3A_16, %get3A_17] : memref<2x1x250x512xf32, #tpu.memory_space<vmem>>, vector<1x1x250x512xf32>
    %get3A_19 = vector.shape_cast %get3A_18 : vector<1x1x250x512xf32> to vector<250x512xf32>
    %add3A = arith.addf %get3A_13, %get3A_19 : vector<250x512xf32>
    %get3A_20 = arith.constant 0 : index
    %get3A_21 = arith.constant 0 : index
    %get3A_22 = arith.constant 0 : index
    %get3A_23 = vector.load %arg2[%get3A_20, %get3A_21, %get3A_22] : memref<1x250x512xf32, #tpu.memory_space<vmem>>, vector<1x250x512xf32>
    %get3A_24 = vector.shape_cast %get3A_23 : vector<1x250x512xf32> to vector<250x512xf32>
    %add3A_25 = arith.addf %add3A, %get3A_24 : vector<250x512xf32>
    %mul3A = arith.mulf %dot_general3A_7, %add3A_25 : vector<250x512xf32>
    %get3A_26 = arith.constant 0 : index
    %get3A_27 = arith.constant 0 : index
    %get3A_28 = vector.load %arg5[%get3A_26, %get3A_27] : memref<1x512xf32, #tpu.memory_space<vmem>>, vector<1x512xf32>
    %add3A_29 = vector.broadcast %get3A_28 : vector<1x512xf32> to vector<250x512xf32>
    %add3A_30 = arith.addf %mul3A, %add3A_29 : vector<250x512xf32>
    %reduce_max3A = arith.constant dense<0xFF800000> : vector<250xf32>
    %reduce_max3A_31 = vector.multi_reduction <maximumf>, %add3A_30, %reduce_max3A [1] : vector<250x512xf32> to vector<250xf32>
    %broadcast_in_dim3A = vector.shape_cast %reduce_max3A_31 : vector<250xf32> to vector<250x1xf32>
    %sub3A = vector.broadcast %broadcast_in_dim3A : vector<250x1xf32> to vector<250x512xf32>
    %sub3A_32 = arith.subf %add3A_30, %sub3A : vector<250x512xf32>
    %exp3A = math.exp %sub3A_32 : vector<250x512xf32>
    %get3A_33 = arith.constant 0 : index
    %get3A_34 = arith.constant 0 : index
    %get3A_35 = vector.load %arg6[%get3A_33, %get3A_34] : memref<512x512xf32, #tpu.memory_space<vmem>>, vector<512x512xf32>
    %dot_general3A_36 = arith.constant dense<0.000000e+00> : vector<250x512xf32>
    %dot_general3A_37 = tpu.matmul %exp3A, %get3A_35, %dot_general3A_36 {dimension_numbers = #tpu.dot_dimension_numbers<[1], [0], [0], [1], [0, 0, 1, 1], [], []>, transpose_lhs_hint = false} : vector<250x512xf32>, vector<512x512xf32>, vector<250x512xf32> -> vector<250x512xf32>
    %log3A = math.log %dot_general3A_37 : vector<250x512xf32>
    %add3A_38 = vector.broadcast %broadcast_in_dim3A : vector<250x1xf32> to vector<250x512xf32>
    %add3A_39 = arith.addf %log3A, %add3A_38 : vector<250x512xf32>
    %sub3A_40 = arith.subf %add3A_30, %add3A_39 : vector<250x512xf32>
    %swap3A = arith.constant 0 : index
    %swap3A_41 = arith.constant 0 : index
    %swap3A_42 = arith.constant 0 : index
    %swap3A_43 = vector.load %arg7[%swap3A, %swap3A_41, %swap3A_42] : memref<1x250x512xf32, #tpu.memory_space<vmem>>, vector<1x250x512xf32>
    %swap3A_44 = vector.shape_cast %swap3A_43 : vector<1x250x512xf32> to vector<250x512xf32>
    %swap3A_45 = vector.shape_cast %sub3A_40 : vector<250x512xf32> to vector<1x250x512xf32>
    tpu.vector_store %arg7[%swap3A, %swap3A_41, %swap3A_42], %swap3A_45 {strides = array<i32>} : memref<1x250x512xf32, #tpu.memory_space<vmem>>, vector<1x250x512xf32>,
    return
  }
  func.func @transform_0(%arg0: i32) -> (i32, i32, i32, i32) {
    %c0_i32 = arith.constant 0 : i32
    %c0_i32_0 = arith.constant 0 : i32
    %c0_i32_1 = arith.constant 0 : i32
    %c0_i32_2 = arith.constant 0 : i32
    return %c0_i32, %arg0, %c0_i32_0, %c0_i32_1 : i32, i32, i32, i32
  }
  func.func @transform_1(%arg0: i32) -> (i32, i32, i32) {
    %c0_i32 = arith.constant 0 : i32
    %c0_i32_0 = arith.constant 0 : i32
    %c0_i32_1 = arith.constant 0 : i32
    return %arg0, %c0_i32, %c0_i32_0 : i32, i32, i32
  }
  func.func @transform_2(%arg0: i32) -> (i32, i32, i32) {
    %c0_i32 = arith.constant 0 : i32
    %c0_i32_0 = arith.constant 0 : i32
    %c0_i32_1 = arith.constant 0 : i32
    return %arg0, %c0_i32, %c0_i32_0 : i32, i32, i32
  }
  func.func @transform_3(%arg0: i32) -> (i32, i32) {
    %c0_i32 = arith.constant 0 : i32
    %c0_i32_0 = arith.constant 0 : i32
    %c0_i32_1 = arith.constant 0 : i32
    return %c0_i32, %c0_i32_0 : i32, i32
  }
  func.func @transform_4(%arg0: i32) -> (i32, i32) {
    %c0_i32 = arith.constant 0 : i32
    %c0_i32_0 = arith.constant 0 : i32
    %c0_i32_1 = arith.constant 0 : i32
    return %c0_i32, %c0_i32_0 : i32, i32
  }
  func.func @transform_5(%arg0: i32) -> (i32, i32) {
    %c0_i32 = arith.constant 0 : i32
    %c0_i32_0 = arith.constant 0 : i32
    %c0_i32_1 = arith.constant 0 : i32
    return %c0_i32, %c0_i32_0 : i32, i32
  }
  func.func @transform_6(%arg0: i32) -> (i32, i32, i32) {
    %c0_i32 = arith.constant 0 : i32
    %c0_i32_0 = arith.constant 0 : i32
    %c0_i32_1 = arith.constant 0 : i32
    return %arg0, %c0_i32, %c0_i32_0 : i32, i32, i32
  }
}

</mosaic_0001>

<sc_bundles>
// kernel: kernel.11.cloned.1.call-start
scs
__scs_entry_jumppad:
0x0: {  	(pc) =	sbr.rel $0x88, $3  }
0x1: {  	(tag) =	ssettag $0x0;
	lr =	simm.s32 $0x1  }
0x2: {  	[smem:$0x3F9B] =	sst lr;
	_ =	strace $0xD0000000  }
0x3: {  	_ = 	snop  }
0x4: {  	_ = 	snop  }
0x5: {  	_ = 	snop  }
0x6: {  	_ = 	snop  }
0x7: {  	_ = 	snop  }
__scs_overlays_trampoline_lowered:
0x8: {  	[smem:$0x3FAA] =	sst s0  }
0x9: {  	[smem:$0x3FAB] =	sst s1  }
0xa: {  	[smem:$0x3FAC] =	sst s2  }
0xb: {  	[smem:$0x3FAD] =	sst s3  }
0xc: {  	[smem:$0x3FAE] =	sst s4  }
0xd: {  	[smem:$0x3FAF] =	sst s5  }
0xe: {  	[smem:$0x3FB0] =	sst s6  }
0xf: {  	[smem:$0x3FB1] =	sst s7  }
0x10: {  	[smem:$0x3FB2] =	sst s8  }
0x11: {  	[smem:$0x3FB3] =	sst s9;
	s0 =	simm.s32 @!p0 $0x0  }
0x12: {  	s1 =	sld [smem:$0x3F99];
	s0 =	simm.s32 @p0 $0x1  }
0x13: {  	[smem:$0x3FB4] =	sst s0;
	s0 =	simm.s32 @!p1 $0x0  }
0x14: {  	s2 =	sld [smem:$0x3F98];
	s0 =	simm.s32 @p1 $0x1  }
0x15: {  	[smem:$0x3FB5] =	sst s0;
	s0 =	simm.s32 @!p2 $0x0  }
0x16: {  	s3 =	sld [smem:$0x3FDB];
	s0 =	simm.s32 @p2 $0x1  }
0x17: {  	s4 =	simm.s32 $0x1BF5;
	[smem:$0x3FB7] =	sst s0  }
0x18: {  	s0 =	sld [smem:$0x3F9A];
	_ =	swait.ge [sflag:s4], $0x0  }
0x19: {  	s7 =	sld [smem:$0x3F9B]  }
0x1a: {  	s8 =	sadd.s32 $0xFFFFE003, lr  }
0x1b: {  	s9 =	sadd.s32 $0xFFFFFEF7, lr;
	s5 =	simm.s32 $0xFFFFFFFF;
	p2 =	slt.u32 s8, $0xFFFFF086  }
0x1c: {  	p1 =	slt.u32 s9, $0xF7A;
	s5 =	simm.s32 @!p2 $0x0  }
0x1d: {  	s5 =	simm.s32 @p1 $0x1;
	p0 =	seq.s32 s7, s2  }
0x1e: {  	s7 =	smul.u32 @!p0 $0xF7A, s2;
	p2 =	seq.s32 @!p0 s5, $0x0  }
0x1f: {  	s9 =	smul.u32 $0xF7A, s1;
	s8 =	simm.s32 @!p0 $0x1BF5;
	p2 =	por !p2, p0  }
0x20: {  	[sflag:s8] =	ssyncset.s32 @!p0 $0xFFFFF086;
	s6 =	sadd.s32 @!p0 s3, s7;
	s7 =	simm.s32 @!p0 $0x108  }
0x21: {  	s3 =	sadd.s32 s3, s9;
	s6 =	sadd.s32 @!p0 $0x88, s6;
	s7 =	simm.s32 @p2 $0x1082  }
0x22: {  	[simem:s7], [sflag:s8] =	dma.local @!p0 [hbm:s6], $0xF7A  }
0x23: {  	s9 =	sor.u32 $0xD0000000, s2;
	s6 =	simm.s32 $0x108;
	_ =	swait.ge @!p0 [sflag:s8], $0x0  }
0x24: {  	s3 =	sadd.s32 $0x88, s3;
	s6 =	simm.s32 @!p1 $0x1082;
	[sflag:s4] =	ssyncset.s32 $0xFFFFF086  }
0x25: {  	[simem:s6], [sflag:s4] =	dma.local [hbm:s3], $0xF7A  }
0x26: {  	[smem:$0x3F9B] =	sst s1;
	(tag) =	ssettag s2;
	_ =	strace s9  }
0x27: {  	s1 =	sld [smem:$0x3FAB]  }
0x28: {  	s2 =	sld [smem:$0x3FAC]  }
0x29: {  	s4 =	sld [smem:$0x3FAE]  }
0x2a: {  	p0 =	seq.s32 s5, $0x0;
	s5 =	sld [smem:$0x3FAF]  }
0x2b: {  	s6 =	sld [smem:$0x3FB0]  }
0x2c: {  	s7 =	sld [smem:$0x3FB1]  }
0x2d: {  	s3 =	simm.s32 $0x108;
	s8 =	sld [smem:$0x3FB2]  }
0x2e: {  	s3 =	simm.s32 @!p0 $0x1082;
	s9 =	sld [smem:$0x3FB3]  }
0x2f: {  	lr =	sadd.s32 s0, s3;
	s0 =	sld [smem:$0x3FAA]  }
0x30: {  	s3 =	sld [smem:$0x3FAD]  }
0x31: {  	[smem:$0x3FB6] =	sst s10  }
0x32: {  	s10 =	sld [smem:$0x3FB4];
	_ =	sdelay $0x3  }
0x33: {  	p0 =	seq.s32 s10, $0x1;
	s10 =	sld [smem:$0x3FB6];
	_ =	sdelay $0x3  }
0x34: {  	[smem:$0x3FB6] =	sst s10  }
0x35: {  	s10 =	sld [smem:$0x3FB5];
	_ =	sdelay $0x3  }
0x36: {  	p1 =	seq.s32 s10, $0x1;
	s10 =	sld [smem:$0x3FB6];
	_ =	sdelay $0x3  }
0x37: {  	[smem:$0x3FB6] =	sst s10  }
0x38: {  	s10 =	sld [smem:$0x3FB7]  }
0x39: {  	_ = 	snop;
	(pc) =	sbr.ind lr, $3  }
0x3a: {  	_ = 	snop  }
0x3b: {  	_ = 	snop  }
0x3c: {  	p2 =	seq.s32 s10, $0x1;
	s10 =	sld [smem:$0x3FB6]  }
0x3d: {  	_ =	shalt  }
0x3e: {  	_ =	shalt  }
0x3f: {  	_ =	shalt  }
0x40: {  	_ =	shalt  }
0x41: {  	_ =	shalt  }
0x42: {  	_ =	shalt  }
0x43: {  	_ =	shalt  }
0x44: {  	_ =	shalt  }
0x45: {  	_ =	shalt  }
0x46: {  	_ =	shalt  }
0x47: {  	_ =	shalt  }
0x48: {  	_ =	shalt  }
0x49: {  	_ =	shalt  }
0x4a: {  	_ =	shalt  }
0x4b: {  	_ =	shalt  }
0x4c: {  	_ =	shalt  }
0x4d: {  	_ =	shalt  }
0x4e: {  	_ =	shalt  }
0x4f: {  	_ =	shalt  }
0x50: {  	_ =	shalt  }
0x51: {  	_ =	shalt  }
0x52: {  	_ =	shalt  }
0x53: {  	_ =	shalt  }
0x54: {  	_ =	shalt  }
0x55: {  	_ =	shalt  }
0x56: {  	_ =	shalt  }
0x57: {  	_ =	shalt  }
0x58: {  	_ =	shalt  }
0x59: {  	_ =	shalt  }
0x5a: {  	_ =	shalt  }
0x5b: {  	_ =	shalt  }
0x5c: {  	_ =	shalt  }
0x5d: {  	_ =	shalt  }
0x5e: {  	_ =	shalt  }
0x5f: {  	_ =	shalt  }
0x60: {  	_ =	shalt  }
0x61: {  	_ =	shalt  }
0x62: {  	_ =	shalt  }
0x63: {  	_ =	shalt  }
0x64: {  	_ =	shalt  }
0x65: {  	_ =	shalt  }
0x66: {  	_ =	shalt  }
0x67: {  	_ =	shalt  }
0x68: {  	_ =	shalt  }
0x69: {  	_ =	shalt  }
0x6a: {  	_ =	shalt  }
0x6b: {  	_ =	shalt  }
0x6c: {  	_ =	shalt  }
0x6d: {  	_ =	shalt  }
0x6e: {  	_ =	shalt  }
0x6f: {  	_ =	shalt  }
0x70: {  	_ =	shalt  }
0x71: {  	_ =	shalt  }
0x72: {  	_ =	shalt  }
0x73: {  	_ =	shalt  }
0x74: {  	_ =	shalt  }
0x75: {  	_ =	shalt  }
0x76: {  	_ =	shalt  }
0x77: {  	_ =	shalt  }
0x78: {  	_ =	shalt  }
0x79: {  	_ =	shalt  }
0x7a: {  	_ =	shalt  }
0x7b: {  	_ =	shalt  }
0x7c: {  	_ =	shalt  }
0x7d: {  	_ =	shalt  }
0x7e: {  	_ =	shalt  }
0x7f: {  	_ =	shalt  }
0x80: {  	_ =	shalt  }
0x81: {  	_ =	shalt  }
0x82: {  	_ =	shalt  }
0x83: {  	_ =	shalt  }
0x84: {  	_ =	shalt  }
0x85: {  	_ =	shalt  }
0x86: {  	_ =	shalt  }
0x87: {  	_ =	shalt  }
.Lfunc_end0:
.L_simem_size_0:
called_computation.1_lowered:
.L_overlay_start_0:
0x88: {  	s2 =	sld [smem:$0x3FD9]  }
0x89: {  	s3 =	sld [smem:$0x3FFE];
	_ =	sdelay $0x1  }
0x8a: {  	s1 =	srdreg.scid  }
0x8b: {  	s0 =	sand.u32 $0x1, s1  }
0x8c: {  	s17 =	sshll.u32 s0, $0xA;
	s2 =	sadd.s32 s3, s2  }
0x8d: {  	s2 =	sadd.s32 s2, s17  }
0x8e: {  	[smem:$0x3FC2] =	sst s2  }
0x8f: {  	_ = 	snop  }
0x90: {  	s2 =	sld [smem:$0x3FD0];
	(tm) =	ssettm $0x1  }
0x91: {  	s18 =	sld [smem:$0x3FFB];
	_ =	sdelay $0x3  }
0x92: {  	_ =	strace s18  }
0x93: {  	s3 =	sld [smem:$0x3FFC];
	_ =	sdelay $0x3  }
0x94: {  	_ =	strace s3  }
0x95: {  	s3 =	sld [smem:$0x3FFD];
	_ =	sdelay $0x3  }
0x96: {  	_ =	strace s3  }
0x97: {  	_ =	strace $0x8FFFFFFF  }
0x98: {  	s19 =	sld [smem:$0x3FDB];
	_ =	sdelay $0x1  }
0x99: {  	s4 =	simm.s32 $_scs_section_size  }
0x9a: {  	s5 =	simm.s32 $_size__tile_overlayer_lowered;
	s6 =	simm.s32 $_tile_overlayer_lowered  }
0x9b: {  	s22 =	simm.s32 $0x1BFF;
	s21 =	sshll.u32 s6, $0x1;
	s3 =	sadd.s32 s4, s19  }
0x9c: {  	s7 =	simm.s32 $0x0;
	s20 =	sshll.u32 s5, $0x1;
	s5 =	sadd.s32 s21, s3  }
0x9d: {  	[timem:s7], [sflag:s22] =	dma.local [hbm:s5], s20  }
0x9e: {  	_ =	swait.ge [sflag:s22], s20  }
0x9f: {  	s4 =	ssub.s32 $0x0, s20;
	[sflag:s22] =	ssyncset.done $0x0  }
0xa0: {  	[sflag:s22] =	ssyncadd.s32 s4;
	_ =	sdelay $0x1  }
0xa1: {  	s23 =	simm.s32 $0x1B8B  }
0xa2: {  	_ =	swait.ge [sflag:s23], $0x1  }
0xa3: {  	[sflag:s23] =	ssyncset.done $0x0  }
0xa4: {  	s25 =	simm.s32 $0x1B8E;
	s24 =	sld [smem:$0x3FFE];
	[sflag:s23] =	ssyncadd.s32 $0xFFFFFFFF  }
0xa5: {  	s26 =	simm.s32 $execute0_lowered;
	[smem:$0x3FD2] =	sst s25  }
0xa6: {  	s5 =	sshll.u32 s26, $0x1;
	_ =	strace $0x80000049;
	[dreg:$0x1] =	wrdreg $0xFFFFFFFF  }
0xa7: {  	s28 =	simm.s32 $_size_execute0_lowered;
	s3 =	sadd.s32 s3, s5;
	[dreg:$0x0] =	wrdreg $0x0  }
0xa8: {  	s5 =	sshll.u32 s28, $0x1;
	[dreg:$0x2] =	wrdreg s3  }
0xa9: {  	[dreg:$0x3] =	wrdreg s5  }
0xaa: {  	[dreg:$0x4] =	wrdreg $0xC0  }
0xab: {  	_ =	task [dreg:s7], $0x5FFFF  }
0xac: {  	[dreg:$0x1] =	wrdreg $0xFFFFFFFF  }
0xad: {  	[dreg:$0x0] =	wrdreg $0x60  }
0xae: {  	[dreg:$0x2] =	wrdreg s24  }
0xaf: {  	[dreg:$0x3] =	wrdreg s2  }
0xb0: {  	[dreg:$0x4] =	wrdreg $0x97200  }
0xb1: {  	[dreg:$0x5] =	wrdreg $0x6F200  }
0xb2: {  	[dreg:$0x6] =	wrdreg $0x9  }
0xb3: {  	_ =	task.clear_ibuf [dreg:s7], $0x7FFFF;
	_ =	strace $0x90000049  }
0xb4: {  	s29 =	simm.s32 $0x9;
	_ =	strace $0x8000004B  }
0xb5: {  	_ =	swait.ge [sflag:s29], $0x1  }
0xb6: {  	[sflag:s29] =	ssyncadd.s32 $0xFFFFFFFF  }
0xb7: {  	_ =	strace $0x9000004B  }
0xb8: {  	_ =	sfence  }
0xb9: {  	s30 =	sld [smem:$0x0];
	_ =	sdelay $0x2  }
0xba: {  	s31 =	sshll.u32 s1, $0xD;
	s1 =	sshrl.u32 s1, $0x2  }
0xbb: {  	s3 =	sand.u32 $0x4000, s31;
	s1 =	sadd.s32 s1, s30  }
0xbc: {  	s0 =	sor.u32 s3, s0;
	s1 =	sshll.u32 s1, $0x11  }
0xbd: {  	s0 =	sor.u32 s1, s0  }
0xbe: {  	s0 =	sadd.s32 $0x8F2B, s0  }
0xbf: {  	[sflag:s0] =	ssyncadd.remote.s32 $0x1  }
0xc0: {  	_ =	sfence.sel $0xFFFF  }
0xc1: {  	[dreg:$0x0] =	wrdreg $0xFFFFFFFF;
	(pc) =	sbr.abs _section_cstart, $3  }
0xc2: {  	[dreg:$0x1] =	wrdreg $0xFFFFFFFF  }
0xc3: {  	_ =	task.clear_ibuf [dreg:s7], $0x2FFFF;
	_ =	strace $0x9FFFFFFF  }
0xc4: {  	(tm) =	ssettm $0x7FFFFFFF  }
0xc5: {  	_ =	shalt  }
tec
execute0_lowered:
.L_overlay_start_1:
0x0: {  	(tag) =	ssettag $0x1  }
0x1: {  	s0 =	rddreg [dreg:$0x0]  }
0x2: {  	s1 =	rddreg [dreg:$0x1];
	s3 =	srdreg.scid  }
0x3: {  	s2 =	rddreg [dreg:$0x2];
	s20 =	stileid.u32  }
0x4: {  	s7 =	simm.s32 $0x0;
	s17 =	simm.s32 $0x6;
	s29 =	simm.s32 $0x5820  }
0x5: {  	s31 =	simm.s32 $0x5D20;
	s28 =	simm.s32 $0x2;
	s30 =	simm.s32 $0x3  }
0x6: {  	s4 =	sand.u32 $0x1, s3;
	s3 =	rddreg [dreg:$0x3];
	s6 =	smul.u32 $0x2800, s20  }
0x7: {  	[smem:$0x7FF] =	sst s7;
	s8 =	sadd.s32 $0x7000, s0;
	s22 =	smul.u32 $0xA000, s20  }
0x8: {  	p0 =	seq.s32 s20, $0xF;
	s5 =	sshll.u32 s4, $0x4;
	_ =	strace $0x8000004A  }
0x9: {  	s9 =	ssub.s32 $0x2, s4;
	s25 =	smul.u32 $0x27100, s4;
	s5 =	sor.u32 s20, s5  }
0xa: {  	s21 =	sshrl.u32 s6, $0x3;
	s10 =	sshrl.u32 s9, $0x1;
	s18 =	sadd.s32 s6, s2  }
0xb: {  	s5 =	smul.u32 $0x2710, s5;
	s7 =	sadd.s32 s21, s0;
	s16 =	ssub.s32 s9, s10  }
0xc: {  	s0 =	sadd.s32 $0x6B00, s0;
	s9 =	sadd.s32 s6, s3;
	s4 =	sadd.s32 s6, s25  }
0xd: {  	s21 =	sshrl.u32 @!p0 s18, $0x3;
	s18 =	simm.s32 $0x1;
	s6 =	simm.s32 $0x0  }
0xe: {  	s23 =	sadd.s32 $0x2000, s7;
	s7 =	sadd.s32 $0x25800, s2;
	[dreg:$0x8] =	wrdreg s0  }
0xf: {  	s26 =	sshrl.u32 s4, $0x3;
	s0 =	sadd.s32 $0x25800, s3;
	s16 =	smax.u32 s16, $0x1  }
0x10: {  	s4 =	simm.s32 $0x5;
	s5 =	sshrl.u32 s5, $0x3;
	[dreg:$0x7] =	wrdreg s23  }
0x11: {  	s14 =	sadd.s32 s8, s26;
	s19 =	sshrl.u32 @p0 s7, $0x3;
	s23 =	simm.s32 $0x50  }
0x12: {  	s26 =	simm.s32 $0x5320;
	s5 =	sadd.s32 s1, s5;
	s1 =	sshrl.u32 s22, $0x2  }
0x13: {  	s22 =	simm.s32 $0x6720;
	[dreg:$0x5] =	wrdreg s5;
	s5 =	sadd.s32 $0x9C40, s5  }
0x14: {  	s24 =	sadd.s32 s1, s3;
	s1 =	sshrl.u32 s25, $0x3;
	s25 =	sshrl.u32 @p0 s0, $0x3  }
0x15: {  	s0 =	simm.s32 $0x6220;
	[dreg:$0x6] =	wrdreg s5;
	s10 =	sadd.s32 $0x800, s24  }
0x16: {  	s11 =	sadd.s32 $0x1000, s24;
	s12 =	sadd.s32 $0x1800, s24;
	s1 =	sadd.s32 s8, s1  }
0x17: {  	s13 =	sadd.s32 $0x2000, s24;
	s15 =	sadd.s32 $0x4B00, s1;
	s1 =	sshll.u32 @!p0 s20, $0x6  }
0x18: {  	v0 =	vimm.f32 $0.0e+00;
	s24 =	simm.s32 $0x4E20;
	s20 =	sor.u32 @!p0 $0x1C06, s1;
	s1 =	simm.s32 $0x4  }
.LBB2_1:
0x19: {  	s5 =	simm.s32 $0x0;
	s7 =	rddreg [dreg:$0x5]  }
0x1a: {  	[tilespmem:s5], [sflag:$0x6] =	stream.linear.gather [hbm4b:s7+s5], $0x2710, $0x38;
	[tilespmem:$0xBE30] =	vst v63  }
0x1b: {  	_ =	swait.ge [sflag:s17], $0x2710  }
0x1c: {  	[sflag:s17] =	ssyncset.done $0x0  }
0x1d: {  	s8 =	simm.s32 $0x2710;
	s7 =	rddreg [dreg:$0x6];
	[sflag:s17] =	ssyncadd.s32 $0xFFFFD8F0  }
0x1e: {  	[tilespmem:s8], [sflag:$0x6] =	stream.linear.gather [hbm4b:s7+s5], $0x2710, $0x38;
	[tilespmem:$0xBE30] =	vst v63  }
0x1f: {  	_ =	swait.ge [sflag:s17], $0x2710  }
0x20: {  	[sflag:s17] =	ssyncset.done $0x0  }
0x21: {  	s7 =	simm.s32 @p0 $0x1FC6;
	s5 =	rddreg [dreg:$0x8];
	[sflag:s17] =	ssyncadd.s32 $0xFFFFD8F0  }
0x22: {  	[spmem:s19], [sflag:s7] =	dma.local @p0 [hbm:s5], $0x320  }
0x23: {  	s7 =	simm.s32 @p0 $0x6  }
0x24: {  	_ =	swait.ge @p0 [sflag:s7], $0x320  }
0x25: {  	[sflag:s7] =	ssyncset.done @p0 $0x0  }
0x26: {  	s5 =	rddreg [dreg:$0x7];
	[sflag:s7] =	ssyncadd.s32 @p0 $0xFFFFFCE0;
	s7 =	simm.s32 @!p0 $0x6  }
0x27: {  	[spmem:s21], [sflag:s20] =	dma.local @!p0 [hbm:s5], $0x500  }
0x28: {  	_ =	swait.ge @!p0 [sflag:s7], $0x500  }
0x29: {  	[sflag:s7] =	ssyncset.done @!p0 $0x0  }
0x2a: {  	s8 =	simm.s32 $0x0;
	[sflag:s7] =	ssyncadd.s32 @!p0 $0xFFFFFB00;
	s7 =	simm.s32 $0x40  }
.LBB2_2:
0x2b: {  	p1 =	sne.s32 s7, $0x1FC0;
	[tilespmem:s8+$0x6720] =	vst v0;
	s8 =	smov.u32 s7;
	s7 =	sadd.s32 $0x40, s7  }
.Ltmp0:
0x2c: {  	(pc) =	sbr.rel @p1 .LBB2_2-.Ltmp0, $2  }
0x2d: {  	_ =	sdelay $0x2  }
0x2e: {  	s8 =	sshra.s32 s8, $0x2  }
0x2f: {  	[tilespmem:s8+$0x6720] =	vst v0  }
0x30: {  	[spmem:s9] =	stream.linear.scatter [tilespmem:s22], [sflag:$0x6], $0x800, $0x38;
	[tilespmem:$0xBE30] =	vst v63  }
0x31: {  	_ =	swait.ge [sflag:s17], $0x800  }
0x32: {  	[sflag:s17] =	ssyncset.done $0x0  }
0x33: {  	[sflag:s17] =	ssyncadd.s32 $0xFFFFF800  }
0x34: {  	[spmem:s10] =	stream.linear.scatter [tilespmem:s22], [sflag:$0x6], $0x800, $0x38;
	[tilespmem:$0xBE30] =	vst v63  }
0x35: {  	_ =	swait.ge [sflag:s17], $0x800  }
0x36: {  	[sflag:s17] =	ssyncset.done $0x0  }
0x37: {  	[sflag:s17] =	ssyncadd.s32 $0xFFFFF800  }
0x38: {  	[spmem:s11] =	stream.linear.scatter [tilespmem:s22], [sflag:$0x6], $0x800, $0x38;
	[tilespmem:$0xBE30] =	vst v63  }
0x39: {  	_ =	swait.ge [sflag:s17], $0x800  }
0x3a: {  	[sflag:s17] =	ssyncset.done $0x0  }
0x3b: {  	[sflag:s17] =	ssyncadd.s32 $0xFFFFF800  }
0x3c: {  	[spmem:s12] =	stream.linear.scatter [tilespmem:s22], [sflag:$0x6], $0x800, $0x38;
	[tilespmem:$0xBE30] =	vst v63  }
0x3d: {  	_ =	swait.ge [sflag:s17], $0x800  }
0x3e: {  	[sflag:s17] =	ssyncset.done $0x0  }
0x3f: {  	[sflag:s17] =	ssyncadd.s32 $0xFFFFF800  }
0x40: {  	[spmem:s13] =	stream.linear.scatter [tilespmem:s22], [sflag:$0x6], $0x800, $0x38;
	[tilespmem:$0xBE30] =	vst v63  }
0x41: {  	_ =	swait.ge [sflag:s17], $0x800  }
0x42: {  	[sflag:s17] =	ssyncset.done $0x0  }
0x43: {  	[sflag:s17] =	ssyncadd.s32 $0xFFFFF800  }
0x44: {  	s7 =	simm.s32 $0x0;
	[bflag:$0x0] =	sbarrier.arrive $0xFFFF  }
0x45: {  	[tilespmem:s24], [sflag:$0x1] =	stream.indirect.gather [spmem:s2], $0x10, s7, s23, $0xb8;
	[tilespmem:$0xBE30] =	vst v63  }
0x46: {  	_ = 	snop  }
0x47: {  	[tilespmem:s26], [sflag:$0x2] =	stream.indirect.gather [spmem:s2], $0x10, s23, s23, $0xb8;
	[tilespmem:$0xBE30] =	vst v63  }
0x48: {  	s5 =	simm.s32 $0xA0  }
0x49: {  	[tilespmem:s29], [sflag:$0x3] =	stream.indirect.gather [spmem:s2], $0x10, s5, s23, $0xb8;
	[tilespmem:$0xBE30] =	vst v63  }
0x4a: {  	s8 =	simm.s32 $0xF0  }
0x4b: {  	[tilespmem:s31], [sflag:$0x4] =	stream.indirect.gather [spmem:s2], $0x10, s8, s23, $0xb8;
	[tilespmem:$0xBE30] =	vst v63  }
0x4c: {  	s7 =	simm.s32 $0x140  }
0x4d: {  	[tilespmem:s0], [sflag:$0x5] =	stream.indirect.gather [spmem:s2], $0x10, s7, s23, $0xb8;
	[tilespmem:$0xBE30] =	vst v63  }
0x4e: {  	_ =	swait.ge [sflag:s18], $0x500  }
0x4f: {  	[sflag:s18] =	ssyncset.done $0x0  }
0x50: {  	s8 =	simm.s32 $0x2710;
	[sflag:s18] =	ssyncadd.s32 $0xFFFFFB00  }
0x51: {  	[spmem:s3] =	stream.indirect.scatter.add.f32 [tilespmem:s24], [sflag:$0x6], $0x10, s8, s23, $0xb8;
	[tilespmem:$0xBE30] =	vst v63  }
0x52: {  	_ =	swait.ge [sflag:s17], $0x500  }
0x53: {  	[sflag:s17] =	ssyncset.done $0x0  }
0x54: {  	s5 =	simm.s32 $0x190;
	[sflag:s17] =	ssyncadd.s32 $0xFFFFFB00  }
0x55: {  	[tilespmem:s24], [sflag:$0x1] =	stream.indirect.gather [spmem:s2], $0x10, s5, s23, $0xb8;
	[tilespmem:$0xBE30] =	vst v63  }
0x56: {  	_ =	swait.ge [sflag:s28], $0x500  }
0x57: {  	[sflag:s28] =	ssyncset.done $0x0  }
0x58: {  	s8 =	simm.s32 $0x2760;
	[sflag:s28] =	ssyncadd.s32 $0xFFFFFB00  }
0x59: {  	[spmem:s3] =	stream.indirect.scatter.add.f32 [tilespmem:s26], [sflag:$0x6], $0x10, s8, s23, $0xb8;
	[tilespmem:$0xBE30] =	vst v63  }
0x5a: {  	_ =	swait.ge [sflag:s17], $0x500  }
0x5b: {  	[sflag:s17] =	ssyncset.done $0x0  }
0x5c: {  	s5 =	simm.s32 $0x1E0;
	[sflag:s17] =	ssyncadd.s32 $0xFFFFFB00  }
0x5d: {  	[tilespmem:s26], [sflag:$0x2] =	stream.indirect.gather [spmem:s2], $0x10, s5, s23, $0xb8;
	[tilespmem:$0xBE30] =	vst v63  }
0x5e: {  	_ =	swait.ge [sflag:s30], $0x500  }
0x5f: {  	[sflag:s30] =	ssyncset.done $0x0  }
0x60: {  	s8 =	simm.s32 $0x27B0;
	[sflag:s30] =	ssyncadd.s32 $0xFFFFFB00  }
0x61: {  	[spmem:s3] =	stream.indirect.scatter.add.f32 [tilespmem:s29], [sflag:$0x6], $0x10, s8, s23, $0xb8;
	[tilespmem:$0xBE30] =	vst v63  }
0x62: {  	_ =	swait.ge [sflag:s17], $0x500  }
0x63: {  	[sflag:s17] =	ssyncset.done $0x0  }
0x64: {  	s5 =	simm.s32 $0x230;
	[sflag:s17] =	ssyncadd.s32 $0xFFFFFB00  }
0x65: {  	[tilespmem:s29], [sflag:$0x3] =	stream.indirect.gather [spmem:s2], $0x10, s5, s23, $0xb8;
	[tilespmem:$0xBE30] =	vst v63  }
0x66: {  	_ =	swait.ge [sflag:s1], $0x500  }
0x67: {  	[sflag:s1] =	ssyncset.done $0x0  }
0x68: {  	s8 =	simm.s32 $0x2800;
	[sflag:s1] =	ssyncadd.s32 $0xFFFFFB00  }
0x69: {  	[spmem:s3] =	stream.indirect.scatter.add.f32 [tilespmem:s31], [sflag:$0x6], $0x10, s8, s23, $0xb8;
	[tilespmem:$0xBE30] =	vst v63  }
0x6a: {  	_ =	swait.ge [sflag:s17], $0x500  }
0x6b: {  	[sflag:s17] =	ssyncset.done $0x0  }
0x6c: {  	s5 =	simm.s32 $0x280;
	[sflag:s17] =	ssyncadd.s32 $0xFFFFFB00  }
0x6d: {  	[tilespmem:s31], [sflag:$0x4] =	stream.indirect.gather [spmem:s2], $0x10, s5, s23, $0xb8;
	[tilespmem:$0xBE30] =	vst v63  }
0x6e: {  	_ =	swait.ge [sflag:s4], $0x500  }
0x6f: {  	[sflag:s4] =	ssyncset.done $0x0  }
0x70: {  	s8 =	simm.s32 $0x2850;
	[sflag:s4] =	ssyncadd.s32 $0xFFFFFB00  }
0x71: {  	[spmem:s3] =	stream.indirect.scatter.add.f32 [tilespmem:s0], [sflag:$0x6], $0x10, s8, s23, $0xb8;
	[tilespmem:$0xBE30] =	vst v63  }
0x72: {  	_ =	swait.ge [sflag:s17], $0x500  }
0x73: {  	[sflag:s17] =	ssyncset.done $0x0  }
0x74: {  	s7 =	simm.s32 $0x640;
	s8 =	simm.s32 $0x2D0;
	[sflag:s17] =	ssyncadd.s32 $0xFFFFFB00  }
.LBB2_4:
0x75: {  	[tilespmem:s0], [sflag:$0x5] =	stream.indirect.gather [spmem:s2], $0x10, s8, s23, $0xb8;
	[tilespmem:$0xBE30] =	vst v63  }
0x76: {  	s8 =	smov.u32 s7  }
0x77: {  	p1 =	sne.s32 s7, $0x8FC0;
	s7 =	sadd.s32 $0x640, s7;
	_ =	swait.ge [sflag:s18], $0x500  }
0x78: {  	s8 =	sshra.s32 s8, $0x2;
	[sflag:s18] =	ssyncset.done $0x0  }
0x79: {  	s5 =	sadd.s32 $0x2710, s8;
	[sflag:s18] =	ssyncadd.s32 $0xFFFFFB00  }
0x7a: {  	[spmem:s3] =	stream.indirect.scatter.add.f32 [tilespmem:s24], [sflag:$0x6], $0x10, s5, s23, $0xb8;
	[tilespmem:$0xBE30] =	vst v63  }
0x7b: {  	_ =	swait.ge [sflag:s17], $0x500  }
0x7c: {  	[sflag:s17] =	ssyncset.done $0x0  }
0x7d: {  	s5 =	sadd.s32 $0x190, s8;
	[sflag:s17] =	ssyncadd.s32 $0xFFFFFB00  }
0x7e: {  	[tilespmem:s24], [sflag:$0x1] =	stream.indirect.gather [spmem:s2], $0x10, s5, s23, $0xb8;
	[tilespmem:$0xBE30] =	vst v63  }
0x7f: {  	_ =	swait.ge [sflag:s28], $0x500  }
0x80: {  	[sflag:s28] =	ssyncset.done $0x0  }
0x81: {  	s5 =	sadd.s32 $0x2760, s8;
	[sflag:s28] =	ssyncadd.s32 $0xFFFFFB00  }
0x82: {  	[spmem:s3] =	stream.indirect.scatter.add.f32 [tilespmem:s26], [sflag:$0x6], $0x10, s5, s23, $0xb8;
	[tilespmem:$0xBE30] =	vst v63  }
0x83: {  	_ =	swait.ge [sflag:s17], $0x500  }
0x84: {  	[sflag:s17] =	ssyncset.done $0x0  }
0x85: {  	s5 =	sadd.s32 $0x1E0, s8;
	[sflag:s17] =	ssyncadd.s32 $0xFFFFFB00  }
0x86: {  	[tilespmem:s26], [sflag:$0x2] =	stream.indirect.gather [spmem:s2], $0x10, s5, s23, $0xb8;
	[tilespmem:$0xBE30] =	vst v63  }
0x87: {  	_ =	swait.ge [sflag:s30], $0x500  }
0x88: {  	[sflag:s30] =	ssyncset.done $0x0  }
0x89: {  	s5 =	sadd.s32 $0x27B0, s8;
	[sflag:s30] =	ssyncadd.s32 $0xFFFFFB00  }
0x8a: {  	[spmem:s3] =	stream.indirect.scatter.add.f32 [tilespmem:s29], [sflag:$0x6], $0x10, s5, s23, $0xb8;
	[tilespmem:$0xBE30] =	vst v63  }
0x8b: {  	_ =	swait.ge [sflag:s17], $0x500  }
0x8c: {  	[sflag:s17] =	ssyncset.done $0x0  }
0x8d: {  	s5 =	sadd.s32 $0x230, s8;
	[sflag:s17] =	ssyncadd.s32 $0xFFFFFB00  }
0x8e: {  	[tilespmem:s29], [sflag:$0x3] =	stream.indirect.gather [spmem:s2], $0x10, s5, s23, $0xb8;
	[tilespmem:$0xBE30] =	vst v63  }
0x8f: {  	_ =	swait.ge [sflag:s1], $0x500  }
0x90: {  	[sflag:s1] =	ssyncset.done $0x0  }
0x91: {  	s5 =	sadd.s32 $0x2800, s8;
	[sflag:s1] =	ssyncadd.s32 $0xFFFFFB00  }
0x92: {  	[spmem:s3] =	stream.indirect.scatter.add.f32 [tilespmem:s31], [sflag:$0x6], $0x10, s5, s23, $0xb8;
	[tilespmem:$0xBE30] =	vst v63  }
0x93: {  	_ =	swait.ge [sflag:s17], $0x500  }
0x94: {  	[sflag:s17] =	ssyncset.done $0x0  }
0x95: {  	s5 =	sadd.s32 $0x280, s8;
	[sflag:s17] =	ssyncadd.s32 $0xFFFFFB00  }
0x96: {  	[tilespmem:s31], [sflag:$0x4] =	stream.indirect.gather [spmem:s2], $0x10, s5, s23, $0xb8;
	[tilespmem:$0xBE30] =	vst v63  }
0x97: {  	_ =	swait.ge [sflag:s4], $0x500  }
0x98: {  	[sflag:s4] =	ssyncset.done $0x0  }
.Ltmp1:
0x99: {  	s5 =	sadd.s32 $0x2850, s8;
	[sflag:s4] =	ssyncadd.s32 $0xFFFFFB00;
	(pc) =	sbr.rel @p1 .LBB2_4-.Ltmp1, $4  }
0x9a: {  	[spmem:s3] =	stream.indirect.scatter.add.f32 [tilespmem:s0], [sflag:$0x6], $0x10, s5, s23, $0xb8;
	[tilespmem:$0xBE30] =	vst v63  }
0x9b: {  	_ =	swait.ge [sflag:s17], $0x500  }
0x9c: {  	[sflag:s17] =	ssyncset.done $0x0  }
0x9d: {  	s8 =	sadd.s32 $0x2D0, s8;
	[sflag:s17] =	ssyncadd.s32 $0xFFFFFB00  }
0x9e: {  	[tilespmem:s0], [sflag:$0x5] =	stream.indirect.gather [spmem:s2], $0x10, s8, s23, $0xb8;
	[tilespmem:$0xBE30] =	vst v63  }
0x9f: {  	_ =	swait.ge [sflag:s18], $0x500  }
0xa0: {  	[sflag:s18] =	ssyncset.done $0x0  }
0xa1: {  	s5 =	simm.s32 $0x4C90;
	[sflag:s18] =	ssyncadd.s32 $0xFFFFFB00  }
0xa2: {  	[spmem:s3] =	stream.indirect.scatter.add.f32 [tilespmem:s24], [sflag:$0x6], $0x10, s5, s23, $0xb8;
	[tilespmem:$0xBE30] =	vst v63  }
0xa3: {  	_ =	swait.ge [sflag:s17], $0x500  }
0xa4: {  	[sflag:s17] =	ssyncset.done $0x0  }
0xa5: {  	[sflag:s17] =	ssyncadd.s32 $0xFFFFFB00  }
0xa6: {  	_ =	swait.ge [sflag:s28], $0x500  }
0xa7: {  	[sflag:s28] =	ssyncset.done $0x0  }
0xa8: {  	s7 =	simm.s32 $0x4CE0;
	[sflag:s28] =	ssyncadd.s32 $0xFFFFFB00  }
0xa9: {  	[spmem:s3] =	stream.indirect.scatter.add.f32 [tilespmem:s26], [sflag:$0x6], $0x10, s7, s23, $0xb8;
	[tilespmem:$0xBE30] =	vst v63  }
0xaa: {  	_ =	swait.ge [sflag:s17], $0x500  }
0xab: {  	[sflag:s17] =	ssyncset.done $0x0  }
0xac: {  	[sflag:s17] =	ssyncadd.s32 $0xFFFFFB00  }
0xad: {  	_ =	swait.ge [sflag:s30], $0x500  }
0xae: {  	[sflag:s30] =	ssyncset.done $0x0  }
0xaf: {  	s8 =	simm.s32 $0x4D30;
	[sflag:s30] =	ssyncadd.s32 $0xFFFFFB00  }
0xb0: {  	[spmem:s3] =	stream.indirect.scatter.add.f32 [tilespmem:s29], [sflag:$0x6], $0x10, s8, s23, $0xb8;
	[tilespmem:$0xBE30] =	vst v63  }
0xb1: {  	_ =	swait.ge [sflag:s17], $0x500  }
0xb2: {  	[sflag:s17] =	ssyncset.done $0x0  }
0xb3: {  	[sflag:s17] =	ssyncadd.s32 $0xFFFFFB00  }
0xb4: {  	_ =	swait.ge [sflag:s1], $0x500  }
0xb5: {  	[sflag:s1] =	ssyncset.done $0x0  }
0xb6: {  	s7 =	simm.s32 $0x4D80;
	[sflag:s1] =	ssyncadd.s32 $0xFFFFFB00  }
0xb7: {  	[spmem:s3] =	stream.indirect.scatter.add.f32 [tilespmem:s31], [sflag:$0x6], $0x10, s7, s23, $0xb8;
	[tilespmem:$0xBE30] =	vst v63  }
0xb8: {  	_ =	swait.ge [sflag:s17], $0x500  }
0xb9: {  	[sflag:s17] =	ssyncset.done $0x0  }
0xba: {  	[sflag:s17] =	ssyncadd.s32 $0xFFFFFB00  }
0xbb: {  	_ =	swait.ge [sflag:s4], $0x500  }
0xbc: {  	[sflag:s4] =	ssyncset.done $0x0  }
0xbd: {  	s8 =	simm.s32 $0x4DD0;
	[sflag:s4] =	ssyncadd.s32 $0xFFFFFB00  }
0xbe: {  	[spmem:s3] =	stream.indirect.scatter.add.f32 [tilespmem:s0], [sflag:$0x6], $0x10, s8, s23, $0xb8;
	[tilespmem:$0xBE30] =	vst v63  }
0xbf: {  	_ =	swait.ge [sflag:s17], $0x500  }
0xc0: {  	[sflag:s17] =	ssyncset.done $0x0  }
0xc1: {  	[sflag:s17] =	ssyncadd.s32 $0xFFFFFB00  }
0xc2: {  	s5 =	simm.s32 @p0 $0x1FC6;
	[bflag:$0x0] =	sbarrier.arrive $0xFFFF  }
0xc3: {  	[hbm:s15], [sflag:s5] =	dma.local @p0 [spmem:s25], $0x320  }
0xc4: {  	s5 =	simm.s32 @p0 $0x6  }
0xc5: {  	_ =	swait.ge @p0 [sflag:s5], $0x320  }
0xc6: {  	s6 =	sadd.s32 $0x1, s6;
	[sflag:s5] =	ssyncset.done @p0 $0x0  }
0xc7: {  	p1 =	sne.s32 s6, s16;
	[sflag:s5] =	ssyncadd.s32 @p0 $0xFFFFFCE0;
	s5 =	sshrl.u32 @!p0 s9, $0x3  }
0xc8: {  	[hbm:s14], [sflag:s20] =	dma.local @!p0 [spmem:s5], $0x500  }
.Ltmp2:
0xc9: {  	_ = 	snop;
	(pc) =	sbr.rel @p1 .LBB2_1-.Ltmp2, $4  }
0xca: {  	s5 =	simm.s32 @!p0 $0x6  }
0xcb: {  	_ =	swait.ge @!p0 [sflag:s5], $0x500  }
0xcc: {  	[sflag:s5] =	ssyncset.done @!p0 $0x0  }
0xcd: {  	[sflag:s5] =	ssyncadd.s32 @!p0 $0xFFFFFB00  }
0xce: {  	_ =	sfence.sel $0x180000  }
0xcf: {  	[bflag:$0x0] =	sbarrier.arrive $0xFFFF  }
0xd0: {  	_ =	strace $0x9000004A  }
0xd1: {  	s0 =	stileid.u32;
	[bflag:$0x2] =	sbarrier.arrive $0xFFFF  }
0xd2: {  	p0 =	sne.s32 s0, $0x0;
	s0 =	rddreg [dreg:$0x4]  }
0xd3: {  	s0 =	sadd.s32 @!p0 $0x100000, s0  }
0xd4: {  	[sflag:s0] =	ssyncadd.tile.s32 @!p0 $0x1;
	_ =	shalt  }
.Lfunc_end2:
_tile_overlayer_lowered:
.L_overlay_start_2:
0xd5: {  	(tag) =	ssettag $0x2  }
0xd6: {  	s0 =	rddreg [dreg:$0x0];
	s2 =	stileid.u32  }
0xd7: {  	s1 =	rddreg [dreg:$0x1];
	p0 =	sne.s32 s2, $0x0  }
0xd8: {  	s3 =	rddreg [dreg:$0x2];
	[bflag:$0x3] =	sbarrier.arrive $0xFFFF;
	s2 =	simm.s32 @!p0 $0x1C06  }
0xd9: {  	[timem:s3], [sflag:s2] =	dma.local @!p0 [hbm:s0], s1  }
0xda: {  	s0 =	simm.s32 @!p0 $0x6  }
0xdb: {  	_ =	swait.ge @!p0 [sflag:s0], s1  }
0xdc: {  	s1 =	ssub.s32 @!p0 $0x0, s1;
	[sflag:s0] =	ssyncset.done @!p0 $0x0  }
0xdd: {  	[sflag:s0] =	ssyncadd.s32 @!p0 s1  }
0xde: {  	[bflag:$0x3] =	sbarrier.arrive $0xFFFF  }
0xdf: {  	_ =	shalt  }

// kernel: kernel.14.cloned.1.call-start
scs
__scs_entry_jumppad:
0x0: {  	(pc) =	sbr.rel $0x88, $3  }
0x1: {  	(tag) =	ssettag $0x0;
	lr =	simm.s32 $0x1  }
0x2: {  	[smem:$0x3F9B] =	sst lr;
	_ =	strace $0xD0000000  }
0x3: {  	_ = 	snop  }
0x4: {  	_ = 	snop  }
0x5: {  	_ = 	snop  }
0x6: {  	_ = 	snop  }
0x7: {  	_ = 	snop  }
__scs_overlays_trampoline_lowered:
0x8: {  	[smem:$0x3FAA] =	sst s0  }
0x9: {  	[smem:$0x3FAB] =	sst s1  }
0xa: {  	[smem:$0x3FAC] =	sst s2  }
0xb: {  	[smem:$0x3FAD] =	sst s3  }
0xc: {  	[smem:$0x3FAE] =	sst s4  }
0xd: {  	[smem:$0x3FAF] =	sst s5  }
0xe: {  	[smem:$0x3FB0] =	sst s6  }
0xf: {  	[smem:$0x3FB1] =	sst s7  }
0x10: {  	[smem:$0x3FB2] =	sst s8  }
0x11: {  	[smem:$0x3FB3] =	sst s9;
	s0 =	simm.s32 @!p0 $0x0  }
0x12: {  	s1 =	sld [smem:$0x3F99];
	s0 =	simm.s32 @p0 $0x1  }
0x13: {  	[smem:$0x3FB4] =	sst s0;
	s0 =	simm.s32 @!p1 $0x0  }
0x14: {  	s2 =	sld [smem:$0x3F98];
	s0 =	simm.s32 @p1 $0x1  }
0x15: {  	[smem:$0x3FB5] =	sst s0;
	s0 =	simm.s32 @!p2 $0x0  }
0x16: {  	s3 =	sld [smem:$0x3FDB];
	s0 =	simm.s32 @p2 $0x1  }
0x17: {  	s4 =	simm.s32 $0x1BF5;
	[smem:$0x3FB7] =	sst s0  }
0x18: {  	s0 =	sld [smem:$0x3F9A];
	_ =	swait.ge [sflag:s4], $0x0  }
0x19: {  	s7 =	sld [smem:$0x3F9B]  }
0x1a: {  	s8 =	sadd.s32 $0xFFFFE003, lr  }
0x1b: {  	s9 =	sadd.s32 $0xFFFFFEF7, lr;
	s5 =	simm.s32 $0xFFFFFFFF;
	p2 =	slt.u32 s8, $0xFFFFF086  }
0x1c: {  	p1 =	slt.u32 s9, $0xF7A;
	s5 =	simm.s32 @!p2 $0x0  }
0x1d: {  	s5 =	simm.s32 @p1 $0x1;
	p0 =	seq.s32 s7, s2  }
0x1e: {  	s7 =	smul.u32 @!p0 $0xF7A, s2;
	p2 =	seq.s32 @!p0 s5, $0x0  }
0x1f: {  	s9 =	smul.u32 $0xF7A, s1;
	s8 =	simm.s32 @!p0 $0x1BF5;
	p2 =	por !p2, p0  }
0x20: {  	[sflag:s8] =	ssyncset.s32 @!p0 $0xFFFFF086;
	s6 =	sadd.s32 @!p0 s3, s7;
	s7 =	simm.s32 @!p0 $0x108  }
0x21: {  	s3 =	sadd.s32 s3, s9;
	s6 =	sadd.s32 @!p0 $0x88, s6;
	s7 =	simm.s32 @p2 $0x1082  }
0x22: {  	[simem:s7], [sflag:s8] =	dma.local @!p0 [hbm:s6], $0xF7A  }
0x23: {  	s9 =	sor.u32 $0xD0000000, s2;
	s6 =	simm.s32 $0x108;
	_ =	swait.ge @!p0 [sflag:s8], $0x0  }
0x24: {  	s3 =	sadd.s32 $0x88, s3;
	s6 =	simm.s32 @!p1 $0x1082;
	[sflag:s4] =	ssyncset.s32 $0xFFFFF086  }
0x25: {  	[simem:s6], [sflag:s4] =	dma.local [hbm:s3], $0xF7A  }
0x26: {  	[smem:$0x3F9B] =	sst s1;
	(tag) =	ssettag s2;
	_ =	strace s9  }
0x27: {  	s1 =	sld [smem:$0x3FAB]  }
0x28: {  	s2 =	sld [smem:$0x3FAC]  }
0x29: {  	s4 =	sld [smem:$0x3FAE]  }
0x2a: {  	p0 =	seq.s32 s5, $0x0;
	s5 =	sld [smem:$0x3FAF]  }
0x2b: {  	s6 =	sld [smem:$0x3FB0]  }
0x2c: {  	s7 =	sld [smem:$0x3FB1]  }
0x2d: {  	s3 =	simm.s32 $0x108;
	s8 =	sld [smem:$0x3FB2]  }
0x2e: {  	s3 =	simm.s32 @!p0 $0x1082;
	s9 =	sld [smem:$0x3FB3]  }
0x2f: {  	lr =	sadd.s32 s0, s3;
	s0 =	sld [smem:$0x3FAA]  }
0x30: {  	s3 =	sld [smem:$0x3FAD]  }
0x31: {  	[smem:$0x3FB6] =	sst s10  }
0x32: {  	s10 =	sld [smem:$0x3FB4];
	_ =	sdelay $0x3  }
0x33: {  	p0 =	seq.s32 s10, $0x1;
	s10 =	sld [smem:$0x3FB6];
	_ =	sdelay $0x3  }
0x34: {  	[smem:$0x3FB6] =	sst s10  }
0x35: {  	s10 =	sld [smem:$0x3FB5];
	_ =	sdelay $0x3  }
0x36: {  	p1 =	seq.s32 s10, $0x1;
	s10 =	sld [smem:$0x3FB6];
	_ =	sdelay $0x3  }
0x37: {  	[smem:$0x3FB6] =	sst s10  }
0x38: {  	s10 =	sld [smem:$0x3FB7]  }
0x39: {  	_ = 	snop;
	(pc) =	sbr.ind lr, $3  }
0x3a: {  	_ = 	snop  }
0x3b: {  	_ = 	snop  }
0x3c: {  	p2 =	seq.s32 s10, $0x1;
	s10 =	sld [smem:$0x3FB6]  }
0x3d: {  	_ =	shalt  }
0x3e: {  	_ =	shalt  }
0x3f: {  	_ =	shalt  }
0x40: {  	_ =	shalt  }
0x41: {  	_ =	shalt  }
0x42: {  	_ =	shalt  }
0x43: {  	_ =	shalt  }
0x44: {  	_ =	shalt  }
0x45: {  	_ =	shalt  }
0x46: {  	_ =	shalt  }
0x47: {  	_ =	shalt  }
0x48: {  	_ =	shalt  }
0x49: {  	_ =	shalt  }
0x4a: {  	_ =	shalt  }
0x4b: {  	_ =	shalt  }
0x4c: {  	_ =	shalt  }
0x4d: {  	_ =	shalt  }
0x4e: {  	_ =	shalt  }
0x4f: {  	_ =	shalt  }
0x50: {  	_ =	shalt  }
0x51: {  	_ =	shalt  }
0x52: {  	_ =	shalt  }
0x53: {  	_ =	shalt  }
0x54: {  	_ =	shalt  }
0x55: {  	_ =	shalt  }
0x56: {  	_ =	shalt  }
0x57: {  	_ =	shalt  }
0x58: {  	_ =	shalt  }
0x59: {  	_ =	shalt  }
0x5a: {  	_ =	shalt  }
0x5b: {  	_ =	shalt  }
0x5c: {  	_ =	shalt  }
0x5d: {  	_ =	shalt  }
0x5e: {  	_ =	shalt  }
0x5f: {  	_ =	shalt  }
0x60: {  	_ =	shalt  }
0x61: {  	_ =	shalt  }
0x62: {  	_ =	shalt  }
0x63: {  	_ =	shalt  }
0x64: {  	_ =	shalt  }
0x65: {  	_ =	shalt  }
0x66: {  	_ =	shalt  }
0x67: {  	_ =	shalt  }
0x68: {  	_ =	shalt  }
0x69: {  	_ =	shalt  }
0x6a: {  	_ =	shalt  }
0x6b: {  	_ =	shalt  }
0x6c: {  	_ =	shalt  }
0x6d: {  	_ =	shalt  }
0x6e: {  	_ =	shalt  }
0x6f: {  	_ =	shalt  }
0x70: {  	_ =	shalt  }
0x71: {  	_ =	shalt  }
0x72: {  	_ =	shalt  }
0x73: {  	_ =	shalt  }
0x74: {  	_ =	shalt  }
0x75: {  	_ =	shalt  }
0x76: {  	_ =	shalt  }
0x77: {  	_ =	shalt  }
0x78: {  	_ =	shalt  }
0x79: {  	_ =	shalt  }
0x7a: {  	_ =	shalt  }
0x7b: {  	_ =	shalt  }
0x7c: {  	_ =	shalt  }
0x7d: {  	_ =	shalt  }
0x7e: {  	_ =	shalt  }
0x7f: {  	_ =	shalt  }
0x80: {  	_ =	shalt  }
0x81: {  	_ =	shalt  }
0x82: {  	_ =	shalt  }
0x83: {  	_ =	shalt  }
0x84: {  	_ =	shalt  }
0x85: {  	_ =	shalt  }
0x86: {  	_ =	shalt  }
0x87: {  	_ =	shalt  }
.Lfunc_end0:
.L_simem_size_0:
called_computation.2_lowered:
.L_overlay_start_0:
0x88: {  	s2 =	sld [smem:$0x3FD9]  }
0x89: {  	s3 =	sld [smem:$0x3FFE];
	_ =	sdelay $0x1  }
0x8a: {  	s1 =	srdreg.scid  }
0x8b: {  	s0 =	sand.u32 $0x1, s1  }
0x8c: {  	s17 =	sshll.u32 s0, $0xA;
	s2 =	sadd.s32 s3, s2  }
0x8d: {  	s2 =	sadd.s32 s2, s17  }
0x8e: {  	[smem:$0x3FC2] =	sst s2  }
0x8f: {  	_ = 	snop  }
0x90: {  	s2 =	sld [smem:$0x3FD0];
	(tm) =	ssettm $0x1  }
0x91: {  	s18 =	sld [smem:$0x3FFB];
	_ =	sdelay $0x3  }
0x92: {  	_ =	strace s18  }
0x93: {  	s3 =	sld [smem:$0x3FFC];
	_ =	sdelay $0x3  }
0x94: {  	_ =	strace s3  }
0x95: {  	s3 =	sld [smem:$0x3FFD];
	_ =	sdelay $0x3  }
0x96: {  	_ =	strace s3  }
0x97: {  	_ =	strace $0x8FFFFFFF  }
0x98: {  	s19 =	sld [smem:$0x3FDB];
	_ =	sdelay $0x1  }
0x99: {  	s4 =	simm.s32 $_scs_section_size  }
0x9a: {  	s5 =	simm.s32 $_size__tile_overlayer_lowered;
	s6 =	simm.s32 $_tile_overlayer_lowered  }
0x9b: {  	s22 =	simm.s32 $0x1BFF;
	s21 =	sshll.u32 s6, $0x1;
	s3 =	sadd.s32 s4, s19  }
0x9c: {  	s7 =	simm.s32 $0x0;
	s20 =	sshll.u32 s5, $0x1;
	s5 =	sadd.s32 s21, s3  }
0x9d: {  	[timem:s7], [sflag:s22] =	dma.local [hbm:s5], s20  }
0x9e: {  	_ =	swait.ge [sflag:s22], s20  }
0x9f: {  	s4 =	ssub.s32 $0x0, s20;
	[sflag:s22] =	ssyncset.done $0x0  }
0xa0: {  	[sflag:s22] =	ssyncadd.s32 s4;
	_ =	sdelay $0x1  }
0xa1: {  	s23 =	simm.s32 $0x1B8B  }
0xa2: {  	_ =	swait.ge [sflag:s23], $0x1  }
0xa3: {  	[sflag:s23] =	ssyncset.done $0x0  }
0xa4: {  	s25 =	simm.s32 $0x1B8E;
	s24 =	sld [smem:$0x3FFE];
	[sflag:s23] =	ssyncadd.s32 $0xFFFFFFFF  }
0xa5: {  	s26 =	simm.s32 $execute0_lowered;
	[smem:$0x3FD2] =	sst s25  }
0xa6: {  	s5 =	sshll.u32 s26, $0x1;
	_ =	strace $0x8000004C;
	[dreg:$0x1] =	wrdreg $0xFFFFFFFF  }
0xa7: {  	s28 =	simm.s32 $_size_execute0_lowered;
	s3 =	sadd.s32 s3, s5;
	[dreg:$0x0] =	wrdreg $0x0  }
0xa8: {  	s5 =	sshll.u32 s28, $0x1;
	[dreg:$0x2] =	wrdreg s3  }
0xa9: {  	[dreg:$0x3] =	wrdreg s5  }
0xaa: {  	[dreg:$0x4] =	wrdreg $0xC0  }
0xab: {  	_ =	task [dreg:s7], $0x5FFFF  }
0xac: {  	[dreg:$0x1] =	wrdreg $0xFFFFFFFF  }
0xad: {  	[dreg:$0x0] =	wrdreg $0x60  }
0xae: {  	[dreg:$0x2] =	wrdreg s24  }
0xaf: {  	[dreg:$0x3] =	wrdreg s2  }
0xb0: {  	[dreg:$0x4] =	wrdreg $0xD2200  }
0xb1: {  	[dreg:$0x5] =	wrdreg $0x9  }
0xb2: {  	_ =	task.clear_ibuf [dreg:s7], $0x6FFFF;
	_ =	strace $0x9000004C  }
0xb3: {  	s29 =	simm.s32 $0x9;
	_ =	strace $0x8000004E  }
0xb4: {  	_ =	swait.ge [sflag:s29], $0x1  }
0xb5: {  	[sflag:s29] =	ssyncadd.s32 $0xFFFFFFFF  }
0xb6: {  	_ =	strace $0x9000004E  }
0xb7: {  	_ =	sfence  }
0xb8: {  	s30 =	sld [smem:$0x0];
	_ =	sdelay $0x2  }
0xb9: {  	s31 =	sshll.u32 s1, $0xD;
	s1 =	sshrl.u32 s1, $0x2  }
0xba: {  	s3 =	sand.u32 $0x4000, s31;
	s1 =	sadd.s32 s1, s30  }
0xbb: {  	s0 =	sor.u32 s3, s0;
	s1 =	sshll.u32 s1, $0x11  }
0xbc: {  	s0 =	sor.u32 s1, s0  }
0xbd: {  	s0 =	sadd.s32 $0x8F2B, s0  }
0xbe: {  	[sflag:s0] =	ssyncadd.remote.s32 $0x1  }
0xbf: {  	_ =	sfence.sel $0xFFFF  }
0xc0: {  	[dreg:$0x0] =	wrdreg $0xFFFFFFFF;
	(pc) =	sbr.abs _section_cstart, $3  }
0xc1: {  	[dreg:$0x1] =	wrdreg $0xFFFFFFFF  }
0xc2: {  	_ =	task.clear_ibuf [dreg:s7], $0x2FFFF;
	_ =	strace $0x9FFFFFFF  }
0xc3: {  	(tm) =	ssettm $0x7FFFFFFF  }
tec
execute0_lowered:
.L_overlay_start_1:
0x0: {  	(tag) =	ssettag $0x1  }
0x1: {  	s0 =	rddreg [dreg:$0x0]  }
0x2: {  	s1 =	srdreg.scid;
	s5 =	rddreg [dreg:$0x1]  }
0x3: {  	s2 =	rddreg [dreg:$0x2];
	s16 =	stileid.u32;
	s3 =	simm.s32 $0x0  }
0x4: {  	s15 =	simm.s32 $0x6;
	s17 =	simm.s32 $0xB220;
	s18 =	simm.s32 $0x50  }
0x5: {  	s19 =	simm.s32 $0x4E20;
	s20 =	simm.s32 $0x6220;
	s22 =	simm.s32 $0x7620  }
0x6: {  	s24 =	simm.s32 $0x8A20;
	s28 =	simm.s32 $0x9E20;
	s29 =	simm.s32 $0x1  }
0x7: {  	s30 =	simm.s32 $0x2;
	s31 =	simm.s32 $0x3;
	s23 =	simm.s32 $0x0  }
0x8: {  	s1 =	sand.u32 $0x1, s1;
	[smem:$0x7FF] =	sst s3;
	s9 =	smul.u32 $0x28000, s16  }
0x9: {  	s10 =	smul.u32 $0xA000, s16;
	p0 =	seq.s32 s16, $0xF;
	s4 =	sshll.u32 s1, $0x4  }
0xa: {  	s6 =	ssub.s32 $0x2, s1;
	_ =	strace $0x8000004D;
	s1 =	smul.u32 $0x9C400, s1  }
0xb: {  	s4 =	sor.u32 s16, s4;
	s8 =	sshrl.u32 s6, $0x1;
	s26 =	sshrl.u32 s9, $0x2  }
0xc: {  	s16 =	simm.s32 $0x5;
	s7 =	smul.u32 $0x2710, s4;
	s4 =	sadd.s32 $0x2000, s0  }
0xd: {  	s0 =	sadd.s32 $0x15A00, s0;
	s14 =	ssub.s32 s6, s8;
	s11 =	sadd.s32 s26, s2  }
0xe: {  	s12 =	sadd.s32 s10, s1;
	s1 =	sshrl.u32 s1, $0x3;
	s8 =	sadd.s32 $0x2000, s11  }
0xf: {  	s9 =	sadd.s32 $0x4000, s11;
	s12 =	sshrl.u32 s12, $0x3;
	s1 =	sadd.s32 s0, s1  }
0x10: {  	s14 =	smax.u32 s14, $0x1;
	s25 =	sshrl.u32 s7, $0x3;
	s7 =	sadd.s32 s10, s2  }
0x11: {  	s10 =	sadd.s32 $0x6000, s11;
	s11 =	sadd.s32 $0x8000, s11;
	s12 =	sadd.s32 s0, s12  }
0x12: {  	s13 =	sadd.s32 $0x12C00, s1;
	s0 =	sadd.s32 $0x96000, s2;
	s5 =	sadd.s32 s5, s25  }
0x13: {  	v0 =	vimm.f32 $0.0e+00;
	s25 =	sshrl.u32 @p0 s0, $0x3;
	s0 =	simm.s32 $0x4;
	s6 =	sadd.s32 $0x9C40, s5  }
.LBB2_1:
0x14: {  	[tilespmem:s3], [sflag:$0x6] =	stream.linear.gather [hbm4b:s5+s3], $0x2710, $0x38;
	[tilespmem:$0x17220] =	vst v63  }
0x15: {  	_ =	swait.ge [sflag:s15], $0x2710  }
0x16: {  	[sflag:s15] =	ssyncset.done $0x0  }
0x17: {  	s1 =	simm.s32 $0x2710;
	[sflag:s15] =	ssyncadd.s32 $0xFFFFD8F0  }
0x18: {  	[tilespmem:s1], [sflag:$0x6] =	stream.linear.gather [hbm4b:s6+s3], $0x2710, $0x38;
	[tilespmem:$0x17220] =	vst v63  }
0x19: {  	_ =	swait.ge [sflag:s15], $0x2710  }
0x1a: {  	[sflag:s15] =	ssyncset.done $0x0  }
0x1b: {  	s26 =	simm.s32 $0x100;
	s1 =	simm.s32 $0x0;
	[sflag:s15] =	ssyncadd.s32 $0xFFFFD8F0  }
.LBB2_2:
0x1c: {  	p1 =	sne.s32 s26, $0x7F00;
	[tilespmem:s1+$0xB250] =	vst v0;
	s21 =	smov.u32 s26;
	s26 =	sadd.s32 $0x100, s26  }
.Ltmp0:
0x1d: {  	[tilespmem:s1+$0xB240] =	vst v0;
	(pc) =	sbr.rel @p1 .LBB2_2-.Ltmp0, $3  }
0x1e: {  	[tilespmem:s1+$0xB220] =	vst v0  }
0x1f: {  	[tilespmem:s1+$0xB230] =	vst v0;
	_ =	sdelay $0x1  }
0x20: {  	s1 =	sshra.s32 s21, $0x2  }
0x21: {  	[tilespmem:s1+$0xB250] =	vst v0  }
0x22: {  	[tilespmem:s1+$0xB240] =	vst v0  }
0x23: {  	[tilespmem:s1+$0xB220] =	vst v0  }
0x24: {  	[tilespmem:s1+$0xB230] =	vst v0  }
0x25: {  	[spmem:s7] =	stream.linear.scatter [tilespmem:s17], [sflag:$0x6], $0x2000, $0x38;
	[tilespmem:$0x17220] =	vst v63  }
0x26: {  	_ =	swait.ge [sflag:s15], $0x2000  }
0x27: {  	[sflag:s15] =	ssyncset.done $0x0  }
0x28: {  	[sflag:s15] =	ssyncadd.s32 $0xFFFFE000  }
0x29: {  	[spmem:s8] =	stream.linear.scatter [tilespmem:s17], [sflag:$0x6], $0x2000, $0x38;
	[tilespmem:$0x17220] =	vst v63  }
0x2a: {  	_ =	swait.ge [sflag:s15], $0x2000  }
0x2b: {  	[sflag:s15] =	ssyncset.done $0x0  }
0x2c: {  	[sflag:s15] =	ssyncadd.s32 $0xFFFFE000  }
0x2d: {  	[spmem:s9] =	stream.linear.scatter [tilespmem:s17], [sflag:$0x6], $0x2000, $0x38;
	[tilespmem:$0x17220] =	vst v63  }
0x2e: {  	_ =	swait.ge [sflag:s15], $0x2000  }
0x2f: {  	[sflag:s15] =	ssyncset.done $0x0  }
0x30: {  	[sflag:s15] =	ssyncadd.s32 $0xFFFFE000  }
0x31: {  	[spmem:s10] =	stream.linear.scatter [tilespmem:s17], [sflag:$0x6], $0x2000, $0x38;
	[tilespmem:$0x17220] =	vst v63  }
0x32: {  	_ =	swait.ge [sflag:s15], $0x2000  }
0x33: {  	[sflag:s15] =	ssyncset.done $0x0  }
0x34: {  	[sflag:s15] =	ssyncadd.s32 $0xFFFFE000  }
0x35: {  	[spmem:s11] =	stream.linear.scatter [tilespmem:s17], [sflag:$0x6], $0x2000, $0x38;
	[tilespmem:$0x17220] =	vst v63  }
0x36: {  	_ =	swait.ge [sflag:s15], $0x2000  }
0x37: {  	[sflag:s15] =	ssyncset.done $0x0  }
0x38: {  	[sflag:s15] =	ssyncadd.s32 $0xFFFFE000  }
0x39: {  	s26 =	simm.s32 $0x0;
	[bflag:$0x0] =	sbarrier.arrive $0xFFFF  }
0x3a: {  	[tilespmem:s19], [sflag:$0x1] =	stream.indirect.gather [hbm4b:s4+s18], $0x40, s26, s18, $0xb8;
	[tilespmem:$0x17220] =	vst v63  }
0x3b: {  	_ = 	snop  }
0x3c: {  	[tilespmem:s20], [sflag:$0x2] =	stream.indirect.gather [hbm4b:s4+s18], $0x40, s18, s18, $0xb8;
	[tilespmem:$0x17220] =	vst v63  }
0x3d: {  	s21 =	simm.s32 $0xA0  }
0x3e: {  	[tilespmem:s22], [sflag:$0x3] =	stream.indirect.gather [hbm4b:s4+s18], $0x40, s21, s18, $0xb8;
	[tilespmem:$0x17220] =	vst v63  }
0x3f: {  	s26 =	simm.s32 $0xF0  }
0x40: {  	[tilespmem:s24], [sflag:$0x4] =	stream.indirect.gather [hbm4b:s4+s18], $0x40, s26, s18, $0xb8;
	[tilespmem:$0x17220] =	vst v63  }
0x41: {  	s21 =	simm.s32 $0x140  }
0x42: {  	[tilespmem:s28], [sflag:$0x5] =	stream.indirect.gather [hbm4b:s4+s18], $0x40, s21, s18, $0xb8;
	[tilespmem:$0x17220] =	vst v63  }
0x43: {  	_ =	swait.ge [sflag:s29], $0x1400  }
0x44: {  	[sflag:s29] =	ssyncset.done $0x0  }
0x45: {  	s26 =	simm.s32 $0x2710;
	[sflag:s29] =	ssyncadd.s32 $0xFFFFEC00  }
0x46: {  	[spmem:s2] =	stream.indirect.scatter.add.f32 [tilespmem:s19], [sflag:$0x6], $0x40, s26, s18, $0xb8;
	[tilespmem:$0x17220] =	vst v63  }
0x47: {  	_ =	swait.ge [sflag:s15], $0x1400  }
0x48: {  	[sflag:s15] =	ssyncset.done $0x0  }
0x49: {  	s21 =	simm.s32 $0x190;
	[sflag:s15] =	ssyncadd.s32 $0xFFFFEC00  }
0x4a: {  	[tilespmem:s19], [sflag:$0x1] =	stream.indirect.gather [hbm4b:s4+s18], $0x40, s21, s18, $0xb8;
	[tilespmem:$0x17220] =	vst v63  }
0x4b: {  	_ =	swait.ge [sflag:s30], $0x1400  }
0x4c: {  	[sflag:s30] =	ssyncset.done $0x0  }
0x4d: {  	s26 =	simm.s32 $0x2760;
	[sflag:s30] =	ssyncadd.s32 $0xFFFFEC00  }
0x4e: {  	[spmem:s2] =	stream.indirect.scatter.add.f32 [tilespmem:s20], [sflag:$0x6], $0x40, s26, s18, $0xb8;
	[tilespmem:$0x17220] =	vst v63  }
0x4f: {  	_ =	swait.ge [sflag:s15], $0x1400  }
0x50: {  	[sflag:s15] =	ssyncset.done $0x0  }
0x51: {  	s21 =	simm.s32 $0x1E0;
	[sflag:s15] =	ssyncadd.s32 $0xFFFFEC00  }
0x52: {  	[tilespmem:s20], [sflag:$0x2] =	stream.indirect.gather [hbm4b:s4+s18], $0x40, s21, s18, $0xb8;
	[tilespmem:$0x17220] =	vst v63  }
0x53: {  	_ =	swait.ge [sflag:s31], $0x1400  }
0x54: {  	[sflag:s31] =	ssyncset.done $0x0  }
0x55: {  	s26 =	simm.s32 $0x27B0;
	[sflag:s31] =	ssyncadd.s32 $0xFFFFEC00  }
0x56: {  	[spmem:s2] =	stream.indirect.scatter.add.f32 [tilespmem:s22], [sflag:$0x6], $0x40, s26, s18, $0xb8;
	[tilespmem:$0x17220] =	vst v63  }
0x57: {  	_ =	swait.ge [sflag:s15], $0x1400  }
0x58: {  	[sflag:s15] =	ssyncset.done $0x0  }
0x59: {  	s21 =	simm.s32 $0x230;
	[sflag:s15] =	ssyncadd.s32 $0xFFFFEC00  }
0x5a: {  	[tilespmem:s22], [sflag:$0x3] =	stream.indirect.gather [hbm4b:s4+s18], $0x40, s21, s18, $0xb8;
	[tilespmem:$0x17220] =	vst v63  }
0x5b: {  	_ =	swait.ge [sflag:s0], $0x1400  }
0x5c: {  	[sflag:s0] =	ssyncset.done $0x0  }
0x5d: {  	s26 =	simm.s32 $0x2800;
	[sflag:s0] =	ssyncadd.s32 $0xFFFFEC00  }
0x5e: {  	[spmem:s2] =	stream.indirect.scatter.add.f32 [tilespmem:s24], [sflag:$0x6], $0x40, s26, s18, $0xb8;
	[tilespmem:$0x17220] =	vst v63  }
0x5f: {  	_ =	swait.ge [sflag:s15], $0x1400  }
0x60: {  	[sflag:s15] =	ssyncset.done $0x0  }
0x61: {  	s21 =	simm.s32 $0x280;
	[sflag:s15] =	ssyncadd.s32 $0xFFFFEC00  }
0x62: {  	[tilespmem:s24], [sflag:$0x4] =	stream.indirect.gather [hbm4b:s4+s18], $0x40, s21, s18, $0xb8;
	[tilespmem:$0x17220] =	vst v63  }
0x63: {  	_ =	swait.ge [sflag:s16], $0x1400  }
0x64: {  	[sflag:s16] =	ssyncset.done $0x0  }
0x65: {  	s26 =	simm.s32 $0x2850;
	[sflag:s16] =	ssyncadd.s32 $0xFFFFEC00  }
0x66: {  	[spmem:s2] =	stream.indirect.scatter.add.f32 [tilespmem:s28], [sflag:$0x6], $0x40, s26, s18, $0xb8;
	[tilespmem:$0x17220] =	vst v63  }
0x67: {  	_ =	swait.ge [sflag:s15], $0x1400  }
0x68: {  	[sflag:s15] =	ssyncset.done $0x0  }
0x69: {  	s1 =	simm.s32 $0x640;
	s26 =	simm.s32 $0x2D0;
	[sflag:s15] =	ssyncadd.s32 $0xFFFFEC00  }
.LBB2_4:
0x6a: {  	[tilespmem:s28], [sflag:$0x5] =	stream.indirect.gather [hbm4b:s4+s18], $0x40, s26, s18, $0xb8;
	[tilespmem:$0x17220] =	vst v63  }
0x6b: {  	s21 =	smov.u32 s1  }
0x6c: {  	p1 =	sne.s32 s1, $0x8FC0;
	s1 =	sadd.s32 $0x640, s1;
	_ =	swait.ge [sflag:s29], $0x1400  }
0x6d: {  	s26 =	sshra.s32 s21, $0x2;
	[sflag:s29] =	ssyncset.done $0x0  }
0x6e: {  	s21 =	sadd.s32 $0x2710, s26;
	[sflag:s29] =	ssyncadd.s32 $0xFFFFEC00  }
0x6f: {  	[spmem:s2] =	stream.indirect.scatter.add.f32 [tilespmem:s19], [sflag:$0x6], $0x40, s21, s18, $0xb8;
	[tilespmem:$0x17220] =	vst v63  }
0x70: {  	_ =	swait.ge [sflag:s15], $0x1400  }
0x71: {  	[sflag:s15] =	ssyncset.done $0x0  }
0x72: {  	s21 =	sadd.s32 $0x190, s26;
	[sflag:s15] =	ssyncadd.s32 $0xFFFFEC00  }
0x73: {  	[tilespmem:s19], [sflag:$0x1] =	stream.indirect.gather [hbm4b:s4+s18], $0x40, s21, s18, $0xb8;
	[tilespmem:$0x17220] =	vst v63  }
0x74: {  	_ =	swait.ge [sflag:s30], $0x1400  }
0x75: {  	[sflag:s30] =	ssyncset.done $0x0  }
0x76: {  	s21 =	sadd.s32 $0x2760, s26;
	[sflag:s30] =	ssyncadd.s32 $0xFFFFEC00  }
0x77: {  	[spmem:s2] =	stream.indirect.scatter.add.f32 [tilespmem:s20], [sflag:$0x6], $0x40, s21, s18, $0xb8;
	[tilespmem:$0x17220] =	vst v63  }
0x78: {  	_ =	swait.ge [sflag:s15], $0x1400  }
0x79: {  	[sflag:s15] =	ssyncset.done $0x0  }
0x7a: {  	s21 =	sadd.s32 $0x1E0, s26;
	[sflag:s15] =	ssyncadd.s32 $0xFFFFEC00  }
0x7b: {  	[tilespmem:s20], [sflag:$0x2] =	stream.indirect.gather [hbm4b:s4+s18], $0x40, s21, s18, $0xb8;
	[tilespmem:$0x17220] =	vst v63  }
0x7c: {  	_ =	swait.ge [sflag:s31], $0x1400  }
0x7d: {  	[sflag:s31] =	ssyncset.done $0x0  }
0x7e: {  	s21 =	sadd.s32 $0x27B0, s26;
	[sflag:s31] =	ssyncadd.s32 $0xFFFFEC00  }
0x7f: {  	[spmem:s2] =	stream.indirect.scatter.add.f32 [tilespmem:s22], [sflag:$0x6], $0x40, s21, s18, $0xb8;
	[tilespmem:$0x17220] =	vst v63  }
0x80: {  	_ =	swait.ge [sflag:s15], $0x1400  }
0x81: {  	[sflag:s15] =	ssyncset.done $0x0  }
0x82: {  	s21 =	sadd.s32 $0x230, s26;
	[sflag:s15] =	ssyncadd.s32 $0xFFFFEC00  }
0x83: {  	[tilespmem:s22], [sflag:$0x3] =	stream.indirect.gather [hbm4b:s4+s18], $0x40, s21, s18, $0xb8;
	[tilespmem:$0x17220] =	vst v63  }
0x84: {  	_ =	swait.ge [sflag:s0], $0x1400  }
0x85: {  	[sflag:s0] =	ssyncset.done $0x0  }
0x86: {  	s21 =	sadd.s32 $0x2800, s26;
	[sflag:s0] =	ssyncadd.s32 $0xFFFFEC00  }
0x87: {  	[spmem:s2] =	stream.indirect.scatter.add.f32 [tilespmem:s24], [sflag:$0x6], $0x40, s21, s18, $0xb8;
	[tilespmem:$0x17220] =	vst v63  }
0x88: {  	_ =	swait.ge [sflag:s15], $0x1400  }
0x89: {  	[sflag:s15] =	ssyncset.done $0x0  }
0x8a: {  	s21 =	sadd.s32 $0x280, s26;
	[sflag:s15] =	ssyncadd.s32 $0xFFFFEC00  }
0x8b: {  	[tilespmem:s24], [sflag:$0x4] =	stream.indirect.gather [hbm4b:s4+s18], $0x40, s21, s18, $0xb8;
	[tilespmem:$0x17220] =	vst v63  }
0x8c: {  	_ =	swait.ge [sflag:s16], $0x1400  }
0x8d: {  	[sflag:s16] =	ssyncset.done $0x0  }
.Ltmp1:
0x8e: {  	s21 =	sadd.s32 $0x2850, s26;
	[sflag:s16] =	ssyncadd.s32 $0xFFFFEC00;
	(pc) =	sbr.rel @p1 .LBB2_4-.Ltmp1, $4  }
0x8f: {  	[spmem:s2] =	stream.indirect.scatter.add.f32 [tilespmem:s28], [sflag:$0x6], $0x40, s21, s18, $0xb8;
	[tilespmem:$0x17220] =	vst v63  }
0x90: {  	_ =	swait.ge [sflag:s15], $0x1400  }
0x91: {  	[sflag:s15] =	ssyncset.done $0x0  }
0x92: {  	s26 =	sadd.s32 $0x2D0, s26;
	[sflag:s15] =	ssyncadd.s32 $0xFFFFEC00  }
0x93: {  	[tilespmem:s28], [sflag:$0x5] =	stream.indirect.gather [hbm4b:s4+s18], $0x40, s26, s18, $0xb8;
	[tilespmem:$0x17220] =	vst v63  }
0x94: {  	_ =	swait.ge [sflag:s29], $0x1400  }
0x95: {  	[sflag:s29] =	ssyncset.done $0x0  }
0x96: {  	s1 =	simm.s32 $0x4C90;
	[sflag:s29] =	ssyncadd.s32 $0xFFFFEC00  }
0x97: {  	[spmem:s2] =	stream.indirect.scatter.add.f32 [tilespmem:s19], [sflag:$0x6], $0x40, s1, s18, $0xb8;
	[tilespmem:$0x17220] =	vst v63  }
0x98: {  	_ =	swait.ge [sflag:s15], $0x1400  }
0x99: {  	[sflag:s15] =	ssyncset.done $0x0  }
0x9a: {  	[sflag:s15] =	ssyncadd.s32 $0xFFFFEC00  }
0x9b: {  	_ =	swait.ge [sflag:s30], $0x1400  }
0x9c: {  	[sflag:s30] =	ssyncset.done $0x0  }
0x9d: {  	s21 =	simm.s32 $0x4CE0;
	[sflag:s30] =	ssyncadd.s32 $0xFFFFEC00  }
0x9e: {  	[spmem:s2] =	stream.indirect.scatter.add.f32 [tilespmem:s20], [sflag:$0x6], $0x40, s21, s18, $0xb8;
	[tilespmem:$0x17220] =	vst v63  }
0x9f: {  	_ =	swait.ge [sflag:s15], $0x1400  }
0xa0: {  	[sflag:s15] =	ssyncset.done $0x0  }
0xa1: {  	[sflag:s15] =	ssyncadd.s32 $0xFFFFEC00  }
0xa2: {  	_ =	swait.ge [sflag:s31], $0x1400  }
0xa3: {  	[sflag:s31] =	ssyncset.done $0x0  }
0xa4: {  	s26 =	simm.s32 $0x4D30;
	[sflag:s31] =	ssyncadd.s32 $0xFFFFEC00  }
0xa5: {  	[spmem:s2] =	stream.indirect.scatter.add.f32 [tilespmem:s22], [sflag:$0x6], $0x40, s26, s18, $0xb8;
	[tilespmem:$0x17220] =	vst v63  }
0xa6: {  	_ =	swait.ge [sflag:s15], $0x1400  }
0xa7: {  	[sflag:s15] =	ssyncset.done $0x0  }
0xa8: {  	[sflag:s15] =	ssyncadd.s32 $0xFFFFEC00  }
0xa9: {  	_ =	swait.ge [sflag:s0], $0x1400  }
0xaa: {  	[sflag:s0] =	ssyncset.done $0x0  }
0xab: {  	s21 =	simm.s32 $0x4D80;
	[sflag:s0] =	ssyncadd.s32 $0xFFFFEC00  }
0xac: {  	[spmem:s2] =	stream.indirect.scatter.add.f32 [tilespmem:s24], [sflag:$0x6], $0x40, s21, s18, $0xb8;
	[tilespmem:$0x17220] =	vst v63  }
0xad: {  	_ =	swait.ge [sflag:s15], $0x1400  }
0xae: {  	[sflag:s15] =	ssyncset.done $0x0  }
0xaf: {  	[sflag:s15] =	ssyncadd.s32 $0xFFFFEC00  }
0xb0: {  	_ =	swait.ge [sflag:s16], $0x1400  }
0xb1: {  	[sflag:s16] =	ssyncset.done $0x0  }
0xb2: {  	s26 =	simm.s32 $0x4DD0;
	[sflag:s16] =	ssyncadd.s32 $0xFFFFEC00  }
0xb3: {  	[spmem:s2] =	stream.indirect.scatter.add.f32 [tilespmem:s28], [sflag:$0x6], $0x40, s26, s18, $0xb8;
	[tilespmem:$0x17220] =	vst v63  }
0xb4: {  	_ =	swait.ge [sflag:s15], $0x1400  }
0xb5: {  	[sflag:s15] =	ssyncset.done $0x0  }
0xb6: {  	[sflag:s15] =	ssyncadd.s32 $0xFFFFEC00  }
0xb7: {  	s1 =	simm.s32 @p0 $0x1FC6;
	[bflag:$0x0] =	sbarrier.arrive $0xFFFF  }
0xb8: {  	[hbm:s13], [sflag:s1] =	dma.local @p0 [spmem:s25], $0xC80  }
0xb9: {  	s1 =	simm.s32 @p0 $0x6  }
0xba: {  	s23 =	sadd.s32 $0x1, s23;
	s21 =	stileid.u32;
	_ =	swait.ge @p0 [sflag:s1], $0xC80  }
0xbb: {  	p1 =	sne.s32 s23, s14;
	s21 =	sshll.u32 @!p0 s21, $0x6;
	[sflag:s1] =	ssyncset.done @p0 $0x0  }
0xbc: {  	[sflag:s1] =	ssyncadd.s32 @p0 $0xFFFFF380;
	s1 =	sor.u32 @!p0 $0x1C06, s21;
	s21 =	sshrl.u32 @!p0 s7, $0x3  }
0xbd: {  	[hbm:s12], [sflag:s1] =	dma.local @!p0 [spmem:s21], $0x1400  }
.Ltmp2:
0xbe: {  	_ = 	snop;
	(pc) =	sbr.rel @p1 .LBB2_1-.Ltmp2, $4  }
0xbf: {  	s1 =	simm.s32 @!p0 $0x6  }
0xc0: {  	_ =	swait.ge @!p0 [sflag:s1], $0x1400  }
0xc1: {  	[sflag:s1] =	ssyncset.done @!p0 $0x0  }
0xc2: {  	[sflag:s1] =	ssyncadd.s32 @!p0 $0xFFFFEC00  }
0xc3: {  	_ =	sfence.sel $0x180000  }
0xc4: {  	[bflag:$0x0] =	sbarrier.arrive $0xFFFF  }
0xc5: {  	_ =	strace $0x9000004D  }
0xc6: {  	s0 =	stileid.u32;
	[bflag:$0x2] =	sbarrier.arrive $0xFFFF  }
0xc7: {  	p0 =	sne.s32 s0, $0x0;
	s0 =	rddreg [dreg:$0x3]  }
0xc8: {  	s0 =	sadd.s32 @!p0 $0x100000, s0  }
0xc9: {  	[sflag:s0] =	ssyncadd.tile.s32 @!p0 $0x1;
	_ =	shalt  }
.Lfunc_end2:
_tile_overlayer_lowered:
.L_overlay_start_2:
0xca: {  	(tag) =	ssettag $0x2  }
0xcb: {  	s0 =	rddreg [dreg:$0x0];
	s2 =	stileid.u32  }
0xcc: {  	s1 =	rddreg [dreg:$0x1];
	p0 =	sne.s32 s2, $0x0  }
0xcd: {  	s3 =	rddreg [dreg:$0x2];
	[bflag:$0x3] =	sbarrier.arrive $0xFFFF;
	s2 =	simm.s32 @!p0 $0x1C06  }
0xce: {  	[timem:s3], [sflag:s2] =	dma.local @!p0 [hbm:s0], s1  }
0xcf: {  	s0 =	simm.s32 @!p0 $0x6  }
0xd0: {  	_ =	swait.ge @!p0 [sflag:s0], s1  }
0xd1: {  	s1 =	ssub.s32 @!p0 $0x0, s1;
	[sflag:s0] =	ssyncset.done @!p0 $0x0  }
0xd2: {  	[sflag:s0] =	ssyncadd.s32 @!p0 s1  }
0xd3: {  	[bflag:$0x3] =	sbarrier.arrive $0xFFFF  }
0xd4: {  	_ =	shalt  }

// kernel: kernel.8.cloned.1.call-start
scs
__scs_entry_jumppad:
0x0: {  	(pc) =	sbr.rel $0x88, $3  }
0x1: {  	(tag) =	ssettag $0x0;
	lr =	simm.s32 $0x1  }
0x2: {  	[smem:$0x3F9B] =	sst lr;
	_ =	strace $0xD0000000  }
0x3: {  	_ = 	snop  }
0x4: {  	_ = 	snop  }
0x5: {  	_ = 	snop  }
0x6: {  	_ = 	snop  }
0x7: {  	_ = 	snop  }
__scs_overlays_trampoline_lowered:
0x8: {  	[smem:$0x3FAA] =	sst s0  }
0x9: {  	[smem:$0x3FAB] =	sst s1  }
0xa: {  	[smem:$0x3FAC] =	sst s2  }
0xb: {  	[smem:$0x3FAD] =	sst s3  }
0xc: {  	[smem:$0x3FAE] =	sst s4  }
0xd: {  	[smem:$0x3FAF] =	sst s5  }
0xe: {  	[smem:$0x3FB0] =	sst s6  }
0xf: {  	[smem:$0x3FB1] =	sst s7  }
0x10: {  	[smem:$0x3FB2] =	sst s8  }
0x11: {  	[smem:$0x3FB3] =	sst s9;
	s0 =	simm.s32 @!p0 $0x0  }
0x12: {  	s1 =	sld [smem:$0x3F99];
	s0 =	simm.s32 @p0 $0x1  }
0x13: {  	[smem:$0x3FB4] =	sst s0;
	s0 =	simm.s32 @!p1 $0x0  }
0x14: {  	s2 =	sld [smem:$0x3F98];
	s0 =	simm.s32 @p1 $0x1  }
0x15: {  	[smem:$0x3FB5] =	sst s0;
	s0 =	simm.s32 @!p2 $0x0  }
0x16: {  	s3 =	sld [smem:$0x3FDB];
	s0 =	simm.s32 @p2 $0x1  }
0x17: {  	s4 =	simm.s32 $0x1BF5;
	[smem:$0x3FB7] =	sst s0  }
0x18: {  	s0 =	sld [smem:$0x3F9A];
	_ =	swait.ge [sflag:s4], $0x0  }
0x19: {  	s7 =	sld [smem:$0x3F9B]  }
0x1a: {  	s8 =	sadd.s32 $0xFFFFE003, lr  }
0x1b: {  	s9 =	sadd.s32 $0xFFFFFEF7, lr;
	s5 =	simm.s32 $0xFFFFFFFF;
	p2 =	slt.u32 s8, $0xFFFFF086  }
0x1c: {  	p1 =	slt.u32 s9, $0xF7A;
	s5 =	simm.s32 @!p2 $0x0  }
0x1d: {  	s5 =	simm.s32 @p1 $0x1;
	p0 =	seq.s32 s7, s2  }
0x1e: {  	s7 =	smul.u32 @!p0 $0xF7A, s2;
	p2 =	seq.s32 @!p0 s5, $0x0  }
0x1f: {  	s9 =	smul.u32 $0xF7A, s1;
	s8 =	simm.s32 @!p0 $0x1BF5;
	p2 =	por !p2, p0  }
0x20: {  	[sflag:s8] =	ssyncset.s32 @!p0 $0xFFFFF086;
	s6 =	sadd.s32 @!p0 s3, s7;
	s7 =	simm.s32 @!p0 $0x108  }
0x21: {  	s3 =	sadd.s32 s3, s9;
	s6 =	sadd.s32 @!p0 $0x88, s6;
	s7 =	simm.s32 @p2 $0x1082  }
0x22: {  	[simem:s7], [sflag:s8] =	dma.local @!p0 [hbm:s6], $0xF7A  }
0x23: {  	s9 =	sor.u32 $0xD0000000, s2;
	s6 =	simm.s32 $0x108;
	_ =	swait.ge @!p0 [sflag:s8], $0x0  }
0x24: {  	s3 =	sadd.s32 $0x88, s3;
	s6 =	simm.s32 @!p1 $0x1082;
	[sflag:s4] =	ssyncset.s32 $0xFFFFF086  }
0x25: {  	[simem:s6], [sflag:s4] =	dma.local [hbm:s3], $0xF7A  }
0x26: {  	[smem:$0x3F9B] =	sst s1;
	(tag) =	ssettag s2;
	_ =	strace s9  }
0x27: {  	s1 =	sld [smem:$0x3FAB]  }
0x28: {  	s2 =	sld [smem:$0x3FAC]  }
0x29: {  	s4 =	sld [smem:$0x3FAE]  }
0x2a: {  	p0 =	seq.s32 s5, $0x0;
	s5 =	sld [smem:$0x3FAF]  }
0x2b: {  	s6 =	sld [smem:$0x3FB0]  }
0x2c: {  	s7 =	sld [smem:$0x3FB1]  }
0x2d: {  	s3 =	simm.s32 $0x108;
	s8 =	sld [smem:$0x3FB2]  }
0x2e: {  	s3 =	simm.s32 @!p0 $0x1082;
	s9 =	sld [smem:$0x3FB3]  }
0x2f: {  	lr =	sadd.s32 s0, s3;
	s0 =	sld [smem:$0x3FAA]  }
0x30: {  	s3 =	sld [smem:$0x3FAD]  }
0x31: {  	[smem:$0x3FB6] =	sst s10  }
0x32: {  	s10 =	sld [smem:$0x3FB4];
	_ =	sdelay $0x3  }
0x33: {  	p0 =	seq.s32 s10, $0x1;
	s10 =	sld [smem:$0x3FB6];
	_ =	sdelay $0x3  }
0x34: {  	[smem:$0x3FB6] =	sst s10  }
0x35: {  	s10 =	sld [smem:$0x3FB5];
	_ =	sdelay $0x3  }
0x36: {  	p1 =	seq.s32 s10, $0x1;
	s10 =	sld [smem:$0x3FB6];
	_ =	sdelay $0x3  }
0x37: {  	[smem:$0x3FB6] =	sst s10  }
0x38: {  	s10 =	sld [smem:$0x3FB7]  }
0x39: {  	_ = 	snop;
	(pc) =	sbr.ind lr, $3  }
0x3a: {  	_ = 	snop  }
0x3b: {  	_ = 	snop  }
0x3c: {  	p2 =	seq.s32 s10, $0x1;
	s10 =	sld [smem:$0x3FB6]  }
0x3d: {  	_ =	shalt  }
0x3e: {  	_ =	shalt  }
0x3f: {  	_ =	shalt  }
0x40: {  	_ =	shalt  }
0x41: {  	_ =	shalt  }
0x42: {  	_ =	shalt  }
0x43: {  	_ =	shalt  }
0x44: {  	_ =	shalt  }
0x45: {  	_ =	shalt  }
0x46: {  	_ =	shalt  }
0x47: {  	_ =	shalt  }
0x48: {  	_ =	shalt  }
0x49: {  	_ =	shalt  }
0x4a: {  	_ =	shalt  }
0x4b: {  	_ =	shalt  }
0x4c: {  	_ =	shalt  }
0x4d: {  	_ =	shalt  }
0x4e: {  	_ =	shalt  }
0x4f: {  	_ =	shalt  }
0x50: {  	_ =	shalt  }
0x51: {  	_ =	shalt  }
0x52: {  	_ =	shalt  }
0x53: {  	_ =	shalt  }
0x54: {  	_ =	shalt  }
0x55: {  	_ =	shalt  }
0x56: {  	_ =	shalt  }
0x57: {  	_ =	shalt  }
0x58: {  	_ =	shalt  }
0x59: {  	_ =	shalt  }
0x5a: {  	_ =	shalt  }
0x5b: {  	_ =	shalt  }
0x5c: {  	_ =	shalt  }
0x5d: {  	_ =	shalt  }
0x5e: {  	_ =	shalt  }
0x5f: {  	_ =	shalt  }
0x60: {  	_ =	shalt  }
0x61: {  	_ =	shalt  }
0x62: {  	_ =	shalt  }
0x63: {  	_ =	shalt  }
0x64: {  	_ =	shalt  }
0x65: {  	_ =	shalt  }
0x66: {  	_ =	shalt  }
0x67: {  	_ =	shalt  }
0x68: {  	_ =	shalt  }
0x69: {  	_ =	shalt  }
0x6a: {  	_ =	shalt  }
0x6b: {  	_ =	shalt  }
0x6c: {  	_ =	shalt  }
0x6d: {  	_ =	shalt  }
0x6e: {  	_ =	shalt  }
0x6f: {  	_ =	shalt  }
0x70: {  	_ =	shalt  }
0x71: {  	_ =	shalt  }
0x72: {  	_ =	shalt  }
0x73: {  	_ =	shalt  }
0x74: {  	_ =	shalt  }
0x75: {  	_ =	shalt  }
0x76: {  	_ =	shalt  }
0x77: {  	_ =	shalt  }
0x78: {  	_ =	shalt  }
0x79: {  	_ =	shalt  }
0x7a: {  	_ =	shalt  }
0x7b: {  	_ =	shalt  }
0x7c: {  	_ =	shalt  }
0x7d: {  	_ =	shalt  }
0x7e: {  	_ =	shalt  }
0x7f: {  	_ =	shalt  }
0x80: {  	_ =	shalt  }
0x81: {  	_ =	shalt  }
0x82: {  	_ =	shalt  }
0x83: {  	_ =	shalt  }
0x84: {  	_ =	shalt  }
0x85: {  	_ =	shalt  }
0x86: {  	_ =	shalt  }
0x87: {  	_ =	shalt  }
.Lfunc_end0:
.L_simem_size_0:
called_computation_lowered:
.L_overlay_start_0:
0x88: {  	s2 =	sld [smem:$0x3FD9]  }
0x89: {  	s3 =	sld [smem:$0x3FFE];
	_ =	sdelay $0x1  }
0x8a: {  	s1 =	srdreg.scid  }
0x8b: {  	s0 =	sand.u32 $0x1, s1  }
0x8c: {  	s17 =	sshll.u32 s0, $0xA;
	s2 =	sadd.s32 s3, s2  }
0x8d: {  	s2 =	sadd.s32 s2, s17  }
0x8e: {  	[smem:$0x3FC2] =	sst s2  }
0x8f: {  	_ = 	snop  }
0x90: {  	s2 =	sld [smem:$0x3FD0];
	(tm) =	ssettm $0x1  }
0x91: {  	s18 =	sld [smem:$0x3FFB];
	_ =	sdelay $0x3  }
0x92: {  	_ =	strace s18  }
0x93: {  	s3 =	sld [smem:$0x3FFC];
	_ =	sdelay $0x3  }
0x94: {  	_ =	strace s3  }
0x95: {  	s3 =	sld [smem:$0x3FFD];
	_ =	sdelay $0x3  }
0x96: {  	_ =	strace s3  }
0x97: {  	_ =	strace $0x8FFFFFFF  }
0x98: {  	s19 =	sld [smem:$0x3FDB];
	_ =	sdelay $0x1  }
0x99: {  	s4 =	simm.s32 $_scs_section_size  }
0x9a: {  	s5 =	simm.s32 $_size__tile_overlayer_lowered;
	s6 =	simm.s32 $_tile_overlayer_lowered  }
0x9b: {  	s22 =	simm.s32 $0x1BFF;
	s21 =	sshll.u32 s6, $0x1;
	s3 =	sadd.s32 s4, s19  }
0x9c: {  	s7 =	simm.s32 $0x0;
	s20 =	sshll.u32 s5, $0x1;
	s5 =	sadd.s32 s21, s3  }
0x9d: {  	[timem:s7], [sflag:s22] =	dma.local [hbm:s5], s20  }
0x9e: {  	_ =	swait.ge [sflag:s22], s20  }
0x9f: {  	s4 =	ssub.s32 $0x0, s20;
	[sflag:s22] =	ssyncset.done $0x0  }
0xa0: {  	[sflag:s22] =	ssyncadd.s32 s4;
	_ =	sdelay $0x1  }
0xa1: {  	s23 =	simm.s32 $0x1B8B  }
0xa2: {  	_ =	swait.ge [sflag:s23], $0x1  }
0xa3: {  	[sflag:s23] =	ssyncset.done $0x0  }
0xa4: {  	s25 =	simm.s32 $0x1B8E;
	s24 =	sld [smem:$0x3FFE];
	[sflag:s23] =	ssyncadd.s32 $0xFFFFFFFF  }
0xa5: {  	s26 =	simm.s32 $execute0_lowered;
	[smem:$0x3FD2] =	sst s25  }
0xa6: {  	s5 =	sshll.u32 s26, $0x1;
	_ =	strace $0x80000046;
	[dreg:$0x1] =	wrdreg $0xFFFFFFFF  }
0xa7: {  	s28 =	simm.s32 $_size_execute0_lowered;
	s3 =	sadd.s32 s3, s5;
	[dreg:$0x0] =	wrdreg $0x0  }
0xa8: {  	s5 =	sshll.u32 s28, $0x1;
	[dreg:$0x2] =	wrdreg s3  }
0xa9: {  	[dreg:$0x3] =	wrdreg s5  }
0xaa: {  	[dreg:$0x4] =	wrdreg $0xC0  }
0xab: {  	_ =	task [dreg:s7], $0x5FFFF  }
0xac: {  	[dreg:$0x1] =	wrdreg $0xFFFFFFFF  }
0xad: {  	[dreg:$0x0] =	wrdreg $0x60  }
0xae: {  	[dreg:$0x2] =	wrdreg s2  }
0xaf: {  	[dreg:$0x3] =	wrdreg s24  }
0xb0: {  	[dreg:$0x4] =	wrdreg $0x34100  }
0xb1: {  	[dreg:$0x5] =	wrdreg $0x9  }
0xb2: {  	_ =	task.clear_ibuf [dreg:s7], $0x6FFFF;
	_ =	strace $0x90000046  }
0xb3: {  	s29 =	simm.s32 $0x9;
	_ =	strace $0x80000048  }
0xb4: {  	_ =	swait.ge [sflag:s29], $0x1  }
0xb5: {  	[sflag:s29] =	ssyncadd.s32 $0xFFFFFFFF  }
0xb6: {  	_ =	strace $0x90000048  }
0xb7: {  	_ =	sfence  }
0xb8: {  	s30 =	sld [smem:$0x0];
	_ =	sdelay $0x2  }
0xb9: {  	s31 =	sshll.u32 s1, $0xD;
	s1 =	sshrl.u32 s1, $0x2  }
0xba: {  	s3 =	sand.u32 $0x4000, s31;
	s1 =	sadd.s32 s1, s30  }
0xbb: {  	s0 =	sor.u32 s3, s0;
	s1 =	sshll.u32 s1, $0x11  }
0xbc: {  	s0 =	sor.u32 s1, s0  }
0xbd: {  	s0 =	sadd.s32 $0x8F2B, s0  }
0xbe: {  	[sflag:s0] =	ssyncadd.remote.s32 $0x1  }
0xbf: {  	_ =	sfence.sel $0xFFFF  }
0xc0: {  	[dreg:$0x0] =	wrdreg $0xFFFFFFFF;
	(pc) =	sbr.abs _section_cstart, $3  }
0xc1: {  	[dreg:$0x1] =	wrdreg $0xFFFFFFFF  }
0xc2: {  	_ =	task.clear_ibuf [dreg:s7], $0x2FFFF;
	_ =	strace $0x9FFFFFFF  }
0xc3: {  	(tm) =	ssettm $0x7FFFFFFF  }
tec
execute0_lowered:
.L_overlay_start_1:
0x0: {  	(tag) =	ssettag $0x1  }
0x1: {  	s4 =	rddreg [dreg:$0x0]  }
0x2: {  	s5 =	rddreg [dreg:$0x1]  }
0x3: {  	s1 =	rddreg [dreg:$0x2]  }
0x4: {  	s2 =	srdreg.scid;
	s0 =	rddreg [dreg:$0x3]  }
0x5: {  	s3 =	simm.s32 $0x0;
	s15 =	simm.s32 $0x50;
	s16 =	simm.s32 $0x2F10  }
0x6: {  	s19 =	simm.s32 $0x0;
	s6 =	sand.u32 $0x1, s2;
	s2 =	stileid.u32  }
0x7: {  	[smem:$0x7FF] =	sst s3;
	s11 =	sadd.s32 $0x2000, s5;
	s9 =	smul.u32 $0xA000, s2  }
0x8: {  	s17 =	sadd.s32 $0x25800, s1;
	s7 =	sshll.u32 s6, $0x4;
	s29 =	smul.u32 $0x2800, s2  }
0x9: {  	_ =	strace $0x80000047;
	s8 =	ssub.s32 $0x2, s6;
	s31 =	smul.u32 $0x27100, s6  }
0xa: {  	p0 =	seq.s32 s2, $0xF;
	s7 =	sor.u32 s2, s7;
	s26 =	sshrl.u32 s8, $0x1  }
0xb: {  	s18 =	sshll.u32 @!p0 s2, $0x6;
	s17 =	sshrl.u32 @p0 s17, $0x3;
	s7 =	smul.u32 $0x2710, s7  }
0xc: {  	s12 =	ssub.s32 s8, s26;
	s30 =	sshrl.u32 s9, $0x2;
	s5 =	sadd.s32 s29, s1  }
0xd: {  	s13 =	sadd.s32 s29, s31;
	s14 =	sshrl.u32 s31, $0x3;
	s18 =	sor.u32 @!p0 $0x1C01, s18  }
0xe: {  	s10 =	sadd.s32 s30, s1;
	s13 =	sshrl.u32 s13, $0x3;
	s12 =	smax.u32 s12, $0x1  }
0xf: {  	s28 =	sshrl.u32 s7, $0x3;
	s6 =	sadd.s32 $0x800, s10;
	s7 =	sadd.s32 $0x1000, s10  }
0x10: {  	s8 =	sadd.s32 $0x1800, s10;
	s9 =	sadd.s32 $0x2000, s10;
	s10 =	sadd.s32 s11, s13  }
0x11: {  	s11 =	sadd.s32 s11, s14;
	s13 =	simm.s32 $0x1;
	s4 =	sadd.s32 s4, s28  }
0x12: {  	v0 =	vimm.f32 $0.0e+00;
	v1 =	vimm.f32 $1.000000000e+00;
	s14 =	simm.s32 $0x2710;
	s11 =	sadd.s32 $0x4B00, s11;
	s4 =	sadd.s32 $0x9C40, s4  }
.LBB2_1:
0x13: {  	[tilespmem:s3], [sflag:$0x1] =	stream.linear.gather [hbm4b:s4+s3], $0x2710, $0x38;
	[tilespmem:$0x5C10] =	vst v63  }
0x14: {  	_ =	swait.ge [sflag:s13], $0x2710  }
0x15: {  	[sflag:s13] =	ssyncset.done $0x0  }
0x16: {  	s20 =	simm.s32 $0x0;
	[sflag:s13] =	ssyncadd.s32 $0xFFFFD8F0  }
.LBB2_2:
0x17: {  	p1 =	sne.s32 s20, $0x1FC0  }
.Ltmp0:
0x18: {  	_ = 	snop;
	(pc) =	sbr.rel @p1 .LBB2_2-.Ltmp0, $3  }
0x19: {  	_ =	sdelay $0x1  }
0x1a: {  	s21 =	sshra.s32 s20, $0x2  }
0x1b: {  	s20 =	sadd.s32 $0x40, s20;
	[tilespmem:s21+$0x2710] =	vst v0  }
0x1c: {  	s20 =	simm.s32 $0x40;
	s21 =	simm.s32 $0x0  }
.LBB2_4:
0x1d: {  	p1 =	sne.s32 s20, $0x13C0;
	[tilespmem:s21+$0x2F10] =	vst v1;
	s21 =	smov.u32 s20;
	s20 =	sadd.s32 $0x40, s20  }
.Ltmp1:
0x1e: {  	(pc) =	sbr.rel @p1 .LBB2_4-.Ltmp1, $2  }
0x1f: {  	_ =	sdelay $0x2  }
0x20: {  	s21 =	sshra.s32 s21, $0x2  }
0x21: {  	[tilespmem:s21+$0x2F10] =	vst v1  }
0x22: {  	[spmem:s5] =	stream.linear.scatter [tilespmem:s14], [sflag:$0x1], $0x800, $0x38;
	[tilespmem:$0x5C10] =	vst v63  }
0x23: {  	_ =	swait.ge [sflag:s13], $0x800  }
0x24: {  	[sflag:s13] =	ssyncset.done $0x0  }
0x25: {  	[sflag:s13] =	ssyncadd.s32 $0xFFFFF800  }
0x26: {  	[spmem:s6] =	stream.linear.scatter [tilespmem:s14], [sflag:$0x1], $0x800, $0x38;
	[tilespmem:$0x5C10] =	vst v63  }
0x27: {  	_ =	swait.ge [sflag:s13], $0x800  }
0x28: {  	[sflag:s13] =	ssyncset.done $0x0  }
0x29: {  	[sflag:s13] =	ssyncadd.s32 $0xFFFFF800  }
0x2a: {  	[spmem:s7] =	stream.linear.scatter [tilespmem:s14], [sflag:$0x1], $0x800, $0x38;
	[tilespmem:$0x5C10] =	vst v63  }
0x2b: {  	_ =	swait.ge [sflag:s13], $0x800  }
0x2c: {  	[sflag:s13] =	ssyncset.done $0x0  }
0x2d: {  	[sflag:s13] =	ssyncadd.s32 $0xFFFFF800  }
0x2e: {  	[spmem:s8] =	stream.linear.scatter [tilespmem:s14], [sflag:$0x1], $0x800, $0x38;
	[tilespmem:$0x5C10] =	vst v63  }
0x2f: {  	_ =	swait.ge [sflag:s13], $0x800  }
0x30: {  	[sflag:s13] =	ssyncset.done $0x0  }
0x31: {  	[sflag:s13] =	ssyncadd.s32 $0xFFFFF800  }
0x32: {  	[spmem:s9] =	stream.linear.scatter [tilespmem:s14], [sflag:$0x1], $0x800, $0x38;
	[tilespmem:$0x5C10] =	vst v63  }
0x33: {  	_ =	swait.ge [sflag:s13], $0x800  }
0x34: {  	[sflag:s13] =	ssyncset.done $0x0  }
0x35: {  	[sflag:s13] =	ssyncadd.s32 $0xFFFFF800  }
0x36: {  	s20 =	simm.s32 $0x0;
	[bflag:$0x0] =	sbarrier.arrive $0xFFFF  }
0x37: {  	[spmem:s1] =	stream.indirect.scatter.add.f32 [tilespmem:s16], [sflag:$0x1], $0x10, s20, s15, $0xb8;
	[tilespmem:$0x5C10] =	vst v63  }
0x38: {  	_ =	swait.ge [sflag:s13], $0x500  }
0x39: {  	s20 =	simm.s32 $0x140;
	[sflag:s13] =	ssyncset.done $0x0  }
.LBB2_6:
0x3a: {  	s21 =	sshra.s32 s20, $0x2;
	[sflag:s13] =	ssyncadd.s32 $0xFFFFFB00;
	p1 =	sne.s32 s20, $0x9B00  }
0x3b: {  	[spmem:s1] =	stream.indirect.scatter.add.f32 [tilespmem:s16], [sflag:$0x1], $0x10, s21, s15, $0xb8;
	[tilespmem:$0x5C10] =	vst v63  }
.Ltmp2:
0x3c: {  	_ = 	snop;
	(pc) =	sbr.rel @p1 .LBB2_6-.Ltmp2, $4  }
0x3d: {  	_ = 	snop  }
0x3e: {  	s20 =	sadd.s32 $0x140, s20  }
0x3f: {  	_ =	swait.ge [sflag:s13], $0x500  }
0x40: {  	[sflag:s13] =	ssyncset.done $0x0  }
0x41: {  	[sflag:s13] =	ssyncadd.s32 $0xFFFFFB00  }
0x42: {  	s20 =	simm.s32 @p0 $0x1FC1;
	[bflag:$0x0] =	sbarrier.arrive $0xFFFF  }
0x43: {  	[hbm:s11], [sflag:s20] =	dma.local @p0 [spmem:s17], $0x320  }
0x44: {  	s20 =	simm.s32 @p0 $0x1  }
0x45: {  	_ =	swait.ge @p0 [sflag:s20], $0x320  }
0x46: {  	s19 =	sadd.s32 $0x1, s19;
	[sflag:s20] =	ssyncset.done @p0 $0x0  }
0x47: {  	p1 =	sne.s32 s19, s12;
	[sflag:s20] =	ssyncadd.s32 @p0 $0xFFFFFCE0;
	s20 =	sshrl.u32 @!p0 s5, $0x3  }
0x48: {  	[hbm:s10], [sflag:s18] =	dma.local @!p0 [spmem:s20], $0x500  }
.Ltmp3:
0x49: {  	_ = 	snop;
	(pc) =	sbr.rel @p1 .LBB2_1-.Ltmp3, $4  }
0x4a: {  	s20 =	simm.s32 @!p0 $0x1  }
0x4b: {  	_ =	swait.ge @!p0 [sflag:s20], $0x500  }
0x4c: {  	[sflag:s20] =	ssyncset.done @!p0 $0x0  }
0x4d: {  	[sflag:s20] =	ssyncadd.s32 @!p0 $0xFFFFFB00  }
0x4e: {  	_ =	sfence.sel $0x180000  }
0x4f: {  	[bflag:$0x0] =	sbarrier.arrive $0xFFFF  }
0x50: {  	p0 =	sne.s32 s2, $0x0;
	_ =	strace $0x90000047  }
0x51: {  	s0 =	sadd.s32 @!p0 $0x100000, s0;
	[bflag:$0x2] =	sbarrier.arrive $0xFFFF  }
0x52: {  	[sflag:s0] =	ssyncadd.tile.s32 @!p0 $0x1;
	_ =	shalt  }
.Lfunc_end2:
_tile_overlayer_lowered:
.L_overlay_start_2:
0x53: {  	(tag) =	ssettag $0x2  }
0x54: {  	s0 =	rddreg [dreg:$0x0];
	s2 =	stileid.u32  }
0x55: {  	s1 =	rddreg [dreg:$0x1];
	p0 =	sne.s32 s2, $0x0  }
0x56: {  	s3 =	rddreg [dreg:$0x2];
	[bflag:$0x3] =	sbarrier.arrive $0xFFFF;
	s2 =	simm.s32 @!p0 $0x1C01  }
0x57: {  	[timem:s3], [sflag:s2] =	dma.local @!p0 [hbm:s0], s1  }
0x58: {  	s0 =	simm.s32 @!p0 $0x1  }
0x59: {  	_ =	swait.ge @!p0 [sflag:s0], s1  }
0x5a: {  	s1 =	ssub.s32 @!p0 $0x0, s1;
	[sflag:s0] =	ssyncset.done @!p0 $0x0  }
0x5b: {  	[sflag:s0] =	ssyncadd.s32 @!p0 s1  }
0x5c: {  	[bflag:$0x3] =	sbarrier.arrive $0xFFFF  }
0x5d: {  	_ =	shalt  }

</sc_bundles>
